<compile_context>
chip_gen: v7x
topology: tpu7x:2x2x1
jax: 0.10.2.dev20260603
libtpu: 0.0.44.dev20260713+nightly
codegen_flags: <defaults>
</compile_context>

<pallas_src>
import functools

import jax
import jax.numpy as jnp
from jax import lax
from jax.experimental import pallas as pl
from jax.experimental.pallas import tpu as pltpu
from jax.experimental.pallas import tpu_sc as plsc

NUM_CODEBOOKS = 4
CODEBOOK_SIZE = 8192
EMBED_DIM = 64
LANES = 16
CHUNK = 128
IDS_PER_CHUNK = CHUNK * NUM_CODEBOOKS


def _sc_kernel_body(rows_per_w, ids_hbm, tab_hbm, out_hbm,
                    idx_v, rows_v, out_v,
                    sem_i0, sem_i1, sem_g0, sem_g1, sem_o0, sem_o1):
    nc = plsc.get_sparse_core_info().num_cores
    wid = lax.axis_index("s") * nc + lax.axis_index("c")
    base0 = wid * rows_per_w
    chunk0 = base0 // CHUNK
    nch = rows_per_w // CHUNK
    sem_i = (sem_i0, sem_i1)
    sem_g = (sem_g0, sem_g1)
    sem_o = (sem_o0, sem_o1)

    def idx_copy(t, slot, sem):
        return pltpu.make_async_copy(
            ids_hbm.at[pl.ds((chunk0 + t) * IDS_PER_CHUNK, IDS_PER_CHUNK)],
            idx_v.at[slot], sem)

    def gather_copies(slot, sem):
        return [
            pltpu.make_async_copy(
                tab_hbm.at[i].at[idx_v.at[slot, pl.ds(i * CHUNK, CHUNK)]],
                rows_v.at[slot, i], sem)
            for i in range(NUM_CODEBOOKS)
        ]

    def out_copy(t, slot, sem):
        return pltpu.make_async_copy(
            out_v.at[slot],
            out_hbm.at[pl.ds((base0 + t * CHUNK) // 2, CHUNK // 2)],
            sem)

    def compute(slot):
        def red_body(r, carry):
            for h in range(2):
                for c in range(EMBED_DIM // LANES):
                    sl = pl.ds(c * LANES, LANES)
                    rr = 2 * r + h
                    acc = (rows_v[slot, 0, rr, sl]
                           + rows_v[slot, 1, rr, sl]) + (
                        rows_v[slot, 2, rr, sl] + rows_v[slot, 3, rr, sl])
                    out_v[slot, r, pl.ds(h * EMBED_DIM + c * LANES, LANES)] \
                        = acc * 0.25
            return carry

        lax.fori_loop(0, CHUNK // 2, red_body, 0, unroll=2)

    d = idx_copy(0, 0, sem_i[0])
    d.start()
    d.wait()
    for g in gather_copies(0, sem_g[0]):
        g.start()
    idx_copy(1, 1, sem_i[1]).start()

    def body2(gidx, carry):
        for b in (0, 1):
            t = gidx * 2 + b
            slot, nslot = b, 1 - b
            for g in gather_copies(slot, sem_g[slot]):
                g.wait()

            @pl.when(t + 2 < nch)
            def _():
                idx_copy(t + 2, slot, sem_i[slot]).start()

            @pl.when(t + 1 < nch)
            def _():
                idx_copy(t + 1, nslot, sem_i[nslot]).wait()
                for g in gather_copies(nslot, sem_g[nslot]):
                    g.start()

            @pl.when(t >= 2)
            def _():
                out_copy(t - 2, slot, sem_o[slot]).wait()

            compute(slot)
            out_copy(t, slot, sem_o[slot]).start()
        return carry

    lax.fori_loop(0, nch // 2, body2, 0)
    out_copy(nch - 2, 0, sem_o[0]).wait()
    out_copy(nch - 1, 1, sem_o[1]).wait()


@jax.jit
def kernel(semantic_ids, tables):
    b, s, k = semantic_ids.shape
    n = b * s
    d = tables.shape[-1]
    ids_flat = (semantic_ids.astype(jnp.int32)
                .reshape(n // CHUNK, CHUNK, k).transpose(0, 2, 1)
                .reshape(n * k))

    info = plsc.get_sparse_core_info()
    nw = info.num_cores * info.num_subcores
    rows_per_w = n // nw

    mesh = plsc.VectorSubcoreMesh(core_axis_name="c", subcore_axis_name="s")
    run = pl.kernel(
        functools.partial(_sc_kernel_body, rows_per_w),
        out_type=jax.ShapeDtypeStruct((n // 2, 2 * d), jnp.float32),
        mesh=mesh,
        compiler_params=pltpu.CompilerParams(use_tc_tiling_on_sc=False),
        scratch_types=[
            pltpu.VMEM((2, IDS_PER_CHUNK), jnp.int32),
            pltpu.VMEM((2, NUM_CODEBOOKS, CHUNK, EMBED_DIM), jnp.float32),
            pltpu.VMEM((2, CHUNK // 2, 2 * EMBED_DIM), jnp.float32),
            pltpu.SemaphoreType.DMA,
            pltpu.SemaphoreType.DMA,
            pltpu.SemaphoreType.DMA,
            pltpu.SemaphoreType.DMA,
            pltpu.SemaphoreType.DMA,
            pltpu.SemaphoreType.DMA,
        ],
    )
    out = run(ids_flat, tables)
    return out.reshape(b, s, d)

# --- scband reference (transcript-rebuilt; emitter-appended) ---
"""Pipeline reference for scband-semantic-embedding-7876970021567 (READ-ONLY COPY).

The authoritative reference and input builder live on the scoring server;
editing this copy changes nothing except your own understanding.
"""

import jax, jax.numpy as jnp
import numpy as np

NUM_CODEBOOKS = 4
CODEBOOK_SIZE = 8192
EMBED_DIM = 64
BATCH = 4096
SEQ_LEN = 200


def setup_inputs(seed: int = 0) -> dict:
    key = jax.random.key(seed)
    k_ids, k_tab = jax.random.split(key)
    semantic_ids = jax.random.randint(
        k_ids, (BATCH, SEQ_LEN, NUM_CODEBOOKS), 0, CODEBOOK_SIZE, dtype=jnp.int64
    ) if jax.config.jax_enable_x64 else jax.random.randint(
        k_ids, (BATCH, SEQ_LEN, NUM_CODEBOOKS), 0, CODEBOOK_SIZE, dtype=jnp.int32
    )
    tables = jax.random.normal(
        k_tab, (NUM_CODEBOOKS, CODEBOOK_SIZE, EMBED_DIM), dtype=jnp.float32
    )
    return {"semantic_ids": semantic_ids, "tables": tables}


def reference(semantic_ids, tables):
    # Faithful translation of SemanticEmbedding.forward:
    # sum of per-codebook embedding lookups, then mean over codebooks.
    num_codebooks = tables.shape[0]
    embeddings = jnp.zeros(
        semantic_ids.shape[:-1] + (tables.shape[-1],), dtype=tables.dtype
    )
    for i in range(num_codebooks):
        embeddings = embeddings + jnp.take(tables[i], semantic_ids[..., i], axis=0)
    return embeddings / num_codebooks

if __name__ == "__main__":
    import jax
    _d = setup_inputs()
    print(jax.jit(kernel)(*tuple(_d.values())))

</pallas_src>

<mosaic_0001>
#map = affine_map<(d0, d1) -> (0)>
#map1 = affine_map<(d0, d1) -> (0, 0, 0)>
#map2 = affine_map<(d0, d1) -> (0, 0)>
module attributes {stable_mosaic.version = 14 : i64} {
  func.func @_sc_kernel_body(%arg0: i32, %arg1: i32, %arg2: memref<3276800xi32, #tpu.memory_space<hbm>>, %arg3: memref<4x8192x64xf32, #tpu.memory_space<hbm>>, %arg4: memref<409600x128xf32, #tpu.memory_space<hbm>>, %arg5: memref<2x512xi32, #tpu.memory_space<vmem>>, %arg6: memref<2x4x128x64xf32, #tpu.memory_space<vmem>>, %arg7: memref<2x64x128xf32, #tpu.memory_space<vmem>>, %arg8: memref<!tpu.dma_semaphore, #tpu.memory_space<semaphore_mem>>, %arg9: memref<!tpu.dma_semaphore, #tpu.memory_space<semaphore_mem>>, %arg10: memref<!tpu.dma_semaphore, #tpu.memory_space<semaphore_mem>>, %arg11: memref<!tpu.dma_semaphore, #tpu.memory_space<semaphore_mem>>, %arg12: memref<!tpu.dma_semaphore, #tpu.memory_space<semaphore_mem>>, %arg13: memref<!tpu.dma_semaphore, #tpu.memory_space<semaphore_mem>>) attributes {dimension_semantics = [#tpu.dimension_semantics<core_parallel>, #tpu.dimension_semantics<subcore_parallel>], iteration_bounds = array<i64: 2, 16>, scalar_prefetch = 0 : i64, scratch_operands = 9 : i64, tpu.core_type = #tpu.core_type<sc_vector_subcore>, window_params = [{transform_indices = #map}, {transform_indices = #map1}, {transform_indices = #map2}]} {
    %mul3A = arith.constant 2 : i32
    %mul3A_0 = arith.muli %arg1, %mul3A : i32
    %add3A = arith.addi %mul3A_0, %arg0 : i32
    %mul3A_1 = arith.constant 25600 : i32
    %mul3A_2 = arith.muli %add3A, %mul3A_1 : i32
    %jit3A = arith.constant 128 : i32
    %div3A = arith.divsi %mul3A_2, %jit3A : i32
    %sign3A = arith.constant 0 : i32
    %sign3A_3 = arith.cmpi sgt, %mul3A_2, %sign3A : i32
    %sign3A_4 = arith.extui %sign3A_3 : i1 to i32
    %sign3A_5 = arith.constant 0 : i32
    %sign3A_6 = arith.cmpi slt, %mul3A_2, %sign3A_5 : i32
    %sign3A_7 = arith.extui %sign3A_6 : i1 to i32
    %sign3A_8 = arith.subi %sign3A_4, %sign3A_7 : i32
    %sign3A_9 = arith.constant 0 : i32
    %sign3A_10 = arith.cmpi sgt, %jit3A, %sign3A_9 : i32
    %sign3A_11 = arith.extui %sign3A_10 : i1 to i32
    %sign3A_12 = arith.constant 0 : i32
    %sign3A_13 = arith.cmpi slt, %jit3A, %sign3A_12 : i32
    %sign3A_14 = arith.extui %sign3A_13 : i1 to i32
    %sign3A_15 = arith.subi %sign3A_11, %sign3A_14 : i32
    %ne3A = arith.cmpi ne, %sign3A_8, %sign3A_15 : i32
    %rem3A = arith.remsi %mul3A_2, %jit3A : i32
    %ne3A_16 = arith.constant 0 : i32
    %ne3A_17 = arith.cmpi ne, %rem3A, %ne3A_16 : i32
    %and3A = arith.andi %ne3A, %ne3A_17 : i1
    %sub3A = arith.constant 1 : i32
    %sub3A_18 = arith.subi %div3A, %sub3A : i32
    %select_n3A = arith.select %and3A, %sub3A_18, %div3A : i32
    %add3A_19 = arith.constant 0 : i32
    %add3A_20 = arith.addi %select_n3A, %add3A_19 : i32
    %mul3A_21 = arith.constant 512 : i32
    %mul3A_22 = arith.muli %add3A_20, %mul3A_21 : i32
    %dma_start3A = arith.constant 0 : i32
    %dma_start3A_23 = arith.constant 0 : i32
    %dma_start3A_24 = tpu.memref_slice %arg5[%dma_start3A, %dma_start3A_23] : memref<2x512xi32, #tpu.memory_space<vmem>> -> memref<1x512xi32, #tpu.memory_space<vmem>>
    %dma_start3A_25 = tpu.memref_squeeze %dma_start3A_24 : memref<1x512xi32, #tpu.memory_space<vmem>> -> memref<512xi32, #tpu.memory_space<vmem>>
    %dma_start3A_26 = tpu.memref_slice %arg2[%mul3A_22] : memref<3276800xi32, #tpu.memory_space<hbm>> -> memref<512xi32, #tpu.memory_space<hbm>>
    %dma_start3A_27 = arith.constant 0 : i32
    %dma_start3A_28 = tpu.memref_slice %arg5[%dma_start3A, %dma_start3A_27] : memref<2x512xi32, #tpu.memory_space<vmem>> -> memref<1x512xi32, #tpu.memory_space<vmem>>
    %dma_start3A_29 = tpu.memref_squeeze %dma_start3A_28 : memref<1x512xi32, #tpu.memory_space<vmem>> -> memref<512xi32, #tpu.memory_space<vmem>>
    %dma_start3A_30 = tpu.memref_slice %arg2[%mul3A_22] : memref<3276800xi32, #tpu.memory_space<hbm>> -> memref<512xi32, #tpu.memory_space<hbm>>
    tpu.enqueue_dma source(%dma_start3A_30 : memref<512xi32, #tpu.memory_space<hbm>>) target(%dma_start3A_29 : memref<512xi32, #tpu.memory_space<vmem>>) target_semaphore(%arg8 : memref<!tpu.dma_semaphore, #tpu.memory_space<semaphore_mem>>)
    %dma_wait3A = arith.constant 0 : i32
    %dma_wait3A_31 = arith.constant 0 : i32
    %dma_wait3A_32 = tpu.memref_slice %arg5[%dma_wait3A, %dma_wait3A_31] : memref<2x512xi32, #tpu.memory_space<vmem>> -> memref<1x512xi32, #tpu.memory_space<vmem>>
    %dma_wait3A_33 = tpu.memref_squeeze %dma_wait3A_32 : memref<1x512xi32, #tpu.memory_space<vmem>> -> memref<512xi32, #tpu.memory_space<vmem>>
    %dma_wait3A_34 = tpu.memref_slice %arg2[%mul3A_22] : memref<3276800xi32, #tpu.memory_space<hbm>> -> memref<512xi32, #tpu.memory_space<hbm>>
    %dma_wait3A_35 = arith.constant 0 : i32
    %dma_wait3A_36 = tpu.memref_slice %arg5[%dma_wait3A, %dma_wait3A_35] : memref<2x512xi32, #tpu.memory_space<vmem>> -> memref<1x512xi32, #tpu.memory_space<vmem>>
    %dma_wait3A_37 = tpu.memref_squeeze %dma_wait3A_36 : memref<1x512xi32, #tpu.memory_space<vmem>> -> memref<512xi32, #tpu.memory_space<vmem>>
    %dma_wait3A_38 = tpu.memref_slice %arg2[%mul3A_22] : memref<3276800xi32, #tpu.memory_space<hbm>> -> memref<512xi32, #tpu.memory_space<hbm>>
    tpu.wait_dma2 semaphore(%arg8 : memref<!tpu.dma_semaphore, #tpu.memory_space<semaphore_mem>>) src(%dma_wait3A_38 : memref<512xi32, #tpu.memory_space<hbm>>) dst(%dma_wait3A_37 : memref<512xi32, #tpu.memory_space<vmem>>)
    %dma_start3A_39 = arith.constant 0 : i32
    %dma_start3A_40 = arith.constant 0 : i32
    %dma_start3A_41 = arith.constant 0 : i32
    %dma_start3A_42 = arith.constant 0 : i32
    %dma_start3A_43 = arith.constant 0 : i32
    %dma_start3A_44 = arith.constant 0 : i32
    %dma_start3A_45 = tpu.memref_slice %arg6[%dma_start3A_41, %dma_start3A_42, %dma_start3A_43, %dma_start3A_44] : memref<2x4x128x64xf32, #tpu.memory_space<vmem>> -> memref<1x1x128x64xf32, #tpu.memory_space<vmem>>
    %dma_start3A_46 = tpu.memref_squeeze %dma_start3A_45 : memref<1x1x128x64xf32, #tpu.memory_space<vmem>> -> memref<128x64xf32, #tpu.memory_space<vmem>>
    %dma_start3A_47 = arith.constant 0 : i32
    %dma_start3A_48 = tpu.memref_slice %arg5[%dma_start3A_40, %dma_start3A_47] : memref<2x512xi32, #tpu.memory_space<vmem>> -> memref<1x128xi32, #tpu.memory_space<vmem>>
    %dma_start3A_49 = tpu.memref_squeeze %dma_start3A_48 : memref<1x128xi32, #tpu.memory_space<vmem>> -> memref<128xi32, #tpu.memory_space<vmem>>
    %dma_start3A_50 = arith.constant 0 : i32
    %dma_start3A_51 = arith.constant 0 : i32
    %dma_start3A_52 = tpu.memref_slice %arg3[%dma_start3A_39, %dma_start3A_50, %dma_start3A_51] : memref<4x8192x64xf32, #tpu.memory_space<hbm>> -> memref<1x8192x64xf32, #tpu.memory_space<hbm>>
    %dma_start3A_53 = tpu.memref_squeeze %dma_start3A_52 : memref<1x8192x64xf32, #tpu.memory_space<hbm>> -> memref<8192x64xf32, #tpu.memory_space<hbm>>
    %dma_start3A_54 = arith.constant 0 : i32
    %dma_start3A_55 = arith.constant 0 : i32
    %dma_start3A_56 = tpu.memref_slice %dma_start3A_53[%dma_start3A_54, %dma_start3A_55] : memref<8192x64xf32, #tpu.memory_space<hbm>> -> memref<8192x64xf32, #tpu.memory_space<hbm>>
    tpu.enqueue_indirect_dma source(%dma_start3A_56 : memref<8192x64xf32, #tpu.memory_space<hbm>>) target(%dma_start3A_46 : memref<128x64xf32, #tpu.memory_space<vmem>>) offsets(%dma_start3A_49 : memref<128xi32, #tpu.memory_space<vmem>>) semaphore(%arg10 : memref<!tpu.dma_semaphore, #tpu.memory_space<semaphore_mem>>)
    %dma_start3A_57 = arith.constant 1 : i32
    %dma_start3A_58 = arith.constant 0 : i32
    %dma_start3A_59 = arith.constant 0 : i32
    %dma_start3A_60 = arith.constant 1 : i32
    %dma_start3A_61 = arith.constant 0 : i32
    %dma_start3A_62 = arith.constant 0 : i32
    %dma_start3A_63 = tpu.memref_slice %arg6[%dma_start3A_59, %dma_start3A_60, %dma_start3A_61, %dma_start3A_62] : memref<2x4x128x64xf32, #tpu.memory_space<vmem>> -> memref<1x1x128x64xf32, #tpu.memory_space<vmem>>
    %dma_start3A_64 = tpu.memref_squeeze %dma_start3A_63 : memref<1x1x128x64xf32, #tpu.memory_space<vmem>> -> memref<128x64xf32, #tpu.memory_space<vmem>>
    %dma_start3A_65 = arith.constant 128 : i32
    %dma_start3A_66 = tpu.memref_slice %arg5[%dma_start3A_58, %dma_start3A_65] : memref<2x512xi32, #tpu.memory_space<vmem>> -> memref<1x128xi32, #tpu.memory_space<vmem>>
    %dma_start3A_67 = tpu.memref_squeeze %dma_start3A_66 : memref<1x128xi32, #tpu.memory_space<vmem>> -> memref<128xi32, #tpu.memory_space<vmem>>
    %dma_start3A_68 = arith.constant 0 : i32
    %dma_start3A_69 = arith.constant 0 : i32
    %dma_start3A_70 = tpu.memref_slice %arg3[%dma_start3A_57, %dma_start3A_68, %dma_start3A_69] : memref<4x8192x64xf32, #tpu.memory_space<hbm>> -> memref<1x8192x64xf32, #tpu.memory_space<hbm>>
    %dma_start3A_71 = tpu.memref_squeeze %dma_start3A_70 : memref<1x8192x64xf32, #tpu.memory_space<hbm>> -> memref<8192x64xf32, #tpu.memory_space<hbm>>
    %dma_start3A_72 = arith.constant 0 : i32
    %dma_start3A_73 = arith.constant 0 : i32
    %dma_start3A_74 = tpu.memref_slice %dma_start3A_71[%dma_start3A_72, %dma_start3A_73] : memref<8192x64xf32, #tpu.memory_space<hbm>> -> memref<8192x64xf32, #tpu.memory_space<hbm>>
    tpu.enqueue_indirect_dma source(%dma_start3A_74 : memref<8192x64xf32, #tpu.memory_space<hbm>>) target(%dma_start3A_64 : memref<128x64xf32, #tpu.memory_space<vmem>>) offsets(%dma_start3A_67 : memref<128xi32, #tpu.memory_space<vmem>>) semaphore(%arg10 : memref<!tpu.dma_semaphore, #tpu.memory_space<semaphore_mem>>)
    %dma_start3A_75 = arith.constant 2 : i32
    %dma_start3A_76 = arith.constant 0 : i32
    %dma_start3A_77 = arith.constant 0 : i32
    %dma_start3A_78 = arith.constant 2 : i32
    %dma_start3A_79 = arith.constant 0 : i32
    %dma_start3A_80 = arith.constant 0 : i32
    %dma_start3A_81 = tpu.memref_slice %arg6[%dma_start3A_77, %dma_start3A_78, %dma_start3A_79, %dma_start3A_80] : memref<2x4x128x64xf32, #tpu.memory_space<vmem>> -> memref<1x1x128x64xf32, #tpu.memory_space<vmem>>
    %dma_start3A_82 = tpu.memref_squeeze %dma_start3A_81 : memref<1x1x128x64xf32, #tpu.memory_space<vmem>> -> memref<128x64xf32, #tpu.memory_space<vmem>>
    %dma_start3A_83 = arith.constant 256 : i32
    %dma_start3A_84 = tpu.memref_slice %arg5[%dma_start3A_76, %dma_start3A_83] : memref<2x512xi32, #tpu.memory_space<vmem>> -> memref<1x128xi32, #tpu.memory_space<vmem>>
    %dma_start3A_85 = tpu.memref_squeeze %dma_start3A_84 : memref<1x128xi32, #tpu.memory_space<vmem>> -> memref<128xi32, #tpu.memory_space<vmem>>
    %dma_start3A_86 = arith.constant 0 : i32
    %dma_start3A_87 = arith.constant 0 : i32
    %dma_start3A_88 = tpu.memref_slice %arg3[%dma_start3A_75, %dma_start3A_86, %dma_start3A_87] : memref<4x8192x64xf32, #tpu.memory_space<hbm>> -> memref<1x8192x64xf32, #tpu.memory_space<hbm>>
    %dma_start3A_89 = tpu.memref_squeeze %dma_start3A_88 : memref<1x8192x64xf32, #tpu.memory_space<hbm>> -> memref<8192x64xf32, #tpu.memory_space<hbm>>
    %dma_start3A_90 = arith.constant 0 : i32
    %dma_start3A_91 = arith.constant 0 : i32
    %dma_start3A_92 = tpu.memref_slice %dma_start3A_89[%dma_start3A_90, %dma_start3A_91] : memref<8192x64xf32, #tpu.memory_space<hbm>> -> memref<8192x64xf32, #tpu.memory_space<hbm>>
    tpu.enqueue_indirect_dma source(%dma_start3A_92 : memref<8192x64xf32, #tpu.memory_space<hbm>>) target(%dma_start3A_82 : memref<128x64xf32, #tpu.memory_space<vmem>>) offsets(%dma_start3A_85 : memref<128xi32, #tpu.memory_space<vmem>>) semaphore(%arg10 : memref<!tpu.dma_semaphore, #tpu.memory_space<semaphore_mem>>)
    %dma_start3A_93 = arith.constant 3 : i32
    %dma_start3A_94 = arith.constant 0 : i32
    %dma_start3A_95 = arith.constant 0 : i32
    %dma_start3A_96 = arith.constant 3 : i32
    %dma_start3A_97 = arith.constant 0 : i32
    %dma_start3A_98 = arith.constant 0 : i32
    %dma_start3A_99 = tpu.memref_slice %arg6[%dma_start3A_95, %dma_start3A_96, %dma_start3A_97, %dma_start3A_98] : memref<2x4x128x64xf32, #tpu.memory_space<vmem>> -> memref<1x1x128x64xf32, #tpu.memory_space<vmem>>
    %dma_start3A_100 = tpu.memref_squeeze %dma_start3A_99 : memref<1x1x128x64xf32, #tpu.memory_space<vmem>> -> memref<128x64xf32, #tpu.memory_space<vmem>>
    %dma_start3A_101 = arith.constant 384 : i32
    %dma_start3A_102 = tpu.memref_slice %arg5[%dma_start3A_94, %dma_start3A_101] : memref<2x512xi32, #tpu.memory_space<vmem>> -> memref<1x128xi32, #tpu.memory_space<vmem>>
    %dma_start3A_103 = tpu.memref_squeeze %dma_start3A_102 : memref<1x128xi32, #tpu.memory_space<vmem>> -> memref<128xi32, #tpu.memory_space<vmem>>
    %dma_start3A_104 = arith.constant 0 : i32
    %dma_start3A_105 = arith.constant 0 : i32
    %dma_start3A_106 = tpu.memref_slice %arg3[%dma_start3A_93, %dma_start3A_104, %dma_start3A_105] : memref<4x8192x64xf32, #tpu.memory_space<hbm>> -> memref<1x8192x64xf32, #tpu.memory_space<hbm>>
    %dma_start3A_107 = tpu.memref_squeeze %dma_start3A_106 : memref<1x8192x64xf32, #tpu.memory_space<hbm>> -> memref<8192x64xf32, #tpu.memory_space<hbm>>
    %dma_start3A_108 = arith.constant 0 : i32
    %dma_start3A_109 = arith.constant 0 : i32
    %dma_start3A_110 = tpu.memref_slice %dma_start3A_107[%dma_start3A_108, %dma_start3A_109] : memref<8192x64xf32, #tpu.memory_space<hbm>> -> memref<8192x64xf32, #tpu.memory_space<hbm>>
    tpu.enqueue_indirect_dma source(%dma_start3A_110 : memref<8192x64xf32, #tpu.memory_space<hbm>>) target(%dma_start3A_100 : memref<128x64xf32, #tpu.memory_space<vmem>>) offsets(%dma_start3A_103 : memref<128xi32, #tpu.memory_space<vmem>>) semaphore(%arg10 : memref<!tpu.dma_semaphore, #tpu.memory_space<semaphore_mem>>)
    %add3A_111 = arith.constant 1 : i32
    %add3A_112 = arith.addi %select_n3A, %add3A_111 : i32
    %mul3A_113 = arith.constant 512 : i32
    %mul3A_114 = arith.muli %add3A_112, %mul3A_113 : i32
    %dma_start3A_115 = arith.constant 1 : i32
    %dma_start3A_116 = arith.constant 0 : i32
    %dma_start3A_117 = tpu.memref_slice %arg5[%dma_start3A_115, %dma_start3A_116] : memref<2x512xi32, #tpu.memory_space<vmem>> -> memref<1x512xi32, #tpu.memory_space<vmem>>
    %dma_start3A_118 = tpu.memref_squeeze %dma_start3A_117 : memref<1x512xi32, #tpu.memory_space<vmem>> -> memref<512xi32, #tpu.memory_space<vmem>>
    %dma_start3A_119 = tpu.memref_slice %arg2[%mul3A_114] : memref<3276800xi32, #tpu.memory_space<hbm>> -> memref<512xi32, #tpu.memory_space<hbm>>
    %dma_start3A_120 = arith.constant 0 : i32
    %dma_start3A_121 = tpu.memref_slice %arg5[%dma_start3A_115, %dma_start3A_120] : memref<2x512xi32, #tpu.memory_space<vmem>> -> memref<1x512xi32, #tpu.memory_space<vmem>>
    %dma_start3A_122 = tpu.memref_squeeze %dma_start3A_121 : memref<1x512xi32, #tpu.memory_space<vmem>> -> memref<512xi32, #tpu.memory_space<vmem>>
    %dma_start3A_123 = tpu.memref_slice %arg2[%mul3A_114] : memref<3276800xi32, #tpu.memory_space<hbm>> -> memref<512xi32, #tpu.memory_space<hbm>>
    tpu.enqueue_dma source(%dma_start3A_123 : memref<512xi32, #tpu.memory_space<hbm>>) target(%dma_start3A_122 : memref<512xi32, #tpu.memory_space<vmem>>) target_semaphore(%arg9 : memref<!tpu.dma_semaphore, #tpu.memory_space<semaphore_mem>>)
    %scan3A = arith.constant 0 : i32
    %scan3A_124 = arith.constant 0 : i32
    %scan3A_125 = arith.constant 100 : i32
    %scan3A_126 = arith.addi %scan3A_124, %scan3A_125 : i32
    %scan3A_127 = arith.constant 1 : i32
    scf.for %scan3A_207 = %scan3A_124 to %scan3A_126 step %scan3A_127  : i32 {
      %mul3A_208 = arith.constant 2 : i32
      %mul3A_209 = arith.muli %scan3A_207, %mul3A_208 : i32
      %add3A_210 = arith.constant 0 : i32
      %add3A_211 = arith.addi %mul3A_209, %add3A_210 : i32
      %dma_wait3A_212 = arith.constant 0 : i32
      %dma_wait3A_213 = arith.constant 0 : i32
      %dma_wait3A_214 = arith.constant 0 : i32
      %dma_wait3A_215 = arith.constant 0 : i32
      %dma_wait3A_216 = arith.constant 0 : i32
      %dma_wait3A_217 = arith.constant 0 : i32
      %dma_wait3A_218 = tpu.memref_slice %arg6[%dma_wait3A_214, %dma_wait3A_215, %dma_wait3A_216, %dma_wait3A_217] : memref<2x4x128x64xf32, #tpu.memory_space<vmem>> -> memref<1x1x128x64xf32, #tpu.memory_space<vmem>>
      %dma_wait3A_219 = tpu.memref_squeeze %dma_wait3A_218 : memref<1x1x128x64xf32, #tpu.memory_space<vmem>> -> memref<128x64xf32, #tpu.memory_space<vmem>>
      %dma_wait3A_220 = arith.constant 0 : i32
      %dma_wait3A_221 = tpu.memref_slice %arg5[%dma_wait3A_213, %dma_wait3A_220] : memref<2x512xi32, #tpu.memory_space<vmem>> -> memref<1x128xi32, #tpu.memory_space<vmem>>
      %dma_wait3A_222 = tpu.memref_squeeze %dma_wait3A_221 : memref<1x128xi32, #tpu.memory_space<vmem>> -> memref<128xi32, #tpu.memory_space<vmem>>
      %dma_wait3A_223 = arith.constant 0 : i32
      %dma_wait3A_224 = arith.constant 0 : i32
      %dma_wait3A_225 = tpu.memref_slice %arg3[%dma_wait3A_212, %dma_wait3A_223, %dma_wait3A_224] : memref<4x8192x64xf32, #tpu.memory_space<hbm>> -> memref<1x8192x64xf32, #tpu.memory_space<hbm>>
      %dma_wait3A_226 = tpu.memref_squeeze %dma_wait3A_225 : memref<1x8192x64xf32, #tpu.memory_space<hbm>> -> memref<8192x64xf32, #tpu.memory_space<hbm>>
      %dma_wait3A_227 = arith.constant 0 : i32
      %dma_wait3A_228 = arith.constant 0 : i32
      %dma_wait3A_229 = tpu.memref_slice %dma_wait3A_226[%dma_wait3A_227, %dma_wait3A_228] : memref<8192x64xf32, #tpu.memory_space<hbm>> -> memref<8192x64xf32, #tpu.memory_space<hbm>>
      tpu.wait_indirect_dma semaphore(%arg10 : memref<!tpu.dma_semaphore, #tpu.memory_space<semaphore_mem>>) src(%dma_wait3A_229 : memref<8192x64xf32, #tpu.memory_space<hbm>>) dst(%dma_wait3A_219 : memref<128x64xf32, #tpu.memory_space<vmem>>)
      %dma_wait3A_230 = arith.constant 1 : i32
      %dma_wait3A_231 = arith.constant 0 : i32
      %dma_wait3A_232 = arith.constant 0 : i32
      %dma_wait3A_233 = arith.constant 1 : i32
      %dma_wait3A_234 = arith.constant 0 : i32
      %dma_wait3A_235 = arith.constant 0 : i32
      %dma_wait3A_236 = tpu.memref_slice %arg6[%dma_wait3A_232, %dma_wait3A_233, %dma_wait3A_234, %dma_wait3A_235] : memref<2x4x128x64xf32, #tpu.memory_space<vmem>> -> memref<1x1x128x64xf32, #tpu.memory_space<vmem>>
      %dma_wait3A_237 = tpu.memref_squeeze %dma_wait3A_236 : memref<1x1x128x64xf32, #tpu.memory_space<vmem>> -> memref<128x64xf32, #tpu.memory_space<vmem>>
      %dma_wait3A_238 = arith.constant 128 : i32
      %dma_wait3A_239 = tpu.memref_slice %arg5[%dma_wait3A_231, %dma_wait3A_238] : memref<2x512xi32, #tpu.memory_space<vmem>> -> memref<1x128xi32, #tpu.memory_space<vmem>>
      %dma_wait3A_240 = tpu.memref_squeeze %dma_wait3A_239 : memref<1x128xi32, #tpu.memory_space<vmem>> -> memref<128xi32, #tpu.memory_space<vmem>>
      %dma_wait3A_241 = arith.constant 0 : i32
      %dma_wait3A_242 = arith.constant 0 : i32
      %dma_wait3A_243 = tpu.memref_slice %arg3[%dma_wait3A_230, %dma_wait3A_241, %dma_wait3A_242] : memref<4x8192x64xf32, #tpu.memory_space<hbm>> -> memref<1x8192x64xf32, #tpu.memory_space<hbm>>
      %dma_wait3A_244 = tpu.memref_squeeze %dma_wait3A_243 : memref<1x8192x64xf32, #tpu.memory_space<hbm>> -> memref<8192x64xf32, #tpu.memory_space<hbm>>
      %dma_wait3A_245 = arith.constant 0 : i32
      %dma_wait3A_246 = arith.constant 0 : i32
      %dma_wait3A_247 = tpu.memref_slice %dma_wait3A_244[%dma_wait3A_245, %dma_wait3A_246] : memref<8192x64xf32, #tpu.memory_space<hbm>> -> memref<8192x64xf32, #tpu.memory_space<hbm>>
      tpu.wait_indirect_dma semaphore(%arg10 : memref<!tpu.dma_semaphore, #tpu.memory_space<semaphore_mem>>) src(%dma_wait3A_247 : memref<8192x64xf32, #tpu.memory_space<hbm>>) dst(%dma_wait3A_237 : memref<128x64xf32, #tpu.memory_space<vmem>>)
      %dma_wait3A_248 = arith.constant 2 : i32
      %dma_wait3A_249 = arith.constant 0 : i32
      %dma_wait3A_250 = arith.constant 0 : i32
      %dma_wait3A_251 = arith.constant 2 : i32
      %dma_wait3A_252 = arith.constant 0 : i32
      %dma_wait3A_253 = arith.constant 0 : i32
      %dma_wait3A_254 = tpu.memref_slice %arg6[%dma_wait3A_250, %dma_wait3A_251, %dma_wait3A_252, %dma_wait3A_253] : memref<2x4x128x64xf32, #tpu.memory_space<vmem>> -> memref<1x1x128x64xf32, #tpu.memory_space<vmem>>
      %dma_wait3A_255 = tpu.memref_squeeze %dma_wait3A_254 : memref<1x1x128x64xf32, #tpu.memory_space<vmem>> -> memref<128x64xf32, #tpu.memory_space<vmem>>
      %dma_wait3A_256 = arith.constant 256 : i32
      %dma_wait3A_257 = tpu.memref_slice %arg5[%dma_wait3A_249, %dma_wait3A_256] : memref<2x512xi32, #tpu.memory_space<vmem>> -> memref<1x128xi32, #tpu.memory_space<vmem>>
      %dma_wait3A_258 = tpu.memref_squeeze %dma_wait3A_257 : memref<1x128xi32, #tpu.memory_space<vmem>> -> memref<128xi32, #tpu.memory_space<vmem>>
      %dma_wait3A_259 = arith.constant 0 : i32
      %dma_wait3A_260 = arith.constant 0 : i32
      %dma_wait3A_261 = tpu.memref_slice %arg3[%dma_wait3A_248, %dma_wait3A_259, %dma_wait3A_260] : memref<4x8192x64xf32, #tpu.memory_space<hbm>> -> memref<1x8192x64xf32, #tpu.memory_space<hbm>>
      %dma_wait3A_262 = tpu.memref_squeeze %dma_wait3A_261 : memref<1x8192x64xf32, #tpu.memory_space<hbm>> -> memref<8192x64xf32, #tpu.memory_space<hbm>>
      %dma_wait3A_263 = arith.constant 0 : i32
      %dma_wait3A_264 = arith.constant 0 : i32
      %dma_wait3A_265 = tpu.memref_slice %dma_wait3A_262[%dma_wait3A_263, %dma_wait3A_264] : memref<8192x64xf32, #tpu.memory_space<hbm>> -> memref<8192x64xf32, #tpu.memory_space<hbm>>
      tpu.wait_indirect_dma semaphore(%arg10 : memref<!tpu.dma_semaphore, #tpu.memory_space<semaphore_mem>>) src(%dma_wait3A_265 : memref<8192x64xf32, #tpu.memory_space<hbm>>) dst(%dma_wait3A_255 : memref<128x64xf32, #tpu.memory_space<vmem>>)
      %dma_wait3A_266 = arith.constant 3 : i32
      %dma_wait3A_267 = arith.constant 0 : i32
      %dma_wait3A_268 = arith.constant 0 : i32
      %dma_wait3A_269 = arith.constant 3 : i32
      %dma_wait3A_270 = arith.constant 0 : i32
      %dma_wait3A_271 = arith.constant 0 : i32
      %dma_wait3A_272 = tpu.memref_slice %arg6[%dma_wait3A_268, %dma_wait3A_269, %dma_wait3A_270, %dma_wait3A_271] : memref<2x4x128x64xf32, #tpu.memory_space<vmem>> -> memref<1x1x128x64xf32, #tpu.memory_space<vmem>>
      %dma_wait3A_273 = tpu.memref_squeeze %dma_wait3A_272 : memref<1x1x128x64xf32, #tpu.memory_space<vmem>> -> memref<128x64xf32, #tpu.memory_space<vmem>>
      %dma_wait3A_274 = arith.constant 384 : i32
      %dma_wait3A_275 = tpu.memref_slice %arg5[%dma_wait3A_267, %dma_wait3A_274] : memref<2x512xi32, #tpu.memory_space<vmem>> -> memref<1x128xi32, #tpu.memory_space<vmem>>
      %dma_wait3A_276 = tpu.memref_squeeze %dma_wait3A_275 : memref<1x128xi32, #tpu.memory_space<vmem>> -> memref<128xi32, #tpu.memory_space<vmem>>
      %dma_wait3A_277 = arith.constant 0 : i32
      %dma_wait3A_278 = arith.constant 0 : i32
      %dma_wait3A_279 = tpu.memref_slice %arg3[%dma_wait3A_266, %dma_wait3A_277, %dma_wait3A_278] : memref<4x8192x64xf32, #tpu.memory_space<hbm>> -> memref<1x8192x64xf32, #tpu.memory_space<hbm>>
      %dma_wait3A_280 = tpu.memref_squeeze %dma_wait3A_279 : memref<1x8192x64xf32, #tpu.memory_space<hbm>> -> memref<8192x64xf32, #tpu.memory_space<hbm>>
      %dma_wait3A_281 = arith.constant 0 : i32
      %dma_wait3A_282 = arith.constant 0 : i32
      %dma_wait3A_283 = tpu.memref_slice %dma_wait3A_280[%dma_wait3A_281, %dma_wait3A_282] : memref<8192x64xf32, #tpu.memory_space<hbm>> -> memref<8192x64xf32, #tpu.memory_space<hbm>>
      tpu.wait_indirect_dma semaphore(%arg10 : memref<!tpu.dma_semaphore, #tpu.memory_space<semaphore_mem>>) src(%dma_wait3A_283 : memref<8192x64xf32, #tpu.memory_space<hbm>>) dst(%dma_wait3A_273 : memref<128x64xf32, #tpu.memory_space<vmem>>)
      %add3A_284 = arith.constant 2 : i32
      %add3A_285 = arith.addi %add3A_211, %add3A_284 : i32
      %lt3A = arith.constant 200 : i32
      %lt3A_286 = arith.cmpi slt, %add3A_285, %lt3A : i32
      %convert_element_type3A = arith.extui %lt3A_286 : i1 to i32
      %cond3A = arith.constant 0 : i32
      %cond3A_287 = arith.cmpi ne, %convert_element_type3A, %cond3A : i32
      scf.if %cond3A_287 {
        %add3A_486 = arith.constant 2 : i32
        %add3A_487 = arith.addi %add3A_211, %add3A_486 : i32
        %add3A_488 = arith.addi %select_n3A, %add3A_487 : i32
        %mul3A_489 = arith.constant 512 : i32
        %mul3A_490 = arith.muli %add3A_488, %mul3A_489 : i32
        %dma_start3A_491 = arith.constant 0 : i32
        %dma_start3A_492 = arith.constant 0 : i32
        %dma_start3A_493 = tpu.memref_slice %arg5[%dma_start3A_491, %dma_start3A_492] : memref<2x512xi32, #tpu.memory_space<vmem>> -> memref<1x512xi32, #tpu.memory_space<vmem>>
        %dma_start3A_494 = tpu.memref_squeeze %dma_start3A_493 : memref<1x512xi32, #tpu.memory_space<vmem>> -> memref<512xi32, #tpu.memory_space<vmem>>
        %dma_start3A_495 = tpu.memref_slice %arg2[%mul3A_490] : memref<3276800xi32, #tpu.memory_space<hbm>> -> memref<512xi32, #tpu.memory_space<hbm>>
        %dma_start3A_496 = arith.constant 0 : i32
        %dma_start3A_497 = tpu.memref_slice %arg5[%dma_start3A_491, %dma_start3A_496] : memref<2x512xi32, #tpu.memory_space<vmem>> -> memref<1x512xi32, #tpu.memory_space<vmem>>
        %dma_start3A_498 = tpu.memref_squeeze %dma_start3A_497 : memref<1x512xi32, #tpu.memory_space<vmem>> -> memref<512xi32, #tpu.memory_space<vmem>>
        %dma_start3A_499 = tpu.memref_slice %arg2[%mul3A_490] : memref<3276800xi32, #tpu.memory_space<hbm>> -> memref<512xi32, #tpu.memory_space<hbm>>
        tpu.enqueue_dma source(%dma_start3A_499 : memref<512xi32, #tpu.memory_space<hbm>>) target(%dma_start3A_498 : memref<512xi32, #tpu.memory_space<vmem>>) target_semaphore(%arg8 : memref<!tpu.dma_semaphore, #tpu.memory_space<semaphore_mem>>)
      } else {
      }
      %add3A_288 = arith.constant 1 : i32
      %add3A_289 = arith.addi %add3A_211, %add3A_288 : i32
      %lt3A_290 = arith.constant 200 : i32
      %lt3A_291 = arith.cmpi slt, %add3A_289, %lt3A_290 : i32
      %convert_element_type3A_292 = arith.extui %lt3A_291 : i1 to i32
      %cond3A_293 = arith.constant 0 : i32
      %cond3A_294 = arith.cmpi ne, %convert_element_type3A_292, %cond3A_293 : i32
      scf.if %cond3A_294 {
        %add3A_486 = arith.constant 1 : i32
        %add3A_487 = arith.addi %add3A_211, %add3A_486 : i32
        %add3A_488 = arith.addi %select_n3A, %add3A_487 : i32
        %mul3A_489 = arith.constant 512 : i32
        %mul3A_490 = arith.muli %add3A_488, %mul3A_489 : i32
        %dma_wait3A_491 = arith.constant 1 : i32
        %dma_wait3A_492 = arith.constant 0 : i32
        %dma_wait3A_493 = tpu.memref_slice %arg5[%dma_wait3A_491, %dma_wait3A_492] : memref<2x512xi32, #tpu.memory_space<vmem>> -> memref<1x512xi32, #tpu.memory_space<vmem>>
        %dma_wait3A_494 = tpu.memref_squeeze %dma_wait3A_493 : memref<1x512xi32, #tpu.memory_space<vmem>> -> memref<512xi32, #tpu.memory_space<vmem>>
        %dma_wait3A_495 = tpu.memref_slice %arg2[%mul3A_490] : memref<3276800xi32, #tpu.memory_space<hbm>> -> memref<512xi32, #tpu.memory_space<hbm>>
        %dma_wait3A_496 = arith.constant 0 : i32
        %dma_wait3A_497 = tpu.memref_slice %arg5[%dma_wait3A_491, %dma_wait3A_496] : memref<2x512xi32, #tpu.memory_space<vmem>> -> memref<1x512xi32, #tpu.memory_space<vmem>>
        %dma_wait3A_498 = tpu.memref_squeeze %dma_wait3A_497 : memref<1x512xi32, #tpu.memory_space<vmem>> -> memref<512xi32, #tpu.memory_space<vmem>>
        %dma_wait3A_499 = tpu.memref_slice %arg2[%mul3A_490] : memref<3276800xi32, #tpu.memory_space<hbm>> -> memref<512xi32, #tpu.memory_space<hbm>>
        tpu.wait_dma2 semaphore(%arg9 : memref<!tpu.dma_semaphore, #tpu.memory_space<semaphore_mem>>) src(%dma_wait3A_499 : memref<512xi32, #tpu.memory_space<hbm>>) dst(%dma_wait3A_498 : memref<512xi32, #tpu.memory_space<vmem>>)
        %dma_start3A_500 = arith.constant 0 : i32
        %dma_start3A_501 = arith.constant 1 : i32
        %dma_start3A_502 = arith.constant 1 : i32
        %dma_start3A_503 = arith.constant 0 : i32
        %dma_start3A_504 = arith.constant 0 : i32
        %dma_start3A_505 = arith.constant 0 : i32
        %dma_start3A_506 = tpu.memref_slice %arg6[%dma_start3A_502, %dma_start3A_503, %dma_start3A_504, %dma_start3A_505] : memref<2x4x128x64xf32, #tpu.memory_space<vmem>> -> memref<1x1x128x64xf32, #tpu.memory_space<vmem>>
        %dma_start3A_507 = tpu.memref_squeeze %dma_start3A_506 : memref<1x1x128x64xf32, #tpu.memory_space<vmem>> -> memref<128x64xf32, #tpu.memory_space<vmem>>
        %dma_start3A_508 = arith.constant 0 : i32
        %dma_start3A_509 = tpu.memref_slice %arg5[%dma_start3A_501, %dma_start3A_508] : memref<2x512xi32, #tpu.memory_space<vmem>> -> memref<1x128xi32, #tpu.memory_space<vmem>>
        %dma_start3A_510 = tpu.memref_squeeze %dma_start3A_509 : memref<1x128xi32, #tpu.memory_space<vmem>> -> memref<128xi32, #tpu.memory_space<vmem>>
        %dma_start3A_511 = arith.constant 0 : i32
        %dma_start3A_512 = arith.constant 0 : i32
        %dma_start3A_513 = tpu.memref_slice %arg3[%dma_start3A_500, %dma_start3A_511, %dma_start3A_512] : memref<4x8192x64xf32, #tpu.memory_space<hbm>> -> memref<1x8192x64xf32, #tpu.memory_space<hbm>>
        %dma_start3A_514 = tpu.memref_squeeze %dma_start3A_513 : memref<1x8192x64xf32, #tpu.memory_space<hbm>> -> memref<8192x64xf32, #tpu.memory_space<hbm>>
        %dma_start3A_515 = arith.constant 0 : i32
        %dma_start3A_516 = arith.constant 0 : i32
        %dma_start3A_517 = tpu.memref_slice %dma_start3A_514[%dma_start3A_515, %dma_start3A_516] : memref<8192x64xf32, #tpu.memory_space<hbm>> -> memref<8192x64xf32, #tpu.memory_space<hbm>>
        tpu.enqueue_indirect_dma source(%dma_start3A_517 : memref<8192x64xf32, #tpu.memory_space<hbm>>) target(%dma_start3A_507 : memref<128x64xf32, #tpu.memory_space<vmem>>) offsets(%dma_start3A_510 : memref<128xi32, #tpu.memory_space<vmem>>) semaphore(%arg11 : memref<!tpu.dma_semaphore, #tpu.memory_space<semaphore_mem>>)
        %dma_start3A_518 = arith.constant 1 : i32
        %dma_start3A_519 = arith.constant 1 : i32
        %dma_start3A_520 = arith.constant 1 : i32
        %dma_start3A_521 = arith.constant 1 : i32
        %dma_start3A_522 = arith.constant 0 : i32
        %dma_start3A_523 = arith.constant 0 : i32
        %dma_start3A_524 = tpu.memref_slice %arg6[%dma_start3A_520, %dma_start3A_521, %dma_start3A_522, %dma_start3A_523] : memref<2x4x128x64xf32, #tpu.memory_space<vmem>> -> memref<1x1x128x64xf32, #tpu.memory_space<vmem>>
        %dma_start3A_525 = tpu.memref_squeeze %dma_start3A_524 : memref<1x1x128x64xf32, #tpu.memory_space<vmem>> -> memref<128x64xf32, #tpu.memory_space<vmem>>
        %dma_start3A_526 = arith.constant 128 : i32
        %dma_start3A_527 = tpu.memref_slice %arg5[%dma_start3A_519, %dma_start3A_526] : memref<2x512xi32, #tpu.memory_space<vmem>> -> memref<1x128xi32, #tpu.memory_space<vmem>>
        %dma_start3A_528 = tpu.memref_squeeze %dma_start3A_527 : memref<1x128xi32, #tpu.memory_space<vmem>> -> memref<128xi32, #tpu.memory_space<vmem>>
        %dma_start3A_529 = arith.constant 0 : i32
        %dma_start3A_530 = arith.constant 0 : i32
        %dma_start3A_531 = tpu.memref_slice %arg3[%dma_start3A_518, %dma_start3A_529, %dma_start3A_530] : memref<4x8192x64xf32, #tpu.memory_space<hbm>> -> memref<1x8192x64xf32, #tpu.memory_space<hbm>>
        %dma_start3A_532 = tpu.memref_squeeze %dma_start3A_531 : memref<1x8192x64xf32, #tpu.memory_space<hbm>> -> memref<8192x64xf32, #tpu.memory_space<hbm>>
        %dma_start3A_533 = arith.constant 0 : i32
        %dma_start3A_534 = arith.constant 0 : i32
        %dma_start3A_535 = tpu.memref_slice %dma_start3A_532[%dma_start3A_533, %dma_start3A_534] : memref<8192x64xf32, #tpu.memory_space<hbm>> -> memref<8192x64xf32, #tpu.memory_space<hbm>>
        tpu.enqueue_indirect_dma source(%dma_start3A_535 : memref<8192x64xf32, #tpu.memory_space<hbm>>) target(%dma_start3A_525 : memref<128x64xf32, #tpu.memory_space<vmem>>) offsets(%dma_start3A_528 : memref<128xi32, #tpu.memory_space<vmem>>) semaphore(%arg11 : memref<!tpu.dma_semaphore, #tpu.memory_space<semaphore_mem>>)
        %dma_start3A_536 = arith.constant 2 : i32
        %dma_start3A_537 = arith.constant 1 : i32
        %dma_start3A_538 = arith.constant 1 : i32
        %dma_start3A_539 = arith.constant 2 : i32
        %dma_start3A_540 = arith.constant 0 : i32
        %dma_start3A_541 = arith.constant 0 : i32
        %dma_start3A_542 = tpu.memref_slice %arg6[%dma_start3A_538, %dma_start3A_539, %dma_start3A_540, %dma_start3A_541] : memref<2x4x128x64xf32, #tpu.memory_space<vmem>> -> memref<1x1x128x64xf32, #tpu.memory_space<vmem>>
        %dma_start3A_543 = tpu.memref_squeeze %dma_start3A_542 : memref<1x1x128x64xf32, #tpu.memory_space<vmem>> -> memref<128x64xf32, #tpu.memory_space<vmem>>
        %dma_start3A_544 = arith.constant 256 : i32
        %dma_start3A_545 = tpu.memref_slice %arg5[%dma_start3A_537, %dma_start3A_544] : memref<2x512xi32, #tpu.memory_space<vmem>> -> memref<1x128xi32, #tpu.memory_space<vmem>>
        %dma_start3A_546 = tpu.memref_squeeze %dma_start3A_545 : memref<1x128xi32, #tpu.memory_space<vmem>> -> memref<128xi32, #tpu.memory_space<vmem>>
        %dma_start3A_547 = arith.constant 0 : i32
        %dma_start3A_548 = arith.constant 0 : i32
        %dma_start3A_549 = tpu.memref_slice %arg3[%dma_start3A_536, %dma_start3A_547, %dma_start3A_548] : memref<4x8192x64xf32, #tpu.memory_space<hbm>> -> memref<1x8192x64xf32, #tpu.memory_space<hbm>>
        %dma_start3A_550 = tpu.memref_squeeze %dma_start3A_549 : memref<1x8192x64xf32, #tpu.memory_space<hbm>> -> memref<8192x64xf32, #tpu.memory_space<hbm>>
        %dma_start3A_551 = arith.constant 0 : i32
        %dma_start3A_552 = arith.constant 0 : i32
        %dma_start3A_553 = tpu.memref_slice %dma_start3A_550[%dma_start3A_551, %dma_start3A_552] : memref<8192x64xf32, #tpu.memory_space<hbm>> -> memref<8192x64xf32, #tpu.memory_space<hbm>>
        tpu.enqueue_indirect_dma source(%dma_start3A_553 : memref<8192x64xf32, #tpu.memory_space<hbm>>) target(%dma_start3A_543 : memref<128x64xf32, #tpu.memory_space<vmem>>) offsets(%dma_start3A_546 : memref<128xi32, #tpu.memory_space<vmem>>) semaphore(%arg11 : memref<!tpu.dma_semaphore, #tpu.memory_space<semaphore_mem>>)
        %dma_start3A_554 = arith.constant 3 : i32
        %dma_start3A_555 = arith.constant 1 : i32
        %dma_start3A_556 = arith.constant 1 : i32
        %dma_start3A_557 = arith.constant 3 : i32
        %dma_start3A_558 = arith.constant 0 : i32
        %dma_start3A_559 = arith.constant 0 : i32
        %dma_start3A_560 = tpu.memref_slice %arg6[%dma_start3A_556, %dma_start3A_557, %dma_start3A_558, %dma_start3A_559] : memref<2x4x128x64xf32, #tpu.memory_space<vmem>> -> memref<1x1x128x64xf32, #tpu.memory_space<vmem>>
        %dma_start3A_561 = tpu.memref_squeeze %dma_start3A_560 : memref<1x1x128x64xf32, #tpu.memory_space<vmem>> -> memref<128x64xf32, #tpu.memory_space<vmem>>
        %dma_start3A_562 = arith.constant 384 : i32
        %dma_start3A_563 = tpu.memref_slice %arg5[%dma_start3A_555, %dma_start3A_562] : memref<2x512xi32, #tpu.memory_space<vmem>> -> memref<1x128xi32, #tpu.memory_space<vmem>>
        %dma_start3A_564 = tpu.memref_squeeze %dma_start3A_563 : memref<1x128xi32, #tpu.memory_space<vmem>> -> memref<128xi32, #tpu.memory_space<vmem>>
        %dma_start3A_565 = arith.constant 0 : i32
        %dma_start3A_566 = arith.constant 0 : i32
        %dma_start3A_567 = tpu.memref_slice %arg3[%dma_start3A_554, %dma_start3A_565, %dma_start3A_566] : memref<4x8192x64xf32, #tpu.memory_space<hbm>> -> memref<1x8192x64xf32, #tpu.memory_space<hbm>>
        %dma_start3A_568 = tpu.memref_squeeze %dma_start3A_567 : memref<1x8192x64xf32, #tpu.memory_space<hbm>> -> memref<8192x64xf32, #tpu.memory_space<hbm>>
        %dma_start3A_569 = arith.constant 0 : i32
        %dma_start3A_570 = arith.constant 0 : i32
        %dma_start3A_571 = tpu.memref_slice %dma_start3A_568[%dma_start3A_569, %dma_start3A_570] : memref<8192x64xf32, #tpu.memory_space<hbm>> -> memref<8192x64xf32, #tpu.memory_space<hbm>>
        tpu.enqueue_indirect_dma source(%dma_start3A_571 : memref<8192x64xf32, #tpu.memory_space<hbm>>) target(%dma_start3A_561 : memref<128x64xf32, #tpu.memory_space<vmem>>) offsets(%dma_start3A_564 : memref<128xi32, #tpu.memory_space<vmem>>) semaphore(%arg11 : memref<!tpu.dma_semaphore, #tpu.memory_space<semaphore_mem>>)
      } else {
      }
      %ge3A = arith.constant 2 : i32
      %ge3A_295 = arith.cmpi sge, %add3A_211, %ge3A : i32
      %convert_element_type3A_296 = arith.extui %ge3A_295 : i1 to i32
      %cond3A_297 = arith.constant 0 : i32
      %cond3A_298 = arith.cmpi ne, %convert_element_type3A_296, %cond3A_297 : i32
      scf.if %cond3A_298 {
        %sub3A_486 = arith.constant 2 : i32
        %sub3A_487 = arith.subi %add3A_211, %sub3A_486 : i32
        %mul3A_488 = arith.constant 128 : i32
        %mul3A_489 = arith.muli %sub3A_487, %mul3A_488 : i32
        %add3A_490 = arith.addi %mul3A_2, %mul3A_489 : i32
        %jit3A_491 = arith.constant 2 : i32
        %div3A_492 = arith.divsi %add3A_490, %jit3A_491 : i32
        %sign3A_493 = arith.constant 0 : i32
        %sign3A_494 = arith.cmpi sgt, %add3A_490, %sign3A_493 : i32
        %sign3A_495 = arith.extui %sign3A_494 : i1 to i32
        %sign3A_496 = arith.constant 0 : i32
        %sign3A_497 = arith.cmpi slt, %add3A_490, %sign3A_496 : i32
        %sign3A_498 = arith.extui %sign3A_497 : i1 to i32
        %sign3A_499 = arith.subi %sign3A_495, %sign3A_498 : i32
        %sign3A_500 = arith.constant 0 : i32
        %sign3A_501 = arith.cmpi sgt, %jit3A_491, %sign3A_500 : i32
        %sign3A_502 = arith.extui %sign3A_501 : i1 to i32
        %sign3A_503 = arith.constant 0 : i32
        %sign3A_504 = arith.cmpi slt, %jit3A_491, %sign3A_503 : i32
        %sign3A_505 = arith.extui %sign3A_504 : i1 to i32
        %sign3A_506 = arith.subi %sign3A_502, %sign3A_505 : i32
        %ne3A_507 = arith.cmpi ne, %sign3A_499, %sign3A_506 : i32
        %rem3A_508 = arith.remsi %add3A_490, %jit3A_491 : i32
        %ne3A_509 = arith.constant 0 : i32
        %ne3A_510 = arith.cmpi ne, %rem3A_508, %ne3A_509 : i32
        %and3A_511 = arith.andi %ne3A_507, %ne3A_510 : i1
        %sub3A_512 = arith.constant 1 : i32
        %sub3A_513 = arith.subi %div3A_492, %sub3A_512 : i32
        %select_n3A_514 = arith.select %and3A_511, %sub3A_513, %div3A_492 : i32
        %dma_wait3A_515 = arith.constant 0 : i32
        %dma_wait3A_516 = arith.constant 0 : i32
        %dma_wait3A_517 = arith.constant 0 : i32
        %dma_wait3A_518 = tpu.memref_slice %arg7[%dma_wait3A_515, %dma_wait3A_516, %dma_wait3A_517] : memref<2x64x128xf32, #tpu.memory_space<vmem>> -> memref<1x64x128xf32, #tpu.memory_space<vmem>>
        %dma_wait3A_519 = tpu.memref_squeeze %dma_wait3A_518 : memref<1x64x128xf32, #tpu.memory_space<vmem>> -> memref<64x128xf32, #tpu.memory_space<vmem>>
        %dma_wait3A_520 = arith.constant 0 : i32
        %dma_wait3A_521 = tpu.memref_slice %arg4[%select_n3A_514, %dma_wait3A_520] : memref<409600x128xf32, #tpu.memory_space<hbm>> -> memref<64x128xf32, #tpu.memory_space<hbm>>
        %dma_wait3A_522 = arith.constant 0 : i32
        %dma_wait3A_523 = tpu.memref_slice %arg4[%select_n3A_514, %dma_wait3A_522] : memref<409600x128xf32, #tpu.memory_space<hbm>> -> memref<64x128xf32, #tpu.memory_space<hbm>>
        %dma_wait3A_524 = arith.constant 0 : i32
        %dma_wait3A_525 = arith.constant 0 : i32
        %dma_wait3A_526 = tpu.memref_slice %arg7[%dma_wait3A_515, %dma_wait3A_524, %dma_wait3A_525] : memref<2x64x128xf32, #tpu.memory_space<vmem>> -> memref<1x64x128xf32, #tpu.memory_space<vmem>>
        %dma_wait3A_527 = tpu.memref_squeeze %dma_wait3A_526 : memref<1x64x128xf32, #tpu.memory_space<vmem>> -> memref<64x128xf32, #tpu.memory_space<vmem>>
        tpu.wait_dma2 semaphore(%arg12 : memref<!tpu.dma_semaphore, #tpu.memory_space<semaphore_mem>>) src(%dma_wait3A_527 : memref<64x128xf32, #tpu.memory_space<vmem>>) dst(%dma_wait3A_523 : memref<64x128xf32, #tpu.memory_space<hbm>>)
      } else {
      }
      %scan3A_299 = arith.constant 0 : i32
      %scan3A_300 = arith.constant 0 : i32
      %scan3A_301 = arith.constant 64 : i32
      %scan3A_302 = arith.addi %scan3A_300, %scan3A_301 : i32
      %scan3A_303 = arith.constant 2 : i32
      scf.for %scan3A_486 = %scan3A_300 to %scan3A_302 step %scan3A_303  : i32 {
        %mul3A_487 = arith.constant 2 : i32
        %mul3A_488 = arith.muli %mul3A_487, %scan3A_486 : i32
        %add3A_489 = arith.constant 0 : i32
        %add3A_490 = arith.addi %mul3A_488, %add3A_489 : i32
        %get3A = arith.constant 0 : i32
        %get3A_491 = arith.constant 0 : i32
        %get3A_492 = arith.index_cast %get3A : i32 to index
        %get3A_493 = arith.index_cast %get3A_491 : i32 to index
        %get3A_494 = arith.index_cast %add3A_490 : i32 to index
        %get3A_495 = arith.constant 0 : index
        %get3A_496 = tpu.vector_load %arg6[%get3A_492, %get3A_493, %get3A_494, %get3A_495] {strides = array<i32>} : memref<2x4x128x64xf32, #tpu.memory_space<vmem>>, vector<1x1x1x16xf32>,
        %get3A_497 = vector.shape_cast %get3A_496 : vector<1x1x1x16xf32> to vector<16xf32>
        %get3A_498 = arith.constant 0 : i32
        %get3A_499 = arith.constant 1 : i32
        %get3A_500 = arith.index_cast %get3A_498 : i32 to index
        %get3A_501 = arith.index_cast %get3A_499 : i32 to index
        %get3A_502 = arith.index_cast %add3A_490 : i32 to index
        %get3A_503 = arith.constant 0 : index
        %get3A_504 = tpu.vector_load %arg6[%get3A_500, %get3A_501, %get3A_502, %get3A_503] {strides = array<i32>} : memref<2x4x128x64xf32, #tpu.memory_space<vmem>>, vector<1x1x1x16xf32>,
        %get3A_505 = vector.shape_cast %get3A_504 : vector<1x1x1x16xf32> to vector<16xf32>
        %add3A_506 = arith.addf %get3A_497, %get3A_505 : vector<16xf32>
        %get3A_507 = arith.constant 0 : i32
        %get3A_508 = arith.constant 2 : i32
        %get3A_509 = arith.index_cast %get3A_507 : i32 to index
        %get3A_510 = arith.index_cast %get3A_508 : i32 to index
        %get3A_511 = arith.index_cast %add3A_490 : i32 to index
        %get3A_512 = arith.constant 0 : index
        %get3A_513 = tpu.vector_load %arg6[%get3A_509, %get3A_510, %get3A_511, %get3A_512] {strides = array<i32>} : memref<2x4x128x64xf32, #tpu.memory_space<vmem>>, vector<1x1x1x16xf32>,
        %get3A_514 = vector.shape_cast %get3A_513 : vector<1x1x1x16xf32> to vector<16xf32>
        %get3A_515 = arith.constant 0 : i32
        %get3A_516 = arith.constant 3 : i32
        %get3A_517 = arith.index_cast %get3A_515 : i32 to index
        %get3A_518 = arith.index_cast %get3A_516 : i32 to index
        %get3A_519 = arith.index_cast %add3A_490 : i32 to index
        %get3A_520 = arith.constant 0 : index
        %get3A_521 = tpu.vector_load %arg6[%get3A_517, %get3A_518, %get3A_519, %get3A_520] {strides = array<i32>} : memref<2x4x128x64xf32, #tpu.memory_space<vmem>>, vector<1x1x1x16xf32>,
        %get3A_522 = vector.shape_cast %get3A_521 : vector<1x1x1x16xf32> to vector<16xf32>
        %add3A_523 = arith.addf %get3A_514, %get3A_522 : vector<16xf32>
        %add3A_524 = arith.addf %add3A_506, %add3A_523 : vector<16xf32>
        %mul3A_525 = arith.constant 2.500000e-01 : f32
        %mul3A_526 = vector.broadcast %mul3A_525 : f32 to vector<16xf32>
        %mul3A_527 = arith.mulf %add3A_524, %mul3A_526 : vector<16xf32>
        %swap3A = arith.constant 0 : i32
        %swap3A_528 = arith.index_cast %swap3A : i32 to index
        %swap3A_529 = arith.index_cast %scan3A_486 : i32 to index
        %swap3A_530 = arith.constant 0 : index
        %swap3A_531 = tpu.vector_load %arg7[%swap3A_528, %swap3A_529, %swap3A_530] {strides = array<i32>} : memref<2x64x128xf32, #tpu.memory_space<vmem>>, vector<1x1x16xf32>,
        %swap3A_532 = vector.shape_cast %swap3A_531 : vector<1x1x16xf32> to vector<16xf32>
        %swap3A_533 = vector.shape_cast %mul3A_527 : vector<16xf32> to vector<1x1x16xf32>
        tpu.vector_store %arg7[%swap3A_528, %swap3A_529, %swap3A_530], %swap3A_533 {strides = array<i32>} : memref<2x64x128xf32, #tpu.memory_space<vmem>>, vector<1x1x16xf32>,
        %mul3A_534 = arith.constant 2 : i32
        %mul3A_535 = arith.muli %mul3A_534, %scan3A_486 : i32
        %add3A_536 = arith.constant 0 : i32
        %add3A_537 = arith.addi %mul3A_535, %add3A_536 : i32
        %get3A_538 = arith.constant 0 : i32
        %get3A_539 = arith.constant 0 : i32
        %get3A_540 = arith.index_cast %get3A_538 : i32 to index
        %get3A_541 = arith.index_cast %get3A_539 : i32 to index
        %get3A_542 = arith.index_cast %add3A_537 : i32 to index
        %get3A_543 = arith.constant 16 : index
        %get3A_544 = tpu.vector_load %arg6[%get3A_540, %get3A_541, %get3A_542, %get3A_543] {strides = array<i32>} : memref<2x4x128x64xf32, #tpu.memory_space<vmem>>, vector<1x1x1x16xf32>,
        %get3A_545 = vector.shape_cast %get3A_544 : vector<1x1x1x16xf32> to vector<16xf32>
        %get3A_546 = arith.constant 0 : i32
        %get3A_547 = arith.constant 1 : i32
        %get3A_548 = arith.index_cast %get3A_546 : i32 to index
        %get3A_549 = arith.index_cast %get3A_547 : i32 to index
        %get3A_550 = arith.index_cast %add3A_537 : i32 to index
        %get3A_551 = arith.constant 16 : index
        %get3A_552 = tpu.vector_load %arg6[%get3A_548, %get3A_549, %get3A_550, %get3A_551] {strides = array<i32>} : memref<2x4x128x64xf32, #tpu.memory_space<vmem>>, vector<1x1x1x16xf32>,
        %get3A_553 = vector.shape_cast %get3A_552 : vector<1x1x1x16xf32> to vector<16xf32>
        %add3A_554 = arith.addf %get3A_545, %get3A_553 : vector<16xf32>
        %get3A_555 = arith.constant 0 : i32
        %get3A_556 = arith.constant 2 : i32
        %get3A_557 = arith.index_cast %get3A_555 : i32 to index
        %get3A_558 = arith.index_cast %get3A_556 : i32 to index
        %get3A_559 = arith.index_cast %add3A_537 : i32 to index
        %get3A_560 = arith.constant 16 : index
        %get3A_561 = tpu.vector_load %arg6[%get3A_557, %get3A_558, %get3A_559, %get3A_560] {strides = array<i32>} : memref<2x4x128x64xf32, #tpu.memory_space<vmem>>, vector<1x1x1x16xf32>,
        %get3A_562 = vector.shape_cast %get3A_561 : vector<1x1x1x16xf32> to vector<16xf32>
        %get3A_563 = arith.constant 0 : i32
        %get3A_564 = arith.constant 3 : i32
        %get3A_565 = arith.index_cast %get3A_563 : i32 to index
        %get3A_566 = arith.index_cast %get3A_564 : i32 to index
        %get3A_567 = arith.index_cast %add3A_537 : i32 to index
        %get3A_568 = arith.constant 16 : index
        %get3A_569 = tpu.vector_load %arg6[%get3A_565, %get3A_566, %get3A_567, %get3A_568] {strides = array<i32>} : memref<2x4x128x64xf32, #tpu.memory_space<vmem>>, vector<1x1x1x16xf32>,
        %get3A_570 = vector.shape_cast %get3A_569 : vector<1x1x1x16xf32> to vector<16xf32>
        %add3A_571 = arith.addf %get3A_562, %get3A_570 : vector<16xf32>
        %add3A_572 = arith.addf %add3A_554, %add3A_571 : vector<16xf32>
        %mul3A_573 = arith.constant 2.500000e-01 : f32
        %mul3A_574 = vector.broadcast %mul3A_573 : f32 to vector<16xf32>
        %mul3A_575 = arith.mulf %add3A_572, %mul3A_574 : vector<16xf32>
        %swap3A_576 = arith.constant 0 : i32
        %swap3A_577 = arith.index_cast %swap3A_576 : i32 to index
        %swap3A_578 = arith.index_cast %scan3A_486 : i32 to index
        %swap3A_579 = arith.constant 16 : index
        %swap3A_580 = tpu.vector_load %arg7[%swap3A_577, %swap3A_578, %swap3A_579] {strides = array<i32>} : memref<2x64x128xf32, #tpu.memory_space<vmem>>, vector<1x1x16xf32>,
        %swap3A_581 = vector.shape_cast %swap3A_580 : vector<1x1x16xf32> to vector<16xf32>
        %swap3A_582 = vector.shape_cast %mul3A_575 : vector<16xf32> to vector<1x1x16xf32>
        tpu.vector_store %arg7[%swap3A_577, %swap3A_578, %swap3A_579], %swap3A_582 {strides = array<i32>} : memref<2x64x128xf32, #tpu.memory_space<vmem>>, vector<1x1x16xf32>,
        %mul3A_583 = arith.constant 2 : i32
        %mul3A_584 = arith.muli %mul3A_583, %scan3A_486 : i32
        %add3A_585 = arith.constant 0 : i32
        %add3A_586 = arith.addi %mul3A_584, %add3A_585 : i32
        %get3A_587 = arith.constant 0 : i32
        %get3A_588 = arith.constant 0 : i32
        %get3A_589 = arith.index_cast %get3A_587 : i32 to index
        %get3A_590 = arith.index_cast %get3A_588 : i32 to index
        %get3A_591 = arith.index_cast %add3A_586 : i32 to index
        %get3A_592 = arith.constant 32 : index
        %get3A_593 = tpu.vector_load %arg6[%get3A_589, %get3A_590, %get3A_591, %get3A_592] {strides = array<i32>} : memref<2x4x128x64xf32, #tpu.memory_space<vmem>>, vector<1x1x1x16xf32>,
        %get3A_594 = vector.shape_cast %get3A_593 : vector<1x1x1x16xf32> to vector<16xf32>
        %get3A_595 = arith.constant 0 : i32
        %get3A_596 = arith.constant 1 : i32
        %get3A_597 = arith.index_cast %get3A_595 : i32 to index
        %get3A_598 = arith.index_cast %get3A_596 : i32 to index
        %get3A_599 = arith.index_cast %add3A_586 : i32 to index
        %get3A_600 = arith.constant 32 : index
        %get3A_601 = tpu.vector_load %arg6[%get3A_597, %get3A_598, %get3A_599, %get3A_600] {strides = array<i32>} : memref<2x4x128x64xf32, #tpu.memory_space<vmem>>, vector<1x1x1x16xf32>,
        %get3A_602 = vector.shape_cast %get3A_601 : vector<1x1x1x16xf32> to vector<16xf32>
        %add3A_603 = arith.addf %get3A_594, %get3A_602 : vector<16xf32>
        %get3A_604 = arith.constant 0 : i32
        %get3A_605 = arith.constant 2 : i32
        %get3A_606 = arith.index_cast %get3A_604 : i32 to index
        %get3A_607 = arith.index_cast %get3A_605 : i32 to index
        %get3A_608 = arith.index_cast %add3A_586 : i32 to index
        %get3A_609 = arith.constant 32 : index
        %get3A_610 = tpu.vector_load %arg6[%get3A_606, %get3A_607, %get3A_608, %get3A_609] {strides = array<i32>} : memref<2x4x128x64xf32, #tpu.memory_space<vmem>>, vector<1x1x1x16xf32>,
        %get3A_611 = vector.shape_cast %get3A_610 : vector<1x1x1x16xf32> to vector<16xf32>
        %get3A_612 = arith.constant 0 : i32
        %get3A_613 = arith.constant 3 : i32
        %get3A_614 = arith.index_cast %get3A_612 : i32 to index
        %get3A_615 = arith.index_cast %get3A_613 : i32 to index
        %get3A_616 = arith.index_cast %add3A_586 : i32 to index
        %get3A_617 = arith.constant 32 : index
        %get3A_618 = tpu.vector_load %arg6[%get3A_614, %get3A_615, %get3A_616, %get3A_617] {strides = array<i32>} : memref<2x4x128x64xf32, #tpu.memory_space<vmem>>, vector<1x1x1x16xf32>,
        %get3A_619 = vector.shape_cast %get3A_618 : vector<1x1x1x16xf32> to vector<16xf32>
        %add3A_620 = arith.addf %get3A_611, %get3A_619 : vector<16xf32>
        %add3A_621 = arith.addf %add3A_603, %add3A_620 : vector<16xf32>
        %mul3A_622 = arith.constant 2.500000e-01 : f32
        %mul3A_623 = vector.broadcast %mul3A_622 : f32 to vector<16xf32>
        %mul3A_624 = arith.mulf %add3A_621, %mul3A_623 : vector<16xf32>
        %swap3A_625 = arith.constant 0 : i32
        %swap3A_626 = arith.index_cast %swap3A_625 : i32 to index
        %swap3A_627 = arith.index_cast %scan3A_486 : i32 to index
        %swap3A_628 = arith.constant 32 : index
        %swap3A_629 = tpu.vector_load %arg7[%swap3A_626, %swap3A_627, %swap3A_628] {strides = array<i32>} : memref<2x64x128xf32, #tpu.memory_space<vmem>>, vector<1x1x16xf32>,
        %swap3A_630 = vector.shape_cast %swap3A_629 : vector<1x1x16xf32> to vector<16xf32>
        %swap3A_631 = vector.shape_cast %mul3A_624 : vector<16xf32> to vector<1x1x16xf32>
        tpu.vector_store %arg7[%swap3A_626, %swap3A_627, %swap3A_628], %swap3A_631 {strides = array<i32>} : memref<2x64x128xf32, #tpu.memory_space<vmem>>, vector<1x1x16xf32>,
        %mul3A_632 = arith.constant 2 : i32
        %mul3A_633 = arith.muli %mul3A_632, %scan3A_486 : i32
        %add3A_634 = arith.constant 0 : i32
        %add3A_635 = arith.addi %mul3A_633, %add3A_634 : i32
        %get3A_636 = arith.constant 0 : i32
        %get3A_637 = arith.constant 0 : i32
        %get3A_638 = arith.index_cast %get3A_636 : i32 to index
        %get3A_639 = arith.index_cast %get3A_637 : i32 to index
        %get3A_640 = arith.index_cast %add3A_635 : i32 to index
        %get3A_641 = arith.constant 48 : index
        %get3A_642 = tpu.vector_load %arg6[%get3A_638, %get3A_639, %get3A_640, %get3A_641] {strides = array<i32>} : memref<2x4x128x64xf32, #tpu.memory_space<vmem>>, vector<1x1x1x16xf32>,
        %get3A_643 = vector.shape_cast %get3A_642 : vector<1x1x1x16xf32> to vector<16xf32>
        %get3A_644 = arith.constant 0 : i32
        %get3A_645 = arith.constant 1 : i32
        %get3A_646 = arith.index_cast %get3A_644 : i32 to index
        %get3A_647 = arith.index_cast %get3A_645 : i32 to index
        %get3A_648 = arith.index_cast %add3A_635 : i32 to index
        %get3A_649 = arith.constant 48 : index
        %get3A_650 = tpu.vector_load %arg6[%get3A_646, %get3A_647, %get3A_648, %get3A_649] {strides = array<i32>} : memref<2x4x128x64xf32, #tpu.memory_space<vmem>>, vector<1x1x1x16xf32>,
        %get3A_651 = vector.shape_cast %get3A_650 : vector<1x1x1x16xf32> to vector<16xf32>
        %add3A_652 = arith.addf %get3A_643, %get3A_651 : vector<16xf32>
        %get3A_653 = arith.constant 0 : i32
        %get3A_654 = arith.constant 2 : i32
        %get3A_655 = arith.index_cast %get3A_653 : i32 to index
        %get3A_656 = arith.index_cast %get3A_654 : i32 to index
        %get3A_657 = arith.index_cast %add3A_635 : i32 to index
        %get3A_658 = arith.constant 48 : index
        %get3A_659 = tpu.vector_load %arg6[%get3A_655, %get3A_656, %get3A_657, %get3A_658] {strides = array<i32>} : memref<2x4x128x64xf32, #tpu.memory_space<vmem>>, vector<1x1x1x16xf32>,
        %get3A_660 = vector.shape_cast %get3A_659 : vector<1x1x1x16xf32> to vector<16xf32>
        %get3A_661 = arith.constant 0 : i32
        %get3A_662 = arith.constant 3 : i32
        %get3A_663 = arith.index_cast %get3A_661 : i32 to index
        %get3A_664 = arith.index_cast %get3A_662 : i32 to index
        %get3A_665 = arith.index_cast %add3A_635 : i32 to index
        %get3A_666 = arith.constant 48 : index
        %get3A_667 = tpu.vector_load %arg6[%get3A_663, %get3A_664, %get3A_665, %get3A_666] {strides = array<i32>} : memref<2x4x128x64xf32, #tpu.memory_space<vmem>>, vector<1x1x1x16xf32>,
        %get3A_668 = vector.shape_cast %get3A_667 : vector<1x1x1x16xf32> to vector<16xf32>
        %add3A_669 = arith.addf %get3A_660, %get3A_668 : vector<16xf32>
        %add3A_670 = arith.addf %add3A_652, %add3A_669 : vector<16xf32>
        %mul3A_671 = arith.constant 2.500000e-01 : f32
        %mul3A_672 = vector.broadcast %mul3A_671 : f32 to vector<16xf32>
        %mul3A_673 = arith.mulf %add3A_670, %mul3A_672 : vector<16xf32>
        %swap3A_674 = arith.constant 0 : i32
        %swap3A_675 = arith.index_cast %swap3A_674 : i32 to index
        %swap3A_676 = arith.index_cast %scan3A_486 : i32 to index
        %swap3A_677 = arith.constant 48 : index
        %swap3A_678 = tpu.vector_load %arg7[%swap3A_675, %swap3A_676, %swap3A_677] {strides = array<i32>} : memref<2x64x128xf32, #tpu.memory_space<vmem>>, vector<1x1x16xf32>,
        %swap3A_679 = vector.shape_cast %swap3A_678 : vector<1x1x16xf32> to vector<16xf32>
        %swap3A_680 = vector.shape_cast %mul3A_673 : vector<16xf32> to vector<1x1x16xf32>
        tpu.vector_store %arg7[%swap3A_675, %swap3A_676, %swap3A_677], %swap3A_680 {strides = array<i32>} : memref<2x64x128xf32, #tpu.memory_space<vmem>>, vector<1x1x16xf32>,
        %mul3A_681 = arith.constant 2 : i32
        %mul3A_682 = arith.muli %mul3A_681, %scan3A_486 : i32
        %add3A_683 = arith.constant 1 : i32
        %add3A_684 = arith.addi %mul3A_682, %add3A_683 : i32
        %get3A_685 = arith.constant 0 : i32
        %get3A_686 = arith.constant 0 : i32
        %get3A_687 = arith.index_cast %get3A_685 : i32 to index
        %get3A_688 = arith.index_cast %get3A_686 : i32 to index
        %get3A_689 = arith.index_cast %add3A_684 : i32 to index
        %get3A_690 = arith.constant 0 : index
        %get3A_691 = tpu.vector_load %arg6[%get3A_687, %get3A_688, %get3A_689, %get3A_690] {strides = array<i32>} : memref<2x4x128x64xf32, #tpu.memory_space<vmem>>, vector<1x1x1x16xf32>,
        %get3A_692 = vector.shape_cast %get3A_691 : vector<1x1x1x16xf32> to vector<16xf32>
        %get3A_693 = arith.constant 0 : i32
        %get3A_694 = arith.constant 1 : i32
        %get3A_695 = arith.index_cast %get3A_693 : i32 to index
        %get3A_696 = arith.index_cast %get3A_694 : i32 to index
        %get3A_697 = arith.index_cast %add3A_684 : i32 to index
        %get3A_698 = arith.constant 0 : index
        %get3A_699 = tpu.vector_load %arg6[%get3A_695, %get3A_696, %get3A_697, %get3A_698] {strides = array<i32>} : memref<2x4x128x64xf32, #tpu.memory_space<vmem>>, vector<1x1x1x16xf32>,
        %get3A_700 = vector.shape_cast %get3A_699 : vector<1x1x1x16xf32> to vector<16xf32>
        %add3A_701 = arith.addf %get3A_692, %get3A_700 : vector<16xf32>
        %get3A_702 = arith.constant 0 : i32
        %get3A_703 = arith.constant 2 : i32
        %get3A_704 = arith.index_cast %get3A_702 : i32 to index
        %get3A_705 = arith.index_cast %get3A_703 : i32 to index
        %get3A_706 = arith.index_cast %add3A_684 : i32 to index
        %get3A_707 = arith.constant 0 : index
        %get3A_708 = tpu.vector_load %arg6[%get3A_704, %get3A_705, %get3A_706, %get3A_707] {strides = array<i32>} : memref<2x4x128x64xf32, #tpu.memory_space<vmem>>, vector<1x1x1x16xf32>,
        %get3A_709 = vector.shape_cast %get3A_708 : vector<1x1x1x16xf32> to vector<16xf32>
        %get3A_710 = arith.constant 0 : i32
        %get3A_711 = arith.constant 3 : i32
        %get3A_712 = arith.index_cast %get3A_710 : i32 to index
        %get3A_713 = arith.index_cast %get3A_711 : i32 to index
        %get3A_714 = arith.index_cast %add3A_684 : i32 to index
        %get3A_715 = arith.constant 0 : index
        %get3A_716 = tpu.vector_load %arg6[%get3A_712, %get3A_713, %get3A_714, %get3A_715] {strides = array<i32>} : memref<2x4x128x64xf32, #tpu.memory_space<vmem>>, vector<1x1x1x16xf32>,
        %get3A_717 = vector.shape_cast %get3A_716 : vector<1x1x1x16xf32> to vector<16xf32>
        %add3A_718 = arith.addf %get3A_709, %get3A_717 : vector<16xf32>
        %add3A_719 = arith.addf %add3A_701, %add3A_718 : vector<16xf32>
        %mul3A_720 = arith.constant 2.500000e-01 : f32
        %mul3A_721 = vector.broadcast %mul3A_720 : f32 to vector<16xf32>
        %mul3A_722 = arith.mulf %add3A_719, %mul3A_721 : vector<16xf32>
        %swap3A_723 = arith.constant 0 : i32
        %swap3A_724 = arith.index_cast %swap3A_723 : i32 to index
        %swap3A_725 = arith.index_cast %scan3A_486 : i32 to index
        %swap3A_726 = arith.constant 64 : index
        %swap3A_727 = tpu.vector_load %arg7[%swap3A_724, %swap3A_725, %swap3A_726] {strides = array<i32>} : memref<2x64x128xf32, #tpu.memory_space<vmem>>, vector<1x1x16xf32>,
        %swap3A_728 = vector.shape_cast %swap3A_727 : vector<1x1x16xf32> to vector<16xf32>
        %swap3A_729 = vector.shape_cast %mul3A_722 : vector<16xf32> to vector<1x1x16xf32>
        tpu.vector_store %arg7[%swap3A_724, %swap3A_725, %swap3A_726], %swap3A_729 {strides = array<i32>} : memref<2x64x128xf32, #tpu.memory_space<vmem>>, vector<1x1x16xf32>,
        %mul3A_730 = arith.constant 2 : i32
        %mul3A_731 = arith.muli %mul3A_730, %scan3A_486 : i32
        %add3A_732 = arith.constant 1 : i32
        %add3A_733 = arith.addi %mul3A_731, %add3A_732 : i32
        %get3A_734 = arith.constant 0 : i32
        %get3A_735 = arith.constant 0 : i32
        %get3A_736 = arith.index_cast %get3A_734 : i32 to index
        %get3A_737 = arith.index_cast %get3A_735 : i32 to index
        %get3A_738 = arith.index_cast %add3A_733 : i32 to index
        %get3A_739 = arith.constant 16 : index
        %get3A_740 = tpu.vector_load %arg6[%get3A_736, %get3A_737, %get3A_738, %get3A_739] {strides = array<i32>} : memref<2x4x128x64xf32, #tpu.memory_space<vmem>>, vector<1x1x1x16xf32>,
        %get3A_741 = vector.shape_cast %get3A_740 : vector<1x1x1x16xf32> to vector<16xf32>
        %get3A_742 = arith.constant 0 : i32
        %get3A_743 = arith.constant 1 : i32
        %get3A_744 = arith.index_cast %get3A_742 : i32 to index
        %get3A_745 = arith.index_cast %get3A_743 : i32 to index
        %get3A_746 = arith.index_cast %add3A_733 : i32 to index
        %get3A_747 = arith.constant 16 : index
        %get3A_748 = tpu.vector_load %arg6[%get3A_744, %get3A_745, %get3A_746, %get3A_747] {strides = array<i32>} : memref<2x4x128x64xf32, #tpu.memory_space<vmem>>, vector<1x1x1x16xf32>,
        %get3A_749 = vector.shape_cast %get3A_748 : vector<1x1x1x16xf32> to vector<16xf32>
        %add3A_750 = arith.addf %get3A_741, %get3A_749 : vector<16xf32>
        %get3A_751 = arith.constant 0 : i32
        %get3A_752 = arith.constant 2 : i32
        %get3A_753 = arith.index_cast %get3A_751 : i32 to index
        %get3A_754 = arith.index_cast %get3A_752 : i32 to index
        %get3A_755 = arith.index_cast %add3A_733 : i32 to index
        %get3A_756 = arith.constant 16 : index
        %get3A_757 = tpu.vector_load %arg6[%get3A_753, %get3A_754, %get3A_755, %get3A_756] {strides = array<i32>} : memref<2x4x128x64xf32, #tpu.memory_space<vmem>>, vector<1x1x1x16xf32>,
        %get3A_758 = vector.shape_cast %get3A_757 : vector<1x1x1x16xf32> to vector<16xf32>
        %get3A_759 = arith.constant 0 : i32
        %get3A_760 = arith.constant 3 : i32
        %get3A_761 = arith.index_cast %get3A_759 : i32 to index
        %get3A_762 = arith.index_cast %get3A_760 : i32 to index
        %get3A_763 = arith.index_cast %add3A_733 : i32 to index
        %get3A_764 = arith.constant 16 : index
        %get3A_765 = tpu.vector_load %arg6[%get3A_761, %get3A_762, %get3A_763, %get3A_764] {strides = array<i32>} : memref<2x4x128x64xf32, #tpu.memory_space<vmem>>, vector<1x1x1x16xf32>,
        %get3A_766 = vector.shape_cast %get3A_765 : vector<1x1x1x16xf32> to vector<16xf32>
        %add3A_767 = arith.addf %get3A_758, %get3A_766 : vector<16xf32>
        %add3A_768 = arith.addf %add3A_750, %add3A_767 : vector<16xf32>
        %mul3A_769 = arith.constant 2.500000e-01 : f32
        %mul3A_770 = vector.broadcast %mul3A_769 : f32 to vector<16xf32>
        %mul3A_771 = arith.mulf %add3A_768, %mul3A_770 : vector<16xf32>
        %swap3A_772 = arith.constant 0 : i32
        %swap3A_773 = arith.index_cast %swap3A_772 : i32 to index
        %swap3A_774 = arith.index_cast %scan3A_486 : i32 to index
        %swap3A_775 = arith.constant 80 : index
        %swap3A_776 = tpu.vector_load %arg7[%swap3A_773, %swap3A_774, %swap3A_775] {strides = array<i32>} : memref<2x64x128xf32, #tpu.memory_space<vmem>>, vector<1x1x16xf32>,
        %swap3A_777 = vector.shape_cast %swap3A_776 : vector<1x1x16xf32> to vector<16xf32>
        %swap3A_778 = vector.shape_cast %mul3A_771 : vector<16xf32> to vector<1x1x16xf32>
        tpu.vector_store %arg7[%swap3A_773, %swap3A_774, %swap3A_775], %swap3A_778 {strides = array<i32>} : memref<2x64x128xf32, #tpu.memory_space<vmem>>, vector<1x1x16xf32>,
        %mul3A_779 = arith.constant 2 : i32
        %mul3A_780 = arith.muli %mul3A_779, %scan3A_486 : i32
        %add3A_781 = arith.constant 1 : i32
        %add3A_782 = arith.addi %mul3A_780, %add3A_781 : i32
        %get3A_783 = arith.constant 0 : i32
        %get3A_784 = arith.constant 0 : i32
        %get3A_785 = arith.index_cast %get3A_783 : i32 to index
        %get3A_786 = arith.index_cast %get3A_784 : i32 to index
        %get3A_787 = arith.index_cast %add3A_782 : i32 to index
        %get3A_788 = arith.constant 32 : index
        %get3A_789 = tpu.vector_load %arg6[%get3A_785, %get3A_786, %get3A_787, %get3A_788] {strides = array<i32>} : memref<2x4x128x64xf32, #tpu.memory_space<vmem>>, vector<1x1x1x16xf32>,
        %get3A_790 = vector.shape_cast %get3A_789 : vector<1x1x1x16xf32> to vector<16xf32>
        %get3A_791 = arith.constant 0 : i32
        %get3A_792 = arith.constant 1 : i32
        %get3A_793 = arith.index_cast %get3A_791 : i32 to index
        %get3A_794 = arith.index_cast %get3A_792 : i32 to index
        %get3A_795 = arith.index_cast %add3A_782 : i32 to index
        %get3A_796 = arith.constant 32 : index
        %get3A_797 = tpu.vector_load %arg6[%get3A_793, %get3A_794, %get3A_795, %get3A_796] {strides = array<i32>} : memref<2x4x128x64xf32, #tpu.memory_space<vmem>>, vector<1x1x1x16xf32>,
        %get3A_798 = vector.shape_cast %get3A_797 : vector<1x1x1x16xf32> to vector<16xf32>
        %add3A_799 = arith.addf %get3A_790, %get3A_798 : vector<16xf32>
        %get3A_800 = arith.constant 0 : i32
        %get3A_801 = arith.constant 2 : i32
        %get3A_802 = arith.index_cast %get3A_800 : i32 to index
        %get3A_803 = arith.index_cast %get3A_801 : i32 to index
        %get3A_804 = arith.index_cast %add3A_782 : i32 to index
        %get3A_805 = arith.constant 32 : index
        %get3A_806 = tpu.vector_load %arg6[%get3A_802, %get3A_803, %get3A_804, %get3A_805] {strides = array<i32>} : memref<2x4x128x64xf32, #tpu.memory_space<vmem>>, vector<1x1x1x16xf32>,
        %get3A_807 = vector.shape_cast %get3A_806 : vector<1x1x1x16xf32> to vector<16xf32>
        %get3A_808 = arith.constant 0 : i32
        %get3A_809 = arith.constant 3 : i32
        %get3A_810 = arith.index_cast %get3A_808 : i32 to index
        %get3A_811 = arith.index_cast %get3A_809 : i32 to index
        %get3A_812 = arith.index_cast %add3A_782 : i32 to index
        %get3A_813 = arith.constant 32 : index
        %get3A_814 = tpu.vector_load %arg6[%get3A_810, %get3A_811, %get3A_812, %get3A_813] {strides = array<i32>} : memref<2x4x128x64xf32, #tpu.memory_space<vmem>>, vector<1x1x1x16xf32>,
        %get3A_815 = vector.shape_cast %get3A_814 : vector<1x1x1x16xf32> to vector<16xf32>
        %add3A_816 = arith.addf %get3A_807, %get3A_815 : vector<16xf32>
        %add3A_817 = arith.addf %add3A_799, %add3A_816 : vector<16xf32>
        %mul3A_818 = arith.constant 2.500000e-01 : f32
        %mul3A_819 = vector.broadcast %mul3A_818 : f32 to vector<16xf32>
        %mul3A_820 = arith.mulf %add3A_817, %mul3A_819 : vector<16xf32>
        %swap3A_821 = arith.constant 0 : i32
        %swap3A_822 = arith.index_cast %swap3A_821 : i32 to index
        %swap3A_823 = arith.index_cast %scan3A_486 : i32 to index
        %swap3A_824 = arith.constant 96 : index
        %swap3A_825 = tpu.vector_load %arg7[%swap3A_822, %swap3A_823, %swap3A_824] {strides = array<i32>} : memref<2x64x128xf32, #tpu.memory_space<vmem>>, vector<1x1x16xf32>,
        %swap3A_826 = vector.shape_cast %swap3A_825 : vector<1x1x16xf32> to vector<16xf32>
        %swap3A_827 = vector.shape_cast %mul3A_820 : vector<16xf32> to vector<1x1x16xf32>
        tpu.vector_store %arg7[%swap3A_822, %swap3A_823, %swap3A_824], %swap3A_827 {strides = array<i32>} : memref<2x64x128xf32, #tpu.memory_space<vmem>>, vector<1x1x16xf32>,
        %mul3A_828 = arith.constant 2 : i32
        %mul3A_829 = arith.muli %mul3A_828, %scan3A_486 : i32
        %add3A_830 = arith.constant 1 : i32
        %add3A_831 = arith.addi %mul3A_829, %add3A_830 : i32
        %get3A_832 = arith.constant 0 : i32
        %get3A_833 = arith.constant 0 : i32
        %get3A_834 = arith.index_cast %get3A_832 : i32 to index
        %get3A_835 = arith.index_cast %get3A_833 : i32 to index
        %get3A_836 = arith.index_cast %add3A_831 : i32 to index
        %get3A_837 = arith.constant 48 : index
        %get3A_838 = tpu.vector_load %arg6[%get3A_834, %get3A_835, %get3A_836, %get3A_837] {strides = array<i32>} : memref<2x4x128x64xf32, #tpu.memory_space<vmem>>, vector<1x1x1x16xf32>,
        %get3A_839 = vector.shape_cast %get3A_838 : vector<1x1x1x16xf32> to vector<16xf32>
        %get3A_840 = arith.constant 0 : i32
        %get3A_841 = arith.constant 1 : i32
        %get3A_842 = arith.index_cast %get3A_840 : i32 to index
        %get3A_843 = arith.index_cast %get3A_841 : i32 to index
        %get3A_844 = arith.index_cast %add3A_831 : i32 to index
        %get3A_845 = arith.constant 48 : index
        %get3A_846 = tpu.vector_load %arg6[%get3A_842, %get3A_843, %get3A_844, %get3A_845] {strides = array<i32>} : memref<2x4x128x64xf32, #tpu.memory_space<vmem>>, vector<1x1x1x16xf32>,
        %get3A_847 = vector.shape_cast %get3A_846 : vector<1x1x1x16xf32> to vector<16xf32>
        %add3A_848 = arith.addf %get3A_839, %get3A_847 : vector<16xf32>
        %get3A_849 = arith.constant 0 : i32
        %get3A_850 = arith.constant 2 : i32
        %get3A_851 = arith.index_cast %get3A_849 : i32 to index
        %get3A_852 = arith.index_cast %get3A_850 : i32 to index
        %get3A_853 = arith.index_cast %add3A_831 : i32 to index
        %get3A_854 = arith.constant 48 : index
        %get3A_855 = tpu.vector_load %arg6[%get3A_851, %get3A_852, %get3A_853, %get3A_854] {strides = array<i32>} : memref<2x4x128x64xf32, #tpu.memory_space<vmem>>, vector<1x1x1x16xf32>,
        %get3A_856 = vector.shape_cast %get3A_855 : vector<1x1x1x16xf32> to vector<16xf32>
        %get3A_857 = arith.constant 0 : i32
        %get3A_858 = arith.constant 3 : i32
        %get3A_859 = arith.index_cast %get3A_857 : i32 to index
        %get3A_860 = arith.index_cast %get3A_858 : i32 to index
        %get3A_861 = arith.index_cast %add3A_831 : i32 to index
        %get3A_862 = arith.constant 48 : index
        %get3A_863 = tpu.vector_load %arg6[%get3A_859, %get3A_860, %get3A_861, %get3A_862] {strides = array<i32>} : memref<2x4x128x64xf32, #tpu.memory_space<vmem>>, vector<1x1x1x16xf32>,
        %get3A_864 = vector.shape_cast %get3A_863 : vector<1x1x1x16xf32> to vector<16xf32>
        %add3A_865 = arith.addf %get3A_856, %get3A_864 : vector<16xf32>
        %add3A_866 = arith.addf %add3A_848, %add3A_865 : vector<16xf32>
        %mul3A_867 = arith.constant 2.500000e-01 : f32
        %mul3A_868 = vector.broadcast %mul3A_867 : f32 to vector<16xf32>
        %mul3A_869 = arith.mulf %add3A_866, %mul3A_868 : vector<16xf32>
        %swap3A_870 = arith.constant 0 : i32
        %swap3A_871 = arith.index_cast %swap3A_870 : i32 to index
        %swap3A_872 = arith.index_cast %scan3A_486 : i32 to index
        %swap3A_873 = arith.constant 112 : index
        %swap3A_874 = tpu.vector_load %arg7[%swap3A_871, %swap3A_872, %swap3A_873] {strides = array<i32>} : memref<2x64x128xf32, #tpu.memory_space<vmem>>, vector<1x1x16xf32>,
        %swap3A_875 = vector.shape_cast %swap3A_874 : vector<1x1x16xf32> to vector<16xf32>
        %swap3A_876 = vector.shape_cast %mul3A_869 : vector<16xf32> to vector<1x1x16xf32>
        tpu.vector_store %arg7[%swap3A_871, %swap3A_872, %swap3A_873], %swap3A_876 {strides = array<i32>} : memref<2x64x128xf32, #tpu.memory_space<vmem>>, vector<1x1x16xf32>,
        %scan3A_877 = arith.constant 1 : i32
        %scan3A_878 = arith.addi %scan3A_486, %scan3A_877 : i32
        %mul3A_879 = arith.constant 2 : i32
        %mul3A_880 = arith.muli %mul3A_879, %scan3A_878 : i32
        %add3A_881 = arith.constant 0 : i32
        %add3A_882 = arith.addi %mul3A_880, %add3A_881 : i32
        %get3A_883 = arith.constant 0 : i32
        %get3A_884 = arith.constant 0 : i32
        %get3A_885 = arith.index_cast %get3A_883 : i32 to index
        %get3A_886 = arith.index_cast %get3A_884 : i32 to index
        %get3A_887 = arith.index_cast %add3A_882 : i32 to index
        %get3A_888 = arith.constant 0 : index
        %get3A_889 = tpu.vector_load %arg6[%get3A_885, %get3A_886, %get3A_887, %get3A_888] {strides = array<i32>} : memref<2x4x128x64xf32, #tpu.memory_space<vmem>>, vector<1x1x1x16xf32>,
        %get3A_890 = vector.shape_cast %get3A_889 : vector<1x1x1x16xf32> to vector<16xf32>
        %get3A_891 = arith.constant 0 : i32
        %get3A_892 = arith.constant 1 : i32
        %get3A_893 = arith.index_cast %get3A_891 : i32 to index
        %get3A_894 = arith.index_cast %get3A_892 : i32 to index
        %get3A_895 = arith.index_cast %add3A_882 : i32 to index
        %get3A_896 = arith.constant 0 : index
        %get3A_897 = tpu.vector_load %arg6[%get3A_893, %get3A_894, %get3A_895, %get3A_896] {strides = array<i32>} : memref<2x4x128x64xf32, #tpu.memory_space<vmem>>, vector<1x1x1x16xf32>,
        %get3A_898 = vector.shape_cast %get3A_897 : vector<1x1x1x16xf32> to vector<16xf32>
        %add3A_899 = arith.addf %get3A_890, %get3A_898 : vector<16xf32>
        %get3A_900 = arith.constant 0 : i32
        %get3A_901 = arith.constant 2 : i32
        %get3A_902 = arith.index_cast %get3A_900 : i32 to index
        %get3A_903 = arith.index_cast %get3A_901 : i32 to index
        %get3A_904 = arith.index_cast %add3A_882 : i32 to index
        %get3A_905 = arith.constant 0 : index
        %get3A_906 = tpu.vector_load %arg6[%get3A_902, %get3A_903, %get3A_904, %get3A_905] {strides = array<i32>} : memref<2x4x128x64xf32, #tpu.memory_space<vmem>>, vector<1x1x1x16xf32>,
        %get3A_907 = vector.shape_cast %get3A_906 : vector<1x1x1x16xf32> to vector<16xf32>
        %get3A_908 = arith.constant 0 : i32
        %get3A_909 = arith.constant 3 : i32
        %get3A_910 = arith.index_cast %get3A_908 : i32 to index
        %get3A_911 = arith.index_cast %get3A_909 : i32 to index
        %get3A_912 = arith.index_cast %add3A_882 : i32 to index
        %get3A_913 = arith.constant 0 : index
        %get3A_914 = tpu.vector_load %arg6[%get3A_910, %get3A_911, %get3A_912, %get3A_913] {strides = array<i32>} : memref<2x4x128x64xf32, #tpu.memory_space<vmem>>, vector<1x1x1x16xf32>,
        %get3A_915 = vector.shape_cast %get3A_914 : vector<1x1x1x16xf32> to vector<16xf32>
        %add3A_916 = arith.addf %get3A_907, %get3A_915 : vector<16xf32>
        %add3A_917 = arith.addf %add3A_899, %add3A_916 : vector<16xf32>
        %mul3A_918 = arith.constant 2.500000e-01 : f32
        %mul3A_919 = vector.broadcast %mul3A_918 : f32 to vector<16xf32>
        %mul3A_920 = arith.mulf %add3A_917, %mul3A_919 : vector<16xf32>
        %swap3A_921 = arith.constant 0 : i32
        %swap3A_922 = arith.index_cast %swap3A_921 : i32 to index
        %swap3A_923 = arith.index_cast %scan3A_878 : i32 to index
        %swap3A_924 = arith.constant 0 : index
        %swap3A_925 = tpu.vector_load %arg7[%swap3A_922, %swap3A_923, %swap3A_924] {strides = array<i32>} : memref<2x64x128xf32, #tpu.memory_space<vmem>>, vector<1x1x16xf32>,
        %swap3A_926 = vector.shape_cast %swap3A_925 : vector<1x1x16xf32> to vector<16xf32>
        %swap3A_927 = vector.shape_cast %mul3A_920 : vector<16xf32> to vector<1x1x16xf32>
        tpu.vector_store %arg7[%swap3A_922, %swap3A_923, %swap3A_924], %swap3A_927 {strides = array<i32>} : memref<2x64x128xf32, #tpu.memory_space<vmem>>, vector<1x1x16xf32>,
        %mul3A_928 = arith.constant 2 : i32
        %mul3A_929 = arith.muli %mul3A_928, %scan3A_878 : i32
        %add3A_930 = arith.constant 0 : i32
        %add3A_931 = arith.addi %mul3A_929, %add3A_930 : i32
        %get3A_932 = arith.constant 0 : i32
        %get3A_933 = arith.constant 0 : i32
        %get3A_934 = arith.index_cast %get3A_932 : i32 to index
        %get3A_935 = arith.index_cast %get3A_933 : i32 to index
        %get3A_936 = arith.index_cast %add3A_931 : i32 to index
        %get3A_937 = arith.constant 16 : index
        %get3A_938 = tpu.vector_load %arg6[%get3A_934, %get3A_935, %get3A_936, %get3A_937] {strides = array<i32>} : memref<2x4x128x64xf32, #tpu.memory_space<vmem>>, vector<1x1x1x16xf32>,
        %get3A_939 = vector.shape_cast %get3A_938 : vector<1x1x1x16xf32> to vector<16xf32>
        %get3A_940 = arith.constant 0 : i32
        %get3A_941 = arith.constant 1 : i32
        %get3A_942 = arith.index_cast %get3A_940 : i32 to index
        %get3A_943 = arith.index_cast %get3A_941 : i32 to index
        %get3A_944 = arith.index_cast %add3A_931 : i32 to index
        %get3A_945 = arith.constant 16 : index
        %get3A_946 = tpu.vector_load %arg6[%get3A_942, %get3A_943, %get3A_944, %get3A_945] {strides = array<i32>} : memref<2x4x128x64xf32, #tpu.memory_space<vmem>>, vector<1x1x1x16xf32>,
        %get3A_947 = vector.shape_cast %get3A_946 : vector<1x1x1x16xf32> to vector<16xf32>
        %add3A_948 = arith.addf %get3A_939, %get3A_947 : vector<16xf32>
        %get3A_949 = arith.constant 0 : i32
        %get3A_950 = arith.constant 2 : i32
        %get3A_951 = arith.index_cast %get3A_949 : i32 to index
        %get3A_952 = arith.index_cast %get3A_950 : i32 to index
        %get3A_953 = arith.index_cast %add3A_931 : i32 to index
        %get3A_954 = arith.constant 16 : index
        %get3A_955 = tpu.vector_load %arg6[%get3A_951, %get3A_952, %get3A_953, %get3A_954] {strides = array<i32>} : memref<2x4x128x64xf32, #tpu.memory_space<vmem>>, vector<1x1x1x16xf32>,
        %get3A_956 = vector.shape_cast %get3A_955 : vector<1x1x1x16xf32> to vector<16xf32>
        %get3A_957 = arith.constant 0 : i32
        %get3A_958 = arith.constant 3 : i32
        %get3A_959 = arith.index_cast %get3A_957 : i32 to index
        %get3A_960 = arith.index_cast %get3A_958 : i32 to index
        %get3A_961 = arith.index_cast %add3A_931 : i32 to index
        %get3A_962 = arith.constant 16 : index
        %get3A_963 = tpu.vector_load %arg6[%get3A_959, %get3A_960, %get3A_961, %get3A_962] {strides = array<i32>} : memref<2x4x128x64xf32, #tpu.memory_space<vmem>>, vector<1x1x1x16xf32>,
        %get3A_964 = vector.shape_cast %get3A_963 : vector<1x1x1x16xf32> to vector<16xf32>
        %add3A_965 = arith.addf %get3A_956, %get3A_964 : vector<16xf32>
        %add3A_966 = arith.addf %add3A_948, %add3A_965 : vector<16xf32>
        %mul3A_967 = arith.constant 2.500000e-01 : f32
        %mul3A_968 = vector.broadcast %mul3A_967 : f32 to vector<16xf32>
        %mul3A_969 = arith.mulf %add3A_966, %mul3A_968 : vector<16xf32>
        %swap3A_970 = arith.constant 0 : i32
        %swap3A_971 = arith.index_cast %swap3A_970 : i32 to index
        %swap3A_972 = arith.index_cast %scan3A_878 : i32 to index
        %swap3A_973 = arith.constant 16 : index
        %swap3A_974 = tpu.vector_load %arg7[%swap3A_971, %swap3A_972, %swap3A_973] {strides = array<i32>} : memref<2x64x128xf32, #tpu.memory_space<vmem>>, vector<1x1x16xf32>,
        %swap3A_975 = vector.shape_cast %swap3A_974 : vector<1x1x16xf32> to vector<16xf32>
        %swap3A_976 = vector.shape_cast %mul3A_969 : vector<16xf32> to vector<1x1x16xf32>
        tpu.vector_store %arg7[%swap3A_971, %swap3A_972, %swap3A_973], %swap3A_976 {strides = array<i32>} : memref<2x64x128xf32, #tpu.memory_space<vmem>>, vector<1x1x16xf32>,
        %mul3A_977 = arith.constant 2 : i32
        %mul3A_978 = arith.muli %mul3A_977, %scan3A_878 : i32
        %add3A_979 = arith.constant 0 : i32
        %add3A_980 = arith.addi %mul3A_978, %add3A_979 : i32
        %get3A_981 = arith.constant 0 : i32
        %get3A_982 = arith.constant 0 : i32
        %get3A_983 = arith.index_cast %get3A_981 : i32 to index
        %get3A_984 = arith.index_cast %get3A_982 : i32 to index
        %get3A_985 = arith.index_cast %add3A_980 : i32 to index
        %get3A_986 = arith.constant 32 : index
        %get3A_987 = tpu.vector_load %arg6[%get3A_983, %get3A_984, %get3A_985, %get3A_986] {strides = array<i32>} : memref<2x4x128x64xf32, #tpu.memory_space<vmem>>, vector<1x1x1x16xf32>,
        %get3A_988 = vector.shape_cast %get3A_987 : vector<1x1x1x16xf32> to vector<16xf32>
        %get3A_989 = arith.constant 0 : i32
        %get3A_990 = arith.constant 1 : i32
        %get3A_991 = arith.index_cast %get3A_989 : i32 to index
        %get3A_992 = arith.index_cast %get3A_990 : i32 to index
        %get3A_993 = arith.index_cast %add3A_980 : i32 to index
        %get3A_994 = arith.constant 32 : index
        %get3A_995 = tpu.vector_load %arg6[%get3A_991, %get3A_992, %get3A_993, %get3A_994] {strides = array<i32>} : memref<2x4x128x64xf32, #tpu.memory_space<vmem>>, vector<1x1x1x16xf32>,
        %get3A_996 = vector.shape_cast %get3A_995 : vector<1x1x1x16xf32> to vector<16xf32>
        %add3A_997 = arith.addf %get3A_988, %get3A_996 : vector<16xf32>
        %get3A_998 = arith.constant 0 : i32
        %get3A_999 = arith.constant 2 : i32
        %get3A_1000 = arith.index_cast %get3A_998 : i32 to index
        %get3A_1001 = arith.index_cast %get3A_999 : i32 to index
        %get3A_1002 = arith.index_cast %add3A_980 : i32 to index
        %get3A_1003 = arith.constant 32 : index
        %get3A_1004 = tpu.vector_load %arg6[%get3A_1000, %get3A_1001, %get3A_1002, %get3A_1003] {strides = array<i32>} : memref<2x4x128x64xf32, #tpu.memory_space<vmem>>, vector<1x1x1x16xf32>,
        %get3A_1005 = vector.shape_cast %get3A_1004 : vector<1x1x1x16xf32> to vector<16xf32>
        %get3A_1006 = arith.constant 0 : i32
        %get3A_1007 = arith.constant 3 : i32
        %get3A_1008 = arith.index_cast %get3A_1006 : i32 to index
        %get3A_1009 = arith.index_cast %get3A_1007 : i32 to index
        %get3A_1010 = arith.index_cast %add3A_980 : i32 to index
        %get3A_1011 = arith.constant 32 : index
        %get3A_1012 = tpu.vector_load %arg6[%get3A_1008, %get3A_1009, %get3A_1010, %get3A_1011] {strides = array<i32>} : memref<2x4x128x64xf32, #tpu.memory_space<vmem>>, vector<1x1x1x16xf32>,
        %get3A_1013 = vector.shape_cast %get3A_1012 : vector<1x1x1x16xf32> to vector<16xf32>
        %add3A_1014 = arith.addf %get3A_1005, %get3A_1013 : vector<16xf32>
        %add3A_1015 = arith.addf %add3A_997, %add3A_1014 : vector<16xf32>
        %mul3A_1016 = arith.constant 2.500000e-01 : f32
        %mul3A_1017 = vector.broadcast %mul3A_1016 : f32 to vector<16xf32>
        %mul3A_1018 = arith.mulf %add3A_1015, %mul3A_1017 : vector<16xf32>
        %swap3A_1019 = arith.constant 0 : i32
        %swap3A_1020 = arith.index_cast %swap3A_1019 : i32 to index
        %swap3A_1021 = arith.index_cast %scan3A_878 : i32 to index
        %swap3A_1022 = arith.constant 32 : index
        %swap3A_1023 = tpu.vector_load %arg7[%swap3A_1020, %swap3A_1021, %swap3A_1022] {strides = array<i32>} : memref<2x64x128xf32, #tpu.memory_space<vmem>>, vector<1x1x16xf32>,
        %swap3A_1024 = vector.shape_cast %swap3A_1023 : vector<1x1x16xf32> to vector<16xf32>
        %swap3A_1025 = vector.shape_cast %mul3A_1018 : vector<16xf32> to vector<1x1x16xf32>
        tpu.vector_store %arg7[%swap3A_1020, %swap3A_1021, %swap3A_1022], %swap3A_1025 {strides = array<i32>} : memref<2x64x128xf32, #tpu.memory_space<vmem>>, vector<1x1x16xf32>,
        %mul3A_1026 = arith.constant 2 : i32
        %mul3A_1027 = arith.muli %mul3A_1026, %scan3A_878 : i32
        %add3A_1028 = arith.constant 0 : i32
        %add3A_1029 = arith.addi %mul3A_1027, %add3A_1028 : i32
        %get3A_1030 = arith.constant 0 : i32
        %get3A_1031 = arith.constant 0 : i32
        %get3A_1032 = arith.index_cast %get3A_1030 : i32 to index
        %get3A_1033 = arith.index_cast %get3A_1031 : i32 to index
        %get3A_1034 = arith.index_cast %add3A_1029 : i32 to index
        %get3A_1035 = arith.constant 48 : index
        %get3A_1036 = tpu.vector_load %arg6[%get3A_1032, %get3A_1033, %get3A_1034, %get3A_1035] {strides = array<i32>} : memref<2x4x128x64xf32, #tpu.memory_space<vmem>>, vector<1x1x1x16xf32>,
        %get3A_1037 = vector.shape_cast %get3A_1036 : vector<1x1x1x16xf32> to vector<16xf32>
        %get3A_1038 = arith.constant 0 : i32
        %get3A_1039 = arith.constant 1 : i32
        %get3A_1040 = arith.index_cast %get3A_1038 : i32 to index
        %get3A_1041 = arith.index_cast %get3A_1039 : i32 to index
        %get3A_1042 = arith.index_cast %add3A_1029 : i32 to index
        %get3A_1043 = arith.constant 48 : index
        %get3A_1044 = tpu.vector_load %arg6[%get3A_1040, %get3A_1041, %get3A_1042, %get3A_1043] {strides = array<i32>} : memref<2x4x128x64xf32, #tpu.memory_space<vmem>>, vector<1x1x1x16xf32>,
        %get3A_1045 = vector.shape_cast %get3A_1044 : vector<1x1x1x16xf32> to vector<16xf32>
        %add3A_1046 = arith.addf %get3A_1037, %get3A_1045 : vector<16xf32>
        %get3A_1047 = arith.constant 0 : i32
        %get3A_1048 = arith.constant 2 : i32
        %get3A_1049 = arith.index_cast %get3A_1047 : i32 to index
        %get3A_1050 = arith.index_cast %get3A_1048 : i32 to index
        %get3A_1051 = arith.index_cast %add3A_1029 : i32 to index
        %get3A_1052 = arith.constant 48 : index
        %get3A_1053 = tpu.vector_load %arg6[%get3A_1049, %get3A_1050, %get3A_1051, %get3A_1052] {strides = array<i32>} : memref<2x4x128x64xf32, #tpu.memory_space<vmem>>, vector<1x1x1x16xf32>,
        %get3A_1054 = vector.shape_cast %get3A_1053 : vector<1x1x1x16xf32> to vector<16xf32>
        %get3A_1055 = arith.constant 0 : i32
        %get3A_1056 = arith.constant 3 : i32
        %get3A_1057 = arith.index_cast %get3A_1055 : i32 to index
        %get3A_1058 = arith.index_cast %get3A_1056 : i32 to index
        %get3A_1059 = arith.index_cast %add3A_1029 : i32 to index
        %get3A_1060 = arith.constant 48 : index
        %get3A_1061 = tpu.vector_load %arg6[%get3A_1057, %get3A_1058, %get3A_1059, %get3A_1060] {strides = array<i32>} : memref<2x4x128x64xf32, #tpu.memory_space<vmem>>, vector<1x1x1x16xf32>,
        %get3A_1062 = vector.shape_cast %get3A_1061 : vector<1x1x1x16xf32> to vector<16xf32>
        %add3A_1063 = arith.addf %get3A_1054, %get3A_1062 : vector<16xf32>
        %add3A_1064 = arith.addf %add3A_1046, %add3A_1063 : vector<16xf32>
        %mul3A_1065 = arith.constant 2.500000e-01 : f32
        %mul3A_1066 = vector.broadcast %mul3A_1065 : f32 to vector<16xf32>
        %mul3A_1067 = arith.mulf %add3A_1064, %mul3A_1066 : vector<16xf32>
        %swap3A_1068 = arith.constant 0 : i32
        %swap3A_1069 = arith.index_cast %swap3A_1068 : i32 to index
        %swap3A_1070 = arith.index_cast %scan3A_878 : i32 to index
        %swap3A_1071 = arith.constant 48 : index
        %swap3A_1072 = tpu.vector_load %arg7[%swap3A_1069, %swap3A_1070, %swap3A_1071] {strides = array<i32>} : memref<2x64x128xf32, #tpu.memory_space<vmem>>, vector<1x1x16xf32>,
        %swap3A_1073 = vector.shape_cast %swap3A_1072 : vector<1x1x16xf32> to vector<16xf32>
        %swap3A_1074 = vector.shape_cast %mul3A_1067 : vector<16xf32> to vector<1x1x16xf32>
        tpu.vector_store %arg7[%swap3A_1069, %swap3A_1070, %swap3A_1071], %swap3A_1074 {strides = array<i32>} : memref<2x64x128xf32, #tpu.memory_space<vmem>>, vector<1x1x16xf32>,
        %mul3A_1075 = arith.constant 2 : i32
        %mul3A_1076 = arith.muli %mul3A_1075, %scan3A_878 : i32
        %add3A_1077 = arith.constant 1 : i32
        %add3A_1078 = arith.addi %mul3A_1076, %add3A_1077 : i32
        %get3A_1079 = arith.constant 0 : i32
        %get3A_1080 = arith.constant 0 : i32
        %get3A_1081 = arith.index_cast %get3A_1079 : i32 to index
        %get3A_1082 = arith.index_cast %get3A_1080 : i32 to index
        %get3A_1083 = arith.index_cast %add3A_1078 : i32 to index
        %get3A_1084 = arith.constant 0 : index
        %get3A_1085 = tpu.vector_load %arg6[%get3A_1081, %get3A_1082, %get3A_1083, %get3A_1084] {strides = array<i32>} : memref<2x4x128x64xf32, #tpu.memory_space<vmem>>, vector<1x1x1x16xf32>,
        %get3A_1086 = vector.shape_cast %get3A_1085 : vector<1x1x1x16xf32> to vector<16xf32>
        %get3A_1087 = arith.constant 0 : i32
        %get3A_1088 = arith.constant 1 : i32
        %get3A_1089 = arith.index_cast %get3A_1087 : i32 to index
        %get3A_1090 = arith.index_cast %get3A_1088 : i32 to index
        %get3A_1091 = arith.index_cast %add3A_1078 : i32 to index
        %get3A_1092 = arith.constant 0 : index
        %get3A_1093 = tpu.vector_load %arg6[%get3A_1089, %get3A_1090, %get3A_1091, %get3A_1092] {strides = array<i32>} : memref<2x4x128x64xf32, #tpu.memory_space<vmem>>, vector<1x1x1x16xf32>,
        %get3A_1094 = vector.shape_cast %get3A_1093 : vector<1x1x1x16xf32> to vector<16xf32>
        %add3A_1095 = arith.addf %get3A_1086, %get3A_1094 : vector<16xf32>
        %get3A_1096 = arith.constant 0 : i32
        %get3A_1097 = arith.constant 2 : i32
        %get3A_1098 = arith.index_cast %get3A_1096 : i32 to index
        %get3A_1099 = arith.index_cast %get3A_1097 : i32 to index
        %get3A_1100 = arith.index_cast %add3A_1078 : i32 to index
        %get3A_1101 = arith.constant 0 : index
        %get3A_1102 = tpu.vector_load %arg6[%get3A_1098, %get3A_1099, %get3A_1100, %get3A_1101] {strides = array<i32>} : memref<2x4x128x64xf32, #tpu.memory_space<vmem>>, vector<1x1x1x16xf32>,
        %get3A_1103 = vector.shape_cast %get3A_1102 : vector<1x1x1x16xf32> to vector<16xf32>
        %get3A_1104 = arith.constant 0 : i32
        %get3A_1105 = arith.constant 3 : i32
        %get3A_1106 = arith.index_cast %get3A_1104 : i32 to index
        %get3A_1107 = arith.index_cast %get3A_1105 : i32 to index
        %get3A_1108 = arith.index_cast %add3A_1078 : i32 to index
        %get3A_1109 = arith.constant 0 : index
        %get3A_1110 = tpu.vector_load %arg6[%get3A_1106, %get3A_1107, %get3A_1108, %get3A_1109] {strides = array<i32>} : memref<2x4x128x64xf32, #tpu.memory_space<vmem>>, vector<1x1x1x16xf32>,
        %get3A_1111 = vector.shape_cast %get3A_1110 : vector<1x1x1x16xf32> to vector<16xf32>
        %add3A_1112 = arith.addf %get3A_1103, %get3A_1111 : vector<16xf32>
        %add3A_1113 = arith.addf %add3A_1095, %add3A_1112 : vector<16xf32>
        %mul3A_1114 = arith.constant 2.500000e-01 : f32
        %mul3A_1115 = vector.broadcast %mul3A_1114 : f32 to vector<16xf32>
        %mul3A_1116 = arith.mulf %add3A_1113, %mul3A_1115 : vector<16xf32>
        %swap3A_1117 = arith.constant 0 : i32
        %swap3A_1118 = arith.index_cast %swap3A_1117 : i32 to index
        %swap3A_1119 = arith.index_cast %scan3A_878 : i32 to index
        %swap3A_1120 = arith.constant 64 : index
        %swap3A_1121 = tpu.vector_load %arg7[%swap3A_1118, %swap3A_1119, %swap3A_1120] {strides = array<i32>} : memref<2x64x128xf32, #tpu.memory_space<vmem>>, vector<1x1x16xf32>,
        %swap3A_1122 = vector.shape_cast %swap3A_1121 : vector<1x1x16xf32> to vector<16xf32>
        %swap3A_1123 = vector.shape_cast %mul3A_1116 : vector<16xf32> to vector<1x1x16xf32>
        tpu.vector_store %arg7[%swap3A_1118, %swap3A_1119, %swap3A_1120], %swap3A_1123 {strides = array<i32>} : memref<2x64x128xf32, #tpu.memory_space<vmem>>, vector<1x1x16xf32>,
        %mul3A_1124 = arith.constant 2 : i32
        %mul3A_1125 = arith.muli %mul3A_1124, %scan3A_878 : i32
        %add3A_1126 = arith.constant 1 : i32
        %add3A_1127 = arith.addi %mul3A_1125, %add3A_1126 : i32
        %get3A_1128 = arith.constant 0 : i32
        %get3A_1129 = arith.constant 0 : i32
        %get3A_1130 = arith.index_cast %get3A_1128 : i32 to index
        %get3A_1131 = arith.index_cast %get3A_1129 : i32 to index
        %get3A_1132 = arith.index_cast %add3A_1127 : i32 to index
        %get3A_1133 = arith.constant 16 : index
        %get3A_1134 = tpu.vector_load %arg6[%get3A_1130, %get3A_1131, %get3A_1132, %get3A_1133] {strides = array<i32>} : memref<2x4x128x64xf32, #tpu.memory_space<vmem>>, vector<1x1x1x16xf32>,
        %get3A_1135 = vector.shape_cast %get3A_1134 : vector<1x1x1x16xf32> to vector<16xf32>
        %get3A_1136 = arith.constant 0 : i32
        %get3A_1137 = arith.constant 1 : i32
        %get3A_1138 = arith.index_cast %get3A_1136 : i32 to index
        %get3A_1139 = arith.index_cast %get3A_1137 : i32 to index
        %get3A_1140 = arith.index_cast %add3A_1127 : i32 to index
        %get3A_1141 = arith.constant 16 : index
        %get3A_1142 = tpu.vector_load %arg6[%get3A_1138, %get3A_1139, %get3A_1140, %get3A_1141] {strides = array<i32>} : memref<2x4x128x64xf32, #tpu.memory_space<vmem>>, vector<1x1x1x16xf32>,
        %get3A_1143 = vector.shape_cast %get3A_1142 : vector<1x1x1x16xf32> to vector<16xf32>
        %add3A_1144 = arith.addf %get3A_1135, %get3A_1143 : vector<16xf32>
        %get3A_1145 = arith.constant 0 : i32
        %get3A_1146 = arith.constant 2 : i32
        %get3A_1147 = arith.index_cast %get3A_1145 : i32 to index
        %get3A_1148 = arith.index_cast %get3A_1146 : i32 to index
        %get3A_1149 = arith.index_cast %add3A_1127 : i32 to index
        %get3A_1150 = arith.constant 16 : index
        %get3A_1151 = tpu.vector_load %arg6[%get3A_1147, %get3A_1148, %get3A_1149, %get3A_1150] {strides = array<i32>} : memref<2x4x128x64xf32, #tpu.memory_space<vmem>>, vector<1x1x1x16xf32>,
        %get3A_1152 = vector.shape_cast %get3A_1151 : vector<1x1x1x16xf32> to vector<16xf32>
        %get3A_1153 = arith.constant 0 : i32
        %get3A_1154 = arith.constant 3 : i32
        %get3A_1155 = arith.index_cast %get3A_1153 : i32 to index
        %get3A_1156 = arith.index_cast %get3A_1154 : i32 to index
        %get3A_1157 = arith.index_cast %add3A_1127 : i32 to index
        %get3A_1158 = arith.constant 16 : index
        %get3A_1159 = tpu.vector_load %arg6[%get3A_1155, %get3A_1156, %get3A_1157, %get3A_1158] {strides = array<i32>} : memref<2x4x128x64xf32, #tpu.memory_space<vmem>>, vector<1x1x1x16xf32>,
        %get3A_1160 = vector.shape_cast %get3A_1159 : vector<1x1x1x16xf32> to vector<16xf32>
        %add3A_1161 = arith.addf %get3A_1152, %get3A_1160 : vector<16xf32>
        %add3A_1162 = arith.addf %add3A_1144, %add3A_1161 : vector<16xf32>
        %mul3A_1163 = arith.constant 2.500000e-01 : f32
        %mul3A_1164 = vector.broadcast %mul3A_1163 : f32 to vector<16xf32>
        %mul3A_1165 = arith.mulf %add3A_1162, %mul3A_1164 : vector<16xf32>
        %swap3A_1166 = arith.constant 0 : i32
        %swap3A_1167 = arith.index_cast %swap3A_1166 : i32 to index
        %swap3A_1168 = arith.index_cast %scan3A_878 : i32 to index
        %swap3A_1169 = arith.constant 80 : index
        %swap3A_1170 = tpu.vector_load %arg7[%swap3A_1167, %swap3A_1168, %swap3A_1169] {strides = array<i32>} : memref<2x64x128xf32, #tpu.memory_space<vmem>>, vector<1x1x16xf32>,
        %swap3A_1171 = vector.shape_cast %swap3A_1170 : vector<1x1x16xf32> to vector<16xf32>
        %swap3A_1172 = vector.shape_cast %mul3A_1165 : vector<16xf32> to vector<1x1x16xf32>
        tpu.vector_store %arg7[%swap3A_1167, %swap3A_1168, %swap3A_1169], %swap3A_1172 {strides = array<i32>} : memref<2x64x128xf32, #tpu.memory_space<vmem>>, vector<1x1x16xf32>,
        %mul3A_1173 = arith.constant 2 : i32
        %mul3A_1174 = arith.muli %mul3A_1173, %scan3A_878 : i32
        %add3A_1175 = arith.constant 1 : i32
        %add3A_1176 = arith.addi %mul3A_1174, %add3A_1175 : i32
        %get3A_1177 = arith.constant 0 : i32
        %get3A_1178 = arith.constant 0 : i32
        %get3A_1179 = arith.index_cast %get3A_1177 : i32 to index
        %get3A_1180 = arith.index_cast %get3A_1178 : i32 to index
        %get3A_1181 = arith.index_cast %add3A_1176 : i32 to index
        %get3A_1182 = arith.constant 32 : index
        %get3A_1183 = tpu.vector_load %arg6[%get3A_1179, %get3A_1180, %get3A_1181, %get3A_1182] {strides = array<i32>} : memref<2x4x128x64xf32, #tpu.memory_space<vmem>>, vector<1x1x1x16xf32>,
        %get3A_1184 = vector.shape_cast %get3A_1183 : vector<1x1x1x16xf32> to vector<16xf32>
        %get3A_1185 = arith.constant 0 : i32
        %get3A_1186 = arith.constant 1 : i32
        %get3A_1187 = arith.index_cast %get3A_1185 : i32 to index
        %get3A_1188 = arith.index_cast %get3A_1186 : i32 to index
        %get3A_1189 = arith.index_cast %add3A_1176 : i32 to index
        %get3A_1190 = arith.constant 32 : index
        %get3A_1191 = tpu.vector_load %arg6[%get3A_1187, %get3A_1188, %get3A_1189, %get3A_1190] {strides = array<i32>} : memref<2x4x128x64xf32, #tpu.memory_space<vmem>>, vector<1x1x1x16xf32>,
        %get3A_1192 = vector.shape_cast %get3A_1191 : vector<1x1x1x16xf32> to vector<16xf32>
        %add3A_1193 = arith.addf %get3A_1184, %get3A_1192 : vector<16xf32>
        %get3A_1194 = arith.constant 0 : i32
        %get3A_1195 = arith.constant 2 : i32
        %get3A_1196 = arith.index_cast %get3A_1194 : i32 to index
        %get3A_1197 = arith.index_cast %get3A_1195 : i32 to index
        %get3A_1198 = arith.index_cast %add3A_1176 : i32 to index
        %get3A_1199 = arith.constant 32 : index
        %get3A_1200 = tpu.vector_load %arg6[%get3A_1196, %get3A_1197, %get3A_1198, %get3A_1199] {strides = array<i32>} : memref<2x4x128x64xf32, #tpu.memory_space<vmem>>, vector<1x1x1x16xf32>,
        %get3A_1201 = vector.shape_cast %get3A_1200 : vector<1x1x1x16xf32> to vector<16xf32>
        %get3A_1202 = arith.constant 0 : i32
        %get3A_1203 = arith.constant 3 : i32
        %get3A_1204 = arith.index_cast %get3A_1202 : i32 to index
        %get3A_1205 = arith.index_cast %get3A_1203 : i32 to index
        %get3A_1206 = arith.index_cast %add3A_1176 : i32 to index
        %get3A_1207 = arith.constant 32 : index
        %get3A_1208 = tpu.vector_load %arg6[%get3A_1204, %get3A_1205, %get3A_1206, %get3A_1207] {strides = array<i32>} : memref<2x4x128x64xf32, #tpu.memory_space<vmem>>, vector<1x1x1x16xf32>,
        %get3A_1209 = vector.shape_cast %get3A_1208 : vector<1x1x1x16xf32> to vector<16xf32>
        %add3A_1210 = arith.addf %get3A_1201, %get3A_1209 : vector<16xf32>
        %add3A_1211 = arith.addf %add3A_1193, %add3A_1210 : vector<16xf32>
        %mul3A_1212 = arith.constant 2.500000e-01 : f32
        %mul3A_1213 = vector.broadcast %mul3A_1212 : f32 to vector<16xf32>
        %mul3A_1214 = arith.mulf %add3A_1211, %mul3A_1213 : vector<16xf32>
        %swap3A_1215 = arith.constant 0 : i32
        %swap3A_1216 = arith.index_cast %swap3A_1215 : i32 to index
        %swap3A_1217 = arith.index_cast %scan3A_878 : i32 to index
        %swap3A_1218 = arith.constant 96 : index
        %swap3A_1219 = tpu.vector_load %arg7[%swap3A_1216, %swap3A_1217, %swap3A_1218] {strides = array<i32>} : memref<2x64x128xf32, #tpu.memory_space<vmem>>, vector<1x1x16xf32>,
        %swap3A_1220 = vector.shape_cast %swap3A_1219 : vector<1x1x16xf32> to vector<16xf32>
        %swap3A_1221 = vector.shape_cast %mul3A_1214 : vector<16xf32> to vector<1x1x16xf32>
        tpu.vector_store %arg7[%swap3A_1216, %swap3A_1217, %swap3A_1218], %swap3A_1221 {strides = array<i32>} : memref<2x64x128xf32, #tpu.memory_space<vmem>>, vector<1x1x16xf32>,
        %mul3A_1222 = arith.constant 2 : i32
        %mul3A_1223 = arith.muli %mul3A_1222, %scan3A_878 : i32
        %add3A_1224 = arith.constant 1 : i32
        %add3A_1225 = arith.addi %mul3A_1223, %add3A_1224 : i32
        %get3A_1226 = arith.constant 0 : i32
        %get3A_1227 = arith.constant 0 : i32
        %get3A_1228 = arith.index_cast %get3A_1226 : i32 to index
        %get3A_1229 = arith.index_cast %get3A_1227 : i32 to index
        %get3A_1230 = arith.index_cast %add3A_1225 : i32 to index
        %get3A_1231 = arith.constant 48 : index
        %get3A_1232 = tpu.vector_load %arg6[%get3A_1228, %get3A_1229, %get3A_1230, %get3A_1231] {strides = array<i32>} : memref<2x4x128x64xf32, #tpu.memory_space<vmem>>, vector<1x1x1x16xf32>,
        %get3A_1233 = vector.shape_cast %get3A_1232 : vector<1x1x1x16xf32> to vector<16xf32>
        %get3A_1234 = arith.constant 0 : i32
        %get3A_1235 = arith.constant 1 : i32
        %get3A_1236 = arith.index_cast %get3A_1234 : i32 to index
        %get3A_1237 = arith.index_cast %get3A_1235 : i32 to index
        %get3A_1238 = arith.index_cast %add3A_1225 : i32 to index
        %get3A_1239 = arith.constant 48 : index
        %get3A_1240 = tpu.vector_load %arg6[%get3A_1236, %get3A_1237, %get3A_1238, %get3A_1239] {strides = array<i32>} : memref<2x4x128x64xf32, #tpu.memory_space<vmem>>, vector<1x1x1x16xf32>,
        %get3A_1241 = vector.shape_cast %get3A_1240 : vector<1x1x1x16xf32> to vector<16xf32>
        %add3A_1242 = arith.addf %get3A_1233, %get3A_1241 : vector<16xf32>
        %get3A_1243 = arith.constant 0 : i32
        %get3A_1244 = arith.constant 2 : i32
        %get3A_1245 = arith.index_cast %get3A_1243 : i32 to index
        %get3A_1246 = arith.index_cast %get3A_1244 : i32 to index
        %get3A_1247 = arith.index_cast %add3A_1225 : i32 to index
        %get3A_1248 = arith.constant 48 : index
        %get3A_1249 = tpu.vector_load %arg6[%get3A_1245, %get3A_1246, %get3A_1247, %get3A_1248] {strides = array<i32>} : memref<2x4x128x64xf32, #tpu.memory_space<vmem>>, vector<1x1x1x16xf32>,
        %get3A_1250 = vector.shape_cast %get3A_1249 : vector<1x1x1x16xf32> to vector<16xf32>
        %get3A_1251 = arith.constant 0 : i32
        %get3A_1252 = arith.constant 3 : i32
        %get3A_1253 = arith.index_cast %get3A_1251 : i32 to index
        %get3A_1254 = arith.index_cast %get3A_1252 : i32 to index
        %get3A_1255 = arith.index_cast %add3A_1225 : i32 to index
        %get3A_1256 = arith.constant 48 : index
        %get3A_1257 = tpu.vector_load %arg6[%get3A_1253, %get3A_1254, %get3A_1255, %get3A_1256] {strides = array<i32>} : memref<2x4x128x64xf32, #tpu.memory_space<vmem>>, vector<1x1x1x16xf32>,
        %get3A_1258 = vector.shape_cast %get3A_1257 : vector<1x1x1x16xf32> to vector<16xf32>
        %add3A_1259 = arith.addf %get3A_1250, %get3A_1258 : vector<16xf32>
        %add3A_1260 = arith.addf %add3A_1242, %add3A_1259 : vector<16xf32>
        %mul3A_1261 = arith.constant 2.500000e-01 : f32
        %mul3A_1262 = vector.broadcast %mul3A_1261 : f32 to vector<16xf32>
        %mul3A_1263 = arith.mulf %add3A_1260, %mul3A_1262 : vector<16xf32>
        %swap3A_1264 = arith.constant 0 : i32
        %swap3A_1265 = arith.index_cast %swap3A_1264 : i32 to index
        %swap3A_1266 = arith.index_cast %scan3A_878 : i32 to index
        %swap3A_1267 = arith.constant 112 : index
        %swap3A_1268 = tpu.vector_load %arg7[%swap3A_1265, %swap3A_1266, %swap3A_1267] {strides = array<i32>} : memref<2x64x128xf32, #tpu.memory_space<vmem>>, vector<1x1x16xf32>,
        %swap3A_1269 = vector.shape_cast %swap3A_1268 : vector<1x1x16xf32> to vector<16xf32>
        %swap3A_1270 = vector.shape_cast %mul3A_1263 : vector<16xf32> to vector<1x1x16xf32>
        tpu.vector_store %arg7[%swap3A_1265, %swap3A_1266, %swap3A_1267], %swap3A_1270 {strides = array<i32>} : memref<2x64x128xf32, #tpu.memory_space<vmem>>, vector<1x1x16xf32>,
      }
      %scan3A_304 = arith.constant 64 : i32
      %mul3A_305 = arith.constant 128 : i32
      %mul3A_306 = arith.muli %add3A_211, %mul3A_305 : i32
      %add3A_307 = arith.addi %mul3A_2, %mul3A_306 : i32
      %jit3A_308 = arith.constant 2 : i32
      %div3A_309 = arith.divsi %add3A_307, %jit3A_308 : i32
      %sign3A_310 = arith.constant 0 : i32
      %sign3A_311 = arith.cmpi sgt, %add3A_307, %sign3A_310 : i32
      %sign3A_312 = arith.extui %sign3A_311 : i1 to i32
      %sign3A_313 = arith.constant 0 : i32
      %sign3A_314 = arith.cmpi slt, %add3A_307, %sign3A_313 : i32
      %sign3A_315 = arith.extui %sign3A_314 : i1 to i32
      %sign3A_316 = arith.subi %sign3A_312, %sign3A_315 : i32
      %sign3A_317 = arith.constant 0 : i32
      %sign3A_318 = arith.cmpi sgt, %jit3A_308, %sign3A_317 : i32
      %sign3A_319 = arith.extui %sign3A_318 : i1 to i32
      %sign3A_320 = arith.constant 0 : i32
      %sign3A_321 = arith.cmpi slt, %jit3A_308, %sign3A_320 : i32
      %sign3A_322 = arith.extui %sign3A_321 : i1 to i32
      %sign3A_323 = arith.subi %sign3A_319, %sign3A_322 : i32
      %ne3A_324 = arith.cmpi ne, %sign3A_316, %sign3A_323 : i32
      %rem3A_325 = arith.remsi %add3A_307, %jit3A_308 : i32
      %ne3A_326 = arith.constant 0 : i32
      %ne3A_327 = arith.cmpi ne, %rem3A_325, %ne3A_326 : i32
      %and3A_328 = arith.andi %ne3A_324, %ne3A_327 : i1
      %sub3A_329 = arith.constant 1 : i32
      %sub3A_330 = arith.subi %div3A_309, %sub3A_329 : i32
      %select_n3A_331 = arith.select %and3A_328, %sub3A_330, %div3A_309 : i32
      %dma_start3A_332 = arith.constant 0 : i32
      %dma_start3A_333 = arith.constant 0 : i32
      %dma_start3A_334 = arith.constant 0 : i32
      %dma_start3A_335 = tpu.memref_slice %arg7[%dma_start3A_332, %dma_start3A_333, %dma_start3A_334] : memref<2x64x128xf32, #tpu.memory_space<vmem>> -> memref<1x64x128xf32, #tpu.memory_space<vmem>>
      %dma_start3A_336 = tpu.memref_squeeze %dma_start3A_335 : memref<1x64x128xf32, #tpu.memory_space<vmem>> -> memref<64x128xf32, #tpu.memory_space<vmem>>
      %dma_start3A_337 = arith.constant 0 : i32
      %dma_start3A_338 = tpu.memref_slice %arg4[%select_n3A_331, %dma_start3A_337] : memref<409600x128xf32, #tpu.memory_space<hbm>> -> memref<64x128xf32, #tpu.memory_space<hbm>>
      %dma_start3A_339 = arith.constant 0 : i32
      %dma_start3A_340 = tpu.memref_slice %arg4[%select_n3A_331, %dma_start3A_339] : memref<409600x128xf32, #tpu.memory_space<hbm>> -> memref<64x128xf32, #tpu.memory_space<hbm>>
      %dma_start3A_341 = arith.constant 0 : i32
      %dma_start3A_342 = arith.constant 0 : i32
      %dma_start3A_343 = tpu.memref_slice %arg7[%dma_start3A_332, %dma_start3A_341, %dma_start3A_342] : memref<2x64x128xf32, #tpu.memory_space<vmem>> -> memref<1x64x128xf32, #tpu.memory_space<vmem>>
      %dma_start3A_344 = tpu.memref_squeeze %dma_start3A_343 : memref<1x64x128xf32, #tpu.memory_space<vmem>> -> memref<64x128xf32, #tpu.memory_space<vmem>>
      tpu.enqueue_dma source(%dma_start3A_344 : memref<64x128xf32, #tpu.memory_space<vmem>>) target(%dma_start3A_340 : memref<64x128xf32, #tpu.memory_space<hbm>>) target_semaphore(%arg12 : memref<!tpu.dma_semaphore, #tpu.memory_space<semaphore_mem>>)
      %mul3A_345 = arith.constant 2 : i32
      %mul3A_346 = arith.muli %scan3A_207, %mul3A_345 : i32
      %add3A_347 = arith.constant 1 : i32
      %add3A_348 = arith.addi %mul3A_346, %add3A_347 : i32
      %dma_wait3A_349 = arith.constant 0 : i32
      %dma_wait3A_350 = arith.constant 1 : i32
      %dma_wait3A_351 = arith.constant 1 : i32
      %dma_wait3A_352 = arith.constant 0 : i32
      %dma_wait3A_353 = arith.constant 0 : i32
      %dma_wait3A_354 = arith.constant 0 : i32
      %dma_wait3A_355 = tpu.memref_slice %arg6[%dma_wait3A_351, %dma_wait3A_352, %dma_wait3A_353, %dma_wait3A_354] : memref<2x4x128x64xf32, #tpu.memory_space<vmem>> -> memref<1x1x128x64xf32, #tpu.memory_space<vmem>>
      %dma_wait3A_356 = tpu.memref_squeeze %dma_wait3A_355 : memref<1x1x128x64xf32, #tpu.memory_space<vmem>> -> memref<128x64xf32, #tpu.memory_space<vmem>>
      %dma_wait3A_357 = arith.constant 0 : i32
      %dma_wait3A_358 = tpu.memref_slice %arg5[%dma_wait3A_350, %dma_wait3A_357] : memref<2x512xi32, #tpu.memory_space<vmem>> -> memref<1x128xi32, #tpu.memory_space<vmem>>
      %dma_wait3A_359 = tpu.memref_squeeze %dma_wait3A_358 : memref<1x128xi32, #tpu.memory_space<vmem>> -> memref<128xi32, #tpu.memory_space<vmem>>
      %dma_wait3A_360 = arith.constant 0 : i32
      %dma_wait3A_361 = arith.constant 0 : i32
      %dma_wait3A_362 = tpu.memref_slice %arg3[%dma_wait3A_349, %dma_wait3A_360, %dma_wait3A_361] : memref<4x8192x64xf32, #tpu.memory_space<hbm>> -> memref<1x8192x64xf32, #tpu.memory_space<hbm>>
      %dma_wait3A_363 = tpu.memref_squeeze %dma_wait3A_362 : memref<1x8192x64xf32, #tpu.memory_space<hbm>> -> memref<8192x64xf32, #tpu.memory_space<hbm>>
      %dma_wait3A_364 = arith.constant 0 : i32
      %dma_wait3A_365 = arith.constant 0 : i32
      %dma_wait3A_366 = tpu.memref_slice %dma_wait3A_363[%dma_wait3A_364, %dma_wait3A_365] : memref<8192x64xf32, #tpu.memory_space<hbm>> -> memref<8192x64xf32, #tpu.memory_space<hbm>>
      tpu.wait_indirect_dma semaphore(%arg11 : memref<!tpu.dma_semaphore, #tpu.memory_space<semaphore_mem>>) src(%dma_wait3A_366 : memref<8192x64xf32, #tpu.memory_space<hbm>>) dst(%dma_wait3A_356 : memref<128x64xf32, #tpu.memory_space<vmem>>)
      %dma_wait3A_367 = arith.constant 1 : i32
      %dma_wait3A_368 = arith.constant 1 : i32
      %dma_wait3A_369 = arith.constant 1 : i32
      %dma_wait3A_370 = arith.constant 1 : i32
      %dma_wait3A_371 = arith.constant 0 : i32
      %dma_wait3A_372 = arith.constant 0 : i32
      %dma_wait3A_373 = tpu.memref_slice %arg6[%dma_wait3A_369, %dma_wait3A_370, %dma_wait3A_371, %dma_wait3A_372] : memref<2x4x128x64xf32, #tpu.memory_space<vmem>> -> memref<1x1x128x64xf32, #tpu.memory_space<vmem>>
      %dma_wait3A_374 = tpu.memref_squeeze %dma_wait3A_373 : memref<1x1x128x64xf32, #tpu.memory_space<vmem>> -> memref<128x64xf32, #tpu.memory_space<vmem>>
      %dma_wait3A_375 = arith.constant 128 : i32
      %dma_wait3A_376 = tpu.memref_slice %arg5[%dma_wait3A_368, %dma_wait3A_375] : memref<2x512xi32, #tpu.memory_space<vmem>> -> memref<1x128xi32, #tpu.memory_space<vmem>>
      %dma_wait3A_377 = tpu.memref_squeeze %dma_wait3A_376 : memref<1x128xi32, #tpu.memory_space<vmem>> -> memref<128xi32, #tpu.memory_space<vmem>>
      %dma_wait3A_378 = arith.constant 0 : i32
      %dma_wait3A_379 = arith.constant 0 : i32
      %dma_wait3A_380 = tpu.memref_slice %arg3[%dma_wait3A_367, %dma_wait3A_378, %dma_wait3A_379] : memref<4x8192x64xf32, #tpu.memory_space<hbm>> -> memref<1x8192x64xf32, #tpu.memory_space<hbm>>
      %dma_wait3A_381 = tpu.memref_squeeze %dma_wait3A_380 : memref<1x8192x64xf32, #tpu.memory_space<hbm>> -> memref<8192x64xf32, #tpu.memory_space<hbm>>
      %dma_wait3A_382 = arith.constant 0 : i32
      %dma_wait3A_383 = arith.constant 0 : i32
      %dma_wait3A_384 = tpu.memref_slice %dma_wait3A_381[%dma_wait3A_382, %dma_wait3A_383] : memref<8192x64xf32, #tpu.memory_space<hbm>> -> memref<8192x64xf32, #tpu.memory_space<hbm>>
      tpu.wait_indirect_dma semaphore(%arg11 : memref<!tpu.dma_semaphore, #tpu.memory_space<semaphore_mem>>) src(%dma_wait3A_384 : memref<8192x64xf32, #tpu.memory_space<hbm>>) dst(%dma_wait3A_374 : memref<128x64xf32, #tpu.memory_space<vmem>>)
      %dma_wait3A_385 = arith.constant 2 : i32
      %dma_wait3A_386 = arith.constant 1 : i32
      %dma_wait3A_387 = arith.constant 1 : i32
      %dma_wait3A_388 = arith.constant 2 : i32
      %dma_wait3A_389 = arith.constant 0 : i32
      %dma_wait3A_390 = arith.constant 0 : i32
      %dma_wait3A_391 = tpu.memref_slice %arg6[%dma_wait3A_387, %dma_wait3A_388, %dma_wait3A_389, %dma_wait3A_390] : memref<2x4x128x64xf32, #tpu.memory_space<vmem>> -> memref<1x1x128x64xf32, #tpu.memory_space<vmem>>
      %dma_wait3A_392 = tpu.memref_squeeze %dma_wait3A_391 : memref<1x1x128x64xf32, #tpu.memory_space<vmem>> -> memref<128x64xf32, #tpu.memory_space<vmem>>
      %dma_wait3A_393 = arith.constant 256 : i32
      %dma_wait3A_394 = tpu.memref_slice %arg5[%dma_wait3A_386, %dma_wait3A_393] : memref<2x512xi32, #tpu.memory_space<vmem>> -> memref<1x128xi32, #tpu.memory_space<vmem>>
      %dma_wait3A_395 = tpu.memref_squeeze %dma_wait3A_394 : memref<1x128xi32, #tpu.memory_space<vmem>> -> memref<128xi32, #tpu.memory_space<vmem>>
      %dma_wait3A_396 = arith.constant 0 : i32
      %dma_wait3A_397 = arith.constant 0 : i32
      %dma_wait3A_398 = tpu.memref_slice %arg3[%dma_wait3A_385, %dma_wait3A_396, %dma_wait3A_397] : memref<4x8192x64xf32, #tpu.memory_space<hbm>> -> memref<1x8192x64xf32, #tpu.memory_space<hbm>>
      %dma_wait3A_399 = tpu.memref_squeeze %dma_wait3A_398 : memref<1x8192x64xf32, #tpu.memory_space<hbm>> -> memref<8192x64xf32, #tpu.memory_space<hbm>>
      %dma_wait3A_400 = arith.constant 0 : i32
      %dma_wait3A_401 = arith.constant 0 : i32
      %dma_wait3A_402 = tpu.memref_slice %dma_wait3A_399[%dma_wait3A_400, %dma_wait3A_401] : memref<8192x64xf32, #tpu.memory_space<hbm>> -> memref<8192x64xf32, #tpu.memory_space<hbm>>
      tpu.wait_indirect_dma semaphore(%arg11 : memref<!tpu.dma_semaphore, #tpu.memory_space<semaphore_mem>>) src(%dma_wait3A_402 : memref<8192x64xf32, #tpu.memory_space<hbm>>) dst(%dma_wait3A_392 : memref<128x64xf32, #tpu.memory_space<vmem>>)
      %dma_wait3A_403 = arith.constant 3 : i32
      %dma_wait3A_404 = arith.constant 1 : i32
      %dma_wait3A_405 = arith.constant 1 : i32
      %dma_wait3A_406 = arith.constant 3 : i32
      %dma_wait3A_407 = arith.constant 0 : i32
      %dma_wait3A_408 = arith.constant 0 : i32
      %dma_wait3A_409 = tpu.memref_slice %arg6[%dma_wait3A_405, %dma_wait3A_406, %dma_wait3A_407, %dma_wait3A_408] : memref<2x4x128x64xf32, #tpu.memory_space<vmem>> -> memref<1x1x128x64xf32, #tpu.memory_space<vmem>>
      %dma_wait3A_410 = tpu.memref_squeeze %dma_wait3A_409 : memref<1x1x128x64xf32, #tpu.memory_space<vmem>> -> memref<128x64xf32, #tpu.memory_space<vmem>>
      %dma_wait3A_411 = arith.constant 384 : i32
      %dma_wait3A_412 = tpu.memref_slice %arg5[%dma_wait3A_404, %dma_wait3A_411] : memref<2x512xi32, #tpu.memory_space<vmem>> -> memref<1x128xi32, #tpu.memory_space<vmem>>
      %dma_wait3A_413 = tpu.memref_squeeze %dma_wait3A_412 : memref<1x128xi32, #tpu.memory_space<vmem>> -> memref<128xi32, #tpu.memory_space<vmem>>
      %dma_wait3A_414 = arith.constant 0 : i32
      %dma_wait3A_415 = arith.constant 0 : i32
      %dma_wait3A_416 = tpu.memref_slice %arg3[%dma_wait3A_403, %dma_wait3A_414, %dma_wait3A_415] : memref<4x8192x64xf32, #tpu.memory_space<hbm>> -> memref<1x8192x64xf32, #tpu.memory_space<hbm>>
      %dma_wait3A_417 = tpu.memref_squeeze %dma_wait3A_416 : memref<1x8192x64xf32, #tpu.memory_space<hbm>> -> memref<8192x64xf32, #tpu.memory_space<hbm>>
      %dma_wait3A_418 = arith.constant 0 : i32
      %dma_wait3A_419 = arith.constant 0 : i32
      %dma_wait3A_420 = tpu.memref_slice %dma_wait3A_417[%dma_wait3A_418, %dma_wait3A_419] : memref<8192x64xf32, #tpu.memory_space<hbm>> -> memref<8192x64xf32, #tpu.memory_space<hbm>>
      tpu.wait_indirect_dma semaphore(%arg11 : memref<!tpu.dma_semaphore, #tpu.memory_space<semaphore_mem>>) src(%dma_wait3A_420 : memref<8192x64xf32, #tpu.memory_space<hbm>>) dst(%dma_wait3A_410 : memref<128x64xf32, #tpu.memory_space<vmem>>)
      %add3A_421 = arith.constant 2 : i32
      %add3A_422 = arith.addi %add3A_348, %add3A_421 : i32
      %lt3A_423 = arith.constant 200 : i32
      %lt3A_424 = arith.cmpi slt, %add3A_422, %lt3A_423 : i32
      %convert_element_type3A_425 = arith.extui %lt3A_424 : i1 to i32
      %cond3A_426 = arith.constant 0 : i32
      %cond3A_427 = arith.cmpi ne, %convert_element_type3A_425, %cond3A_426 : i32
      scf.if %cond3A_427 {
        %add3A_486 = arith.constant 2 : i32
        %add3A_487 = arith.addi %add3A_348, %add3A_486 : i32
        %add3A_488 = arith.addi %select_n3A, %add3A_487 : i32
        %mul3A_489 = arith.constant 512 : i32
        %mul3A_490 = arith.muli %add3A_488, %mul3A_489 : i32
        %dma_start3A_491 = arith.constant 1 : i32
        %dma_start3A_492 = arith.constant 0 : i32
        %dma_start3A_493 = tpu.memref_slice %arg5[%dma_start3A_491, %dma_start3A_492] : memref<2x512xi32, #tpu.memory_space<vmem>> -> memref<1x512xi32, #tpu.memory_space<vmem>>
        %dma_start3A_494 = tpu.memref_squeeze %dma_start3A_493 : memref<1x512xi32, #tpu.memory_space<vmem>> -> memref<512xi32, #tpu.memory_space<vmem>>
        %dma_start3A_495 = tpu.memref_slice %arg2[%mul3A_490] : memref<3276800xi32, #tpu.memory_space<hbm>> -> memref<512xi32, #tpu.memory_space<hbm>>
        %dma_start3A_496 = arith.constant 0 : i32
        %dma_start3A_497 = tpu.memref_slice %arg5[%dma_start3A_491, %dma_start3A_496] : memref<2x512xi32, #tpu.memory_space<vmem>> -> memref<1x512xi32, #tpu.memory_space<vmem>>
        %dma_start3A_498 = tpu.memref_squeeze %dma_start3A_497 : memref<1x512xi32, #tpu.memory_space<vmem>> -> memref<512xi32, #tpu.memory_space<vmem>>
        %dma_start3A_499 = tpu.memref_slice %arg2[%mul3A_490] : memref<3276800xi32, #tpu.memory_space<hbm>> -> memref<512xi32, #tpu.memory_space<hbm>>
        tpu.enqueue_dma source(%dma_start3A_499 : memref<512xi32, #tpu.memory_space<hbm>>) target(%dma_start3A_498 : memref<512xi32, #tpu.memory_space<vmem>>) target_semaphore(%arg9 : memref<!tpu.dma_semaphore, #tpu.memory_space<semaphore_mem>>)
      } else {
      }
      %add3A_428 = arith.constant 1 : i32
      %add3A_429 = arith.addi %add3A_348, %add3A_428 : i32
      %lt3A_430 = arith.constant 200 : i32
      %lt3A_431 = arith.cmpi slt, %add3A_429, %lt3A_430 : i32
      %convert_element_type3A_432 = arith.extui %lt3A_431 : i1 to i32
      %cond3A_433 = arith.constant 0 : i32
      %cond3A_434 = arith.cmpi ne, %convert_element_type3A_432, %cond3A_433 : i32
      scf.if %cond3A_434 {
        %add3A_486 = arith.constant 1 : i32
        %add3A_487 = arith.addi %add3A_348, %add3A_486 : i32
        %add3A_488 = arith.addi %select_n3A, %add3A_487 : i32
        %mul3A_489 = arith.constant 512 : i32
        %mul3A_490 = arith.muli %add3A_488, %mul3A_489 : i32
        %dma_wait3A_491 = arith.constant 0 : i32
        %dma_wait3A_492 = arith.constant 0 : i32
        %dma_wait3A_493 = tpu.memref_slice %arg5[%dma_wait3A_491, %dma_wait3A_492] : memref<2x512xi32, #tpu.memory_space<vmem>> -> memref<1x512xi32, #tpu.memory_space<vmem>>
        %dma_wait3A_494 = tpu.memref_squeeze %dma_wait3A_493 : memref<1x512xi32, #tpu.memory_space<vmem>> -> memref<512xi32, #tpu.memory_space<vmem>>
        %dma_wait3A_495 = tpu.memref_slice %arg2[%mul3A_490] : memref<3276800xi32, #tpu.memory_space<hbm>> -> memref<512xi32, #tpu.memory_space<hbm>>
        %dma_wait3A_496 = arith.constant 0 : i32
        %dma_wait3A_497 = tpu.memref_slice %arg5[%dma_wait3A_491, %dma_wait3A_496] : memref<2x512xi32, #tpu.memory_space<vmem>> -> memref<1x512xi32, #tpu.memory_space<vmem>>
        %dma_wait3A_498 = tpu.memref_squeeze %dma_wait3A_497 : memref<1x512xi32, #tpu.memory_space<vmem>> -> memref<512xi32, #tpu.memory_space<vmem>>
        %dma_wait3A_499 = tpu.memref_slice %arg2[%mul3A_490] : memref<3276800xi32, #tpu.memory_space<hbm>> -> memref<512xi32, #tpu.memory_space<hbm>>
        tpu.wait_dma2 semaphore(%arg8 : memref<!tpu.dma_semaphore, #tpu.memory_space<semaphore_mem>>) src(%dma_wait3A_499 : memref<512xi32, #tpu.memory_space<hbm>>) dst(%dma_wait3A_498 : memref<512xi32, #tpu.memory_space<vmem>>)
        %dma_start3A_500 = arith.constant 0 : i32
        %dma_start3A_501 = arith.constant 0 : i32
        %dma_start3A_502 = arith.constant 0 : i32
        %dma_start3A_503 = arith.constant 0 : i32
        %dma_start3A_504 = arith.constant 0 : i32
        %dma_start3A_505 = arith.constant 0 : i32
        %dma_start3A_506 = tpu.memref_slice %arg6[%dma_start3A_502, %dma_start3A_503, %dma_start3A_504, %dma_start3A_505] : memref<2x4x128x64xf32, #tpu.memory_space<vmem>> -> memref<1x1x128x64xf32, #tpu.memory_space<vmem>>
        %dma_start3A_507 = tpu.memref_squeeze %dma_start3A_506 : memref<1x1x128x64xf32, #tpu.memory_space<vmem>> -> memref<128x64xf32, #tpu.memory_space<vmem>>
        %dma_start3A_508 = arith.constant 0 : i32
        %dma_start3A_509 = tpu.memref_slice %arg5[%dma_start3A_501, %dma_start3A_508] : memref<2x512xi32, #tpu.memory_space<vmem>> -> memref<1x128xi32, #tpu.memory_space<vmem>>
        %dma_start3A_510 = tpu.memref_squeeze %dma_start3A_509 : memref<1x128xi32, #tpu.memory_space<vmem>> -> memref<128xi32, #tpu.memory_space<vmem>>
        %dma_start3A_511 = arith.constant 0 : i32
        %dma_start3A_512 = arith.constant 0 : i32
        %dma_start3A_513 = tpu.memref_slice %arg3[%dma_start3A_500, %dma_start3A_511, %dma_start3A_512] : memref<4x8192x64xf32, #tpu.memory_space<hbm>> -> memref<1x8192x64xf32, #tpu.memory_space<hbm>>
        %dma_start3A_514 = tpu.memref_squeeze %dma_start3A_513 : memref<1x8192x64xf32, #tpu.memory_space<hbm>> -> memref<8192x64xf32, #tpu.memory_space<hbm>>
        %dma_start3A_515 = arith.constant 0 : i32
        %dma_start3A_516 = arith.constant 0 : i32
        %dma_start3A_517 = tpu.memref_slice %dma_start3A_514[%dma_start3A_515, %dma_start3A_516] : memref<8192x64xf32, #tpu.memory_space<hbm>> -> memref<8192x64xf32, #tpu.memory_space<hbm>>
        tpu.enqueue_indirect_dma source(%dma_start3A_517 : memref<8192x64xf32, #tpu.memory_space<hbm>>) target(%dma_start3A_507 : memref<128x64xf32, #tpu.memory_space<vmem>>) offsets(%dma_start3A_510 : memref<128xi32, #tpu.memory_space<vmem>>) semaphore(%arg10 : memref<!tpu.dma_semaphore, #tpu.memory_space<semaphore_mem>>)
        %dma_start3A_518 = arith.constant 1 : i32
        %dma_start3A_519 = arith.constant 0 : i32
        %dma_start3A_520 = arith.constant 0 : i32
        %dma_start3A_521 = arith.constant 1 : i32
        %dma_start3A_522 = arith.constant 0 : i32
        %dma_start3A_523 = arith.constant 0 : i32
        %dma_start3A_524 = tpu.memref_slice %arg6[%dma_start3A_520, %dma_start3A_521, %dma_start3A_522, %dma_start3A_523] : memref<2x4x128x64xf32, #tpu.memory_space<vmem>> -> memref<1x1x128x64xf32, #tpu.memory_space<vmem>>
        %dma_start3A_525 = tpu.memref_squeeze %dma_start3A_524 : memref<1x1x128x64xf32, #tpu.memory_space<vmem>> -> memref<128x64xf32, #tpu.memory_space<vmem>>
        %dma_start3A_526 = arith.constant 128 : i32
        %dma_start3A_527 = tpu.memref_slice %arg5[%dma_start3A_519, %dma_start3A_526] : memref<2x512xi32, #tpu.memory_space<vmem>> -> memref<1x128xi32, #tpu.memory_space<vmem>>
        %dma_start3A_528 = tpu.memref_squeeze %dma_start3A_527 : memref<1x128xi32, #tpu.memory_space<vmem>> -> memref<128xi32, #tpu.memory_space<vmem>>
        %dma_start3A_529 = arith.constant 0 : i32
        %dma_start3A_530 = arith.constant 0 : i32
        %dma_start3A_531 = tpu.memref_slice %arg3[%dma_start3A_518, %dma_start3A_529, %dma_start3A_530] : memref<4x8192x64xf32, #tpu.memory_space<hbm>> -> memref<1x8192x64xf32, #tpu.memory_space<hbm>>
        %dma_start3A_532 = tpu.memref_squeeze %dma_start3A_531 : memref<1x8192x64xf32, #tpu.memory_space<hbm>> -> memref<8192x64xf32, #tpu.memory_space<hbm>>
        %dma_start3A_533 = arith.constant 0 : i32
        %dma_start3A_534 = arith.constant 0 : i32
        %dma_start3A_535 = tpu.memref_slice %dma_start3A_532[%dma_start3A_533, %dma_start3A_534] : memref<8192x64xf32, #tpu.memory_space<hbm>> -> memref<8192x64xf32, #tpu.memory_space<hbm>>
        tpu.enqueue_indirect_dma source(%dma_start3A_535 : memref<8192x64xf32, #tpu.memory_space<hbm>>) target(%dma_start3A_525 : memref<128x64xf32, #tpu.memory_space<vmem>>) offsets(%dma_start3A_528 : memref<128xi32, #tpu.memory_space<vmem>>) semaphore(%arg10 : memref<!tpu.dma_semaphore, #tpu.memory_space<semaphore_mem>>)
        %dma_start3A_536 = arith.constant 2 : i32
        %dma_start3A_537 = arith.constant 0 : i32
        %dma_start3A_538 = arith.constant 0 : i32
        %dma_start3A_539 = arith.constant 2 : i32
        %dma_start3A_540 = arith.constant 0 : i32
        %dma_start3A_541 = arith.constant 0 : i32
        %dma_start3A_542 = tpu.memref_slice %arg6[%dma_start3A_538, %dma_start3A_539, %dma_start3A_540, %dma_start3A_541] : memref<2x4x128x64xf32, #tpu.memory_space<vmem>> -> memref<1x1x128x64xf32, #tpu.memory_space<vmem>>
        %dma_start3A_543 = tpu.memref_squeeze %dma_start3A_542 : memref<1x1x128x64xf32, #tpu.memory_space<vmem>> -> memref<128x64xf32, #tpu.memory_space<vmem>>
        %dma_start3A_544 = arith.constant 256 : i32
        %dma_start3A_545 = tpu.memref_slice %arg5[%dma_start3A_537, %dma_start3A_544] : memref<2x512xi32, #tpu.memory_space<vmem>> -> memref<1x128xi32, #tpu.memory_space<vmem>>
        %dma_start3A_546 = tpu.memref_squeeze %dma_start3A_545 : memref<1x128xi32, #tpu.memory_space<vmem>> -> memref<128xi32, #tpu.memory_space<vmem>>
        %dma_start3A_547 = arith.constant 0 : i32
        %dma_start3A_548 = arith.constant 0 : i32
        %dma_start3A_549 = tpu.memref_slice %arg3[%dma_start3A_536, %dma_start3A_547, %dma_start3A_548] : memref<4x8192x64xf32, #tpu.memory_space<hbm>> -> memref<1x8192x64xf32, #tpu.memory_space<hbm>>
        %dma_start3A_550 = tpu.memref_squeeze %dma_start3A_549 : memref<1x8192x64xf32, #tpu.memory_space<hbm>> -> memref<8192x64xf32, #tpu.memory_space<hbm>>
        %dma_start3A_551 = arith.constant 0 : i32
        %dma_start3A_552 = arith.constant 0 : i32
        %dma_start3A_553 = tpu.memref_slice %dma_start3A_550[%dma_start3A_551, %dma_start3A_552] : memref<8192x64xf32, #tpu.memory_space<hbm>> -> memref<8192x64xf32, #tpu.memory_space<hbm>>
        tpu.enqueue_indirect_dma source(%dma_start3A_553 : memref<8192x64xf32, #tpu.memory_space<hbm>>) target(%dma_start3A_543 : memref<128x64xf32, #tpu.memory_space<vmem>>) offsets(%dma_start3A_546 : memref<128xi32, #tpu.memory_space<vmem>>) semaphore(%arg10 : memref<!tpu.dma_semaphore, #tpu.memory_space<semaphore_mem>>)
        %dma_start3A_554 = arith.constant 3 : i32
        %dma_start3A_555 = arith.constant 0 : i32
        %dma_start3A_556 = arith.constant 0 : i32
        %dma_start3A_557 = arith.constant 3 : i32
        %dma_start3A_558 = arith.constant 0 : i32
        %dma_start3A_559 = arith.constant 0 : i32
        %dma_start3A_560 = tpu.memref_slice %arg6[%dma_start3A_556, %dma_start3A_557, %dma_start3A_558, %dma_start3A_559] : memref<2x4x128x64xf32, #tpu.memory_space<vmem>> -> memref<1x1x128x64xf32, #tpu.memory_space<vmem>>
        %dma_start3A_561 = tpu.memref_squeeze %dma_start3A_560 : memref<1x1x128x64xf32, #tpu.memory_space<vmem>> -> memref<128x64xf32, #tpu.memory_space<vmem>>
        %dma_start3A_562 = arith.constant 384 : i32
        %dma_start3A_563 = tpu.memref_slice %arg5[%dma_start3A_555, %dma_start3A_562] : memref<2x512xi32, #tpu.memory_space<vmem>> -> memref<1x128xi32, #tpu.memory_space<vmem>>
        %dma_start3A_564 = tpu.memref_squeeze %dma_start3A_563 : memref<1x128xi32, #tpu.memory_space<vmem>> -> memref<128xi32, #tpu.memory_space<vmem>>
        %dma_start3A_565 = arith.constant 0 : i32
        %dma_start3A_566 = arith.constant 0 : i32
        %dma_start3A_567 = tpu.memref_slice %arg3[%dma_start3A_554, %dma_start3A_565, %dma_start3A_566] : memref<4x8192x64xf32, #tpu.memory_space<hbm>> -> memref<1x8192x64xf32, #tpu.memory_space<hbm>>
        %dma_start3A_568 = tpu.memref_squeeze %dma_start3A_567 : memref<1x8192x64xf32, #tpu.memory_space<hbm>> -> memref<8192x64xf32, #tpu.memory_space<hbm>>
        %dma_start3A_569 = arith.constant 0 : i32
        %dma_start3A_570 = arith.constant 0 : i32
        %dma_start3A_571 = tpu.memref_slice %dma_start3A_568[%dma_start3A_569, %dma_start3A_570] : memref<8192x64xf32, #tpu.memory_space<hbm>> -> memref<8192x64xf32, #tpu.memory_space<hbm>>
        tpu.enqueue_indirect_dma source(%dma_start3A_571 : memref<8192x64xf32, #tpu.memory_space<hbm>>) target(%dma_start3A_561 : memref<128x64xf32, #tpu.memory_space<vmem>>) offsets(%dma_start3A_564 : memref<128xi32, #tpu.memory_space<vmem>>) semaphore(%arg10 : memref<!tpu.dma_semaphore, #tpu.memory_space<semaphore_mem>>)
      } else {
      }
      %ge3A_435 = arith.constant 2 : i32
      %ge3A_436 = arith.cmpi sge, %add3A_348, %ge3A_435 : i32
      %convert_element_type3A_437 = arith.extui %ge3A_436 : i1 to i32
      %cond3A_438 = arith.constant 0 : i32
      %cond3A_439 = arith.cmpi ne, %convert_element_type3A_437, %cond3A_438 : i32
      scf.if %cond3A_439 {
        %sub3A_486 = arith.constant 2 : i32
        %sub3A_487 = arith.subi %add3A_348, %sub3A_486 : i32
        %mul3A_488 = arith.constant 128 : i32
        %mul3A_489 = arith.muli %sub3A_487, %mul3A_488 : i32
        %add3A_490 = arith.addi %mul3A_2, %mul3A_489 : i32
        %jit3A_491 = arith.constant 2 : i32
        %div3A_492 = arith.divsi %add3A_490, %jit3A_491 : i32
        %sign3A_493 = arith.constant 0 : i32
        %sign3A_494 = arith.cmpi sgt, %add3A_490, %sign3A_493 : i32
        %sign3A_495 = arith.extui %sign3A_494 : i1 to i32
        %sign3A_496 = arith.constant 0 : i32
        %sign3A_497 = arith.cmpi slt, %add3A_490, %sign3A_496 : i32
        %sign3A_498 = arith.extui %sign3A_497 : i1 to i32
        %sign3A_499 = arith.subi %sign3A_495, %sign3A_498 : i32
        %sign3A_500 = arith.constant 0 : i32
        %sign3A_501 = arith.cmpi sgt, %jit3A_491, %sign3A_500 : i32
        %sign3A_502 = arith.extui %sign3A_501 : i1 to i32
        %sign3A_503 = arith.constant 0 : i32
        %sign3A_504 = arith.cmpi slt, %jit3A_491, %sign3A_503 : i32
        %sign3A_505 = arith.extui %sign3A_504 : i1 to i32
        %sign3A_506 = arith.subi %sign3A_502, %sign3A_505 : i32
        %ne3A_507 = arith.cmpi ne, %sign3A_499, %sign3A_506 : i32
        %rem3A_508 = arith.remsi %add3A_490, %jit3A_491 : i32
        %ne3A_509 = arith.constant 0 : i32
        %ne3A_510 = arith.cmpi ne, %rem3A_508, %ne3A_509 : i32
        %and3A_511 = arith.andi %ne3A_507, %ne3A_510 : i1
        %sub3A_512 = arith.constant 1 : i32
        %sub3A_513 = arith.subi %div3A_492, %sub3A_512 : i32
        %select_n3A_514 = arith.select %and3A_511, %sub3A_513, %div3A_492 : i32
        %dma_wait3A_515 = arith.constant 1 : i32
        %dma_wait3A_516 = arith.constant 0 : i32
        %dma_wait3A_517 = arith.constant 0 : i32
        %dma_wait3A_518 = tpu.memref_slice %arg7[%dma_wait3A_515, %dma_wait3A_516, %dma_wait3A_517] : memref<2x64x128xf32, #tpu.memory_space<vmem>> -> memref<1x64x128xf32, #tpu.memory_space<vmem>>
        %dma_wait3A_519 = tpu.memref_squeeze %dma_wait3A_518 : memref<1x64x128xf32, #tpu.memory_space<vmem>> -> memref<64x128xf32, #tpu.memory_space<vmem>>
        %dma_wait3A_520 = arith.constant 0 : i32
        %dma_wait3A_521 = tpu.memref_slice %arg4[%select_n3A_514, %dma_wait3A_520] : memref<409600x128xf32, #tpu.memory_space<hbm>> -> memref<64x128xf32, #tpu.memory_space<hbm>>
        %dma_wait3A_522 = arith.constant 0 : i32
        %dma_wait3A_523 = tpu.memref_slice %arg4[%select_n3A_514, %dma_wait3A_522] : memref<409600x128xf32, #tpu.memory_space<hbm>> -> memref<64x128xf32, #tpu.memory_space<hbm>>
        %dma_wait3A_524 = arith.constant 0 : i32
        %dma_wait3A_525 = arith.constant 0 : i32
        %dma_wait3A_526 = tpu.memref_slice %arg7[%dma_wait3A_515, %dma_wait3A_524, %dma_wait3A_525] : memref<2x64x128xf32, #tpu.memory_space<vmem>> -> memref<1x64x128xf32, #tpu.memory_space<vmem>>
        %dma_wait3A_527 = tpu.memref_squeeze %dma_wait3A_526 : memref<1x64x128xf32, #tpu.memory_space<vmem>> -> memref<64x128xf32, #tpu.memory_space<vmem>>
        tpu.wait_dma2 semaphore(%arg13 : memref<!tpu.dma_semaphore, #tpu.memory_space<semaphore_mem>>) src(%dma_wait3A_527 : memref<64x128xf32, #tpu.memory_space<vmem>>) dst(%dma_wait3A_523 : memref<64x128xf32, #tpu.memory_space<hbm>>)
      } else {
      }
      %scan3A_440 = arith.constant 0 : i32
      %scan3A_441 = arith.constant 0 : i32
      %scan3A_442 = arith.constant 64 : i32
      %scan3A_443 = arith.addi %scan3A_441, %scan3A_442 : i32
      %scan3A_444 = arith.constant 2 : i32
      scf.for %scan3A_486 = %scan3A_441 to %scan3A_443 step %scan3A_444  : i32 {
        %mul3A_487 = arith.constant 2 : i32
        %mul3A_488 = arith.muli %mul3A_487, %scan3A_486 : i32
        %add3A_489 = arith.constant 0 : i32
        %add3A_490 = arith.addi %mul3A_488, %add3A_489 : i32
        %get3A = arith.constant 1 : i32
        %get3A_491 = arith.constant 0 : i32
        %get3A_492 = arith.index_cast %get3A : i32 to index
        %get3A_493 = arith.index_cast %get3A_491 : i32 to index
        %get3A_494 = arith.index_cast %add3A_490 : i32 to index
        %get3A_495 = arith.constant 0 : index
        %get3A_496 = tpu.vector_load %arg6[%get3A_492, %get3A_493, %get3A_494, %get3A_495] {strides = array<i32>} : memref<2x4x128x64xf32, #tpu.memory_space<vmem>>, vector<1x1x1x16xf32>,
        %get3A_497 = vector.shape_cast %get3A_496 : vector<1x1x1x16xf32> to vector<16xf32>
        %get3A_498 = arith.constant 1 : i32
        %get3A_499 = arith.constant 1 : i32
        %get3A_500 = arith.index_cast %get3A_498 : i32 to index
        %get3A_501 = arith.index_cast %get3A_499 : i32 to index
        %get3A_502 = arith.index_cast %add3A_490 : i32 to index
        %get3A_503 = arith.constant 0 : index
        %get3A_504 = tpu.vector_load %arg6[%get3A_500, %get3A_501, %get3A_502, %get3A_503] {strides = array<i32>} : memref<2x4x128x64xf32, #tpu.memory_space<vmem>>, vector<1x1x1x16xf32>,
        %get3A_505 = vector.shape_cast %get3A_504 : vector<1x1x1x16xf32> to vector<16xf32>
        %add3A_506 = arith.addf %get3A_497, %get3A_505 : vector<16xf32>
        %get3A_507 = arith.constant 1 : i32
        %get3A_508 = arith.constant 2 : i32
        %get3A_509 = arith.index_cast %get3A_507 : i32 to index
        %get3A_510 = arith.index_cast %get3A_508 : i32 to index
        %get3A_511 = arith.index_cast %add3A_490 : i32 to index
        %get3A_512 = arith.constant 0 : index
        %get3A_513 = tpu.vector_load %arg6[%get3A_509, %get3A_510, %get3A_511, %get3A_512] {strides = array<i32>} : memref<2x4x128x64xf32, #tpu.memory_space<vmem>>, vector<1x1x1x16xf32>,
        %get3A_514 = vector.shape_cast %get3A_513 : vector<1x1x1x16xf32> to vector<16xf32>
        %get3A_515 = arith.constant 1 : i32
        %get3A_516 = arith.constant 3 : i32
        %get3A_517 = arith.index_cast %get3A_515 : i32 to index
        %get3A_518 = arith.index_cast %get3A_516 : i32 to index
        %get3A_519 = arith.index_cast %add3A_490 : i32 to index
        %get3A_520 = arith.constant 0 : index
        %get3A_521 = tpu.vector_load %arg6[%get3A_517, %get3A_518, %get3A_519, %get3A_520] {strides = array<i32>} : memref<2x4x128x64xf32, #tpu.memory_space<vmem>>, vector<1x1x1x16xf32>,
        %get3A_522 = vector.shape_cast %get3A_521 : vector<1x1x1x16xf32> to vector<16xf32>
        %add3A_523 = arith.addf %get3A_514, %get3A_522 : vector<16xf32>
        %add3A_524 = arith.addf %add3A_506, %add3A_523 : vector<16xf32>
        %mul3A_525 = arith.constant 2.500000e-01 : f32
        %mul3A_526 = vector.broadcast %mul3A_525 : f32 to vector<16xf32>
        %mul3A_527 = arith.mulf %add3A_524, %mul3A_526 : vector<16xf32>
        %swap3A = arith.constant 1 : i32
        %swap3A_528 = arith.index_cast %swap3A : i32 to index
        %swap3A_529 = arith.index_cast %scan3A_486 : i32 to index
        %swap3A_530 = arith.constant 0 : index
        %swap3A_531 = tpu.vector_load %arg7[%swap3A_528, %swap3A_529, %swap3A_530] {strides = array<i32>} : memref<2x64x128xf32, #tpu.memory_space<vmem>>, vector<1x1x16xf32>,
        %swap3A_532 = vector.shape_cast %swap3A_531 : vector<1x1x16xf32> to vector<16xf32>
        %swap3A_533 = vector.shape_cast %mul3A_527 : vector<16xf32> to vector<1x1x16xf32>
        tpu.vector_store %arg7[%swap3A_528, %swap3A_529, %swap3A_530], %swap3A_533 {strides = array<i32>} : memref<2x64x128xf32, #tpu.memory_space<vmem>>, vector<1x1x16xf32>,
        %mul3A_534 = arith.constant 2 : i32
        %mul3A_535 = arith.muli %mul3A_534, %scan3A_486 : i32
        %add3A_536 = arith.constant 0 : i32
        %add3A_537 = arith.addi %mul3A_535, %add3A_536 : i32
        %get3A_538 = arith.constant 1 : i32
        %get3A_539 = arith.constant 0 : i32
        %get3A_540 = arith.index_cast %get3A_538 : i32 to index
        %get3A_541 = arith.index_cast %get3A_539 : i32 to index
        %get3A_542 = arith.index_cast %add3A_537 : i32 to index
        %get3A_543 = arith.constant 16 : index
        %get3A_544 = tpu.vector_load %arg6[%get3A_540, %get3A_541, %get3A_542, %get3A_543] {strides = array<i32>} : memref<2x4x128x64xf32, #tpu.memory_space<vmem>>, vector<1x1x1x16xf32>,
        %get3A_545 = vector.shape_cast %get3A_544 : vector<1x1x1x16xf32> to vector<16xf32>
        %get3A_546 = arith.constant 1 : i32
        %get3A_547 = arith.constant 1 : i32
        %get3A_548 = arith.index_cast %get3A_546 : i32 to index
        %get3A_549 = arith.index_cast %get3A_547 : i32 to index
        %get3A_550 = arith.index_cast %add3A_537 : i32 to index
        %get3A_551 = arith.constant 16 : index
        %get3A_552 = tpu.vector_load %arg6[%get3A_548, %get3A_549, %get3A_550, %get3A_551] {strides = array<i32>} : memref<2x4x128x64xf32, #tpu.memory_space<vmem>>, vector<1x1x1x16xf32>,
        %get3A_553 = vector.shape_cast %get3A_552 : vector<1x1x1x16xf32> to vector<16xf32>
        %add3A_554 = arith.addf %get3A_545, %get3A_553 : vector<16xf32>
        %get3A_555 = arith.constant 1 : i32
        %get3A_556 = arith.constant 2 : i32
        %get3A_557 = arith.index_cast %get3A_555 : i32 to index
        %get3A_558 = arith.index_cast %get3A_556 : i32 to index
        %get3A_559 = arith.index_cast %add3A_537 : i32 to index
        %get3A_560 = arith.constant 16 : index
        %get3A_561 = tpu.vector_load %arg6[%get3A_557, %get3A_558, %get3A_559, %get3A_560] {strides = array<i32>} : memref<2x4x128x64xf32, #tpu.memory_space<vmem>>, vector<1x1x1x16xf32>,
        %get3A_562 = vector.shape_cast %get3A_561 : vector<1x1x1x16xf32> to vector<16xf32>
        %get3A_563 = arith.constant 1 : i32
        %get3A_564 = arith.constant 3 : i32
        %get3A_565 = arith.index_cast %get3A_563 : i32 to index
        %get3A_566 = arith.index_cast %get3A_564 : i32 to index
        %get3A_567 = arith.index_cast %add3A_537 : i32 to index
        %get3A_568 = arith.constant 16 : index
        %get3A_569 = tpu.vector_load %arg6[%get3A_565, %get3A_566, %get3A_567, %get3A_568] {strides = array<i32>} : memref<2x4x128x64xf32, #tpu.memory_space<vmem>>, vector<1x1x1x16xf32>,
        %get3A_570 = vector.shape_cast %get3A_569 : vector<1x1x1x16xf32> to vector<16xf32>
        %add3A_571 = arith.addf %get3A_562, %get3A_570 : vector<16xf32>
        %add3A_572 = arith.addf %add3A_554, %add3A_571 : vector<16xf32>
        %mul3A_573 = arith.constant 2.500000e-01 : f32
        %mul3A_574 = vector.broadcast %mul3A_573 : f32 to vector<16xf32>
        %mul3A_575 = arith.mulf %add3A_572, %mul3A_574 : vector<16xf32>
        %swap3A_576 = arith.constant 1 : i32
        %swap3A_577 = arith.index_cast %swap3A_576 : i32 to index
        %swap3A_578 = arith.index_cast %scan3A_486 : i32 to index
        %swap3A_579 = arith.constant 16 : index
        %swap3A_580 = tpu.vector_load %arg7[%swap3A_577, %swap3A_578, %swap3A_579] {strides = array<i32>} : memref<2x64x128xf32, #tpu.memory_space<vmem>>, vector<1x1x16xf32>,
        %swap3A_581 = vector.shape_cast %swap3A_580 : vector<1x1x16xf32> to vector<16xf32>
        %swap3A_582 = vector.shape_cast %mul3A_575 : vector<16xf32> to vector<1x1x16xf32>
        tpu.vector_store %arg7[%swap3A_577, %swap3A_578, %swap3A_579], %swap3A_582 {strides = array<i32>} : memref<2x64x128xf32, #tpu.memory_space<vmem>>, vector<1x1x16xf32>,
        %mul3A_583 = arith.constant 2 : i32
        %mul3A_584 = arith.muli %mul3A_583, %scan3A_486 : i32
        %add3A_585 = arith.constant 0 : i32
        %add3A_586 = arith.addi %mul3A_584, %add3A_585 : i32
        %get3A_587 = arith.constant 1 : i32
        %get3A_588 = arith.constant 0 : i32
        %get3A_589 = arith.index_cast %get3A_587 : i32 to index
        %get3A_590 = arith.index_cast %get3A_588 : i32 to index
        %get3A_591 = arith.index_cast %add3A_586 : i32 to index
        %get3A_592 = arith.constant 32 : index
        %get3A_593 = tpu.vector_load %arg6[%get3A_589, %get3A_590, %get3A_591, %get3A_592] {strides = array<i32>} : memref<2x4x128x64xf32, #tpu.memory_space<vmem>>, vector<1x1x1x16xf32>,
        %get3A_594 = vector.shape_cast %get3A_593 : vector<1x1x1x16xf32> to vector<16xf32>
        %get3A_595 = arith.constant 1 : i32
        %get3A_596 = arith.constant 1 : i32
        %get3A_597 = arith.index_cast %get3A_595 : i32 to index
        %get3A_598 = arith.index_cast %get3A_596 : i32 to index
        %get3A_599 = arith.index_cast %add3A_586 : i32 to index
        %get3A_600 = arith.constant 32 : index
        %get3A_601 = tpu.vector_load %arg6[%get3A_597, %get3A_598, %get3A_599, %get3A_600] {strides = array<i32>} : memref<2x4x128x64xf32, #tpu.memory_space<vmem>>, vector<1x1x1x16xf32>,
        %get3A_602 = vector.shape_cast %get3A_601 : vector<1x1x1x16xf32> to vector<16xf32>
        %add3A_603 = arith.addf %get3A_594, %get3A_602 : vector<16xf32>
        %get3A_604 = arith.constant 1 : i32
        %get3A_605 = arith.constant 2 : i32
        %get3A_606 = arith.index_cast %get3A_604 : i32 to index
        %get3A_607 = arith.index_cast %get3A_605 : i32 to index
        %get3A_608 = arith.index_cast %add3A_586 : i32 to index
        %get3A_609 = arith.constant 32 : index
        %get3A_610 = tpu.vector_load %arg6[%get3A_606, %get3A_607, %get3A_608, %get3A_609] {strides = array<i32>} : memref<2x4x128x64xf32, #tpu.memory_space<vmem>>, vector<1x1x1x16xf32>,
        %get3A_611 = vector.shape_cast %get3A_610 : vector<1x1x1x16xf32> to vector<16xf32>
        %get3A_612 = arith.constant 1 : i32
        %get3A_613 = arith.constant 3 : i32
        %get3A_614 = arith.index_cast %get3A_612 : i32 to index
        %get3A_615 = arith.index_cast %get3A_613 : i32 to index
        %get3A_616 = arith.index_cast %add3A_586 : i32 to index
        %get3A_617 = arith.constant 32 : index
        %get3A_618 = tpu.vector_load %arg6[%get3A_614, %get3A_615, %get3A_616, %get3A_617] {strides = array<i32>} : memref<2x4x128x64xf32, #tpu.memory_space<vmem>>, vector<1x1x1x16xf32>,
        %get3A_619 = vector.shape_cast %get3A_618 : vector<1x1x1x16xf32> to vector<16xf32>
        %add3A_620 = arith.addf %get3A_611, %get3A_619 : vector<16xf32>
        %add3A_621 = arith.addf %add3A_603, %add3A_620 : vector<16xf32>
        %mul3A_622 = arith.constant 2.500000e-01 : f32
        %mul3A_623 = vector.broadcast %mul3A_622 : f32 to vector<16xf32>
        %mul3A_624 = arith.mulf %add3A_621, %mul3A_623 : vector<16xf32>
        %swap3A_625 = arith.constant 1 : i32
        %swap3A_626 = arith.index_cast %swap3A_625 : i32 to index
        %swap3A_627 = arith.index_cast %scan3A_486 : i32 to index
        %swap3A_628 = arith.constant 32 : index
        %swap3A_629 = tpu.vector_load %arg7[%swap3A_626, %swap3A_627, %swap3A_628] {strides = array<i32>} : memref<2x64x128xf32, #tpu.memory_space<vmem>>, vector<1x1x16xf32>,
        %swap3A_630 = vector.shape_cast %swap3A_629 : vector<1x1x16xf32> to vector<16xf32>
        %swap3A_631 = vector.shape_cast %mul3A_624 : vector<16xf32> to vector<1x1x16xf32>
        tpu.vector_store %arg7[%swap3A_626, %swap3A_627, %swap3A_628], %swap3A_631 {strides = array<i32>} : memref<2x64x128xf32, #tpu.memory_space<vmem>>, vector<1x1x16xf32>,
        %mul3A_632 = arith.constant 2 : i32
        %mul3A_633 = arith.muli %mul3A_632, %scan3A_486 : i32
        %add3A_634 = arith.constant 0 : i32
        %add3A_635 = arith.addi %mul3A_633, %add3A_634 : i32
        %get3A_636 = arith.constant 1 : i32
        %get3A_637 = arith.constant 0 : i32
        %get3A_638 = arith.index_cast %get3A_636 : i32 to index
        %get3A_639 = arith.index_cast %get3A_637 : i32 to index
        %get3A_640 = arith.index_cast %add3A_635 : i32 to index
        %get3A_641 = arith.constant 48 : index
        %get3A_642 = tpu.vector_load %arg6[%get3A_638, %get3A_639, %get3A_640, %get3A_641] {strides = array<i32>} : memref<2x4x128x64xf32, #tpu.memory_space<vmem>>, vector<1x1x1x16xf32>,
        %get3A_643 = vector.shape_cast %get3A_642 : vector<1x1x1x16xf32> to vector<16xf32>
        %get3A_644 = arith.constant 1 : i32
        %get3A_645 = arith.constant 1 : i32
        %get3A_646 = arith.index_cast %get3A_644 : i32 to index
        %get3A_647 = arith.index_cast %get3A_645 : i32 to index
        %get3A_648 = arith.index_cast %add3A_635 : i32 to index
        %get3A_649 = arith.constant 48 : index
        %get3A_650 = tpu.vector_load %arg6[%get3A_646, %get3A_647, %get3A_648, %get3A_649] {strides = array<i32>} : memref<2x4x128x64xf32, #tpu.memory_space<vmem>>, vector<1x1x1x16xf32>,
        %get3A_651 = vector.shape_cast %get3A_650 : vector<1x1x1x16xf32> to vector<16xf32>
        %add3A_652 = arith.addf %get3A_643, %get3A_651 : vector<16xf32>
        %get3A_653 = arith.constant 1 : i32
        %get3A_654 = arith.constant 2 : i32
        %get3A_655 = arith.index_cast %get3A_653 : i32 to index
        %get3A_656 = arith.index_cast %get3A_654 : i32 to index
        %get3A_657 = arith.index_cast %add3A_635 : i32 to index
        %get3A_658 = arith.constant 48 : index
        %get3A_659 = tpu.vector_load %arg6[%get3A_655, %get3A_656, %get3A_657, %get3A_658] {strides = array<i32>} : memref<2x4x128x64xf32, #tpu.memory_space<vmem>>, vector<1x1x1x16xf32>,
        %get3A_660 = vector.shape_cast %get3A_659 : vector<1x1x1x16xf32> to vector<16xf32>
        %get3A_661 = arith.constant 1 : i32
        %get3A_662 = arith.constant 3 : i32
        %get3A_663 = arith.index_cast %get3A_661 : i32 to index
        %get3A_664 = arith.index_cast %get3A_662 : i32 to index
        %get3A_665 = arith.index_cast %add3A_635 : i32 to index
        %get3A_666 = arith.constant 48 : index
        %get3A_667 = tpu.vector_load %arg6[%get3A_663, %get3A_664, %get3A_665, %get3A_666] {strides = array<i32>} : memref<2x4x128x64xf32, #tpu.memory_space<vmem>>, vector<1x1x1x16xf32>,
        %get3A_668 = vector.shape_cast %get3A_667 : vector<1x1x1x16xf32> to vector<16xf32>
        %add3A_669 = arith.addf %get3A_660, %get3A_668 : vector<16xf32>
        %add3A_670 = arith.addf %add3A_652, %add3A_669 : vector<16xf32>
        %mul3A_671 = arith.constant 2.500000e-01 : f32
        %mul3A_672 = vector.broadcast %mul3A_671 : f32 to vector<16xf32>
        %mul3A_673 = arith.mulf %add3A_670, %mul3A_672 : vector<16xf32>
        %swap3A_674 = arith.constant 1 : i32
        %swap3A_675 = arith.index_cast %swap3A_674 : i32 to index
        %swap3A_676 = arith.index_cast %scan3A_486 : i32 to index
        %swap3A_677 = arith.constant 48 : index
        %swap3A_678 = tpu.vector_load %arg7[%swap3A_675, %swap3A_676, %swap3A_677] {strides = array<i32>} : memref<2x64x128xf32, #tpu.memory_space<vmem>>, vector<1x1x16xf32>,
        %swap3A_679 = vector.shape_cast %swap3A_678 : vector<1x1x16xf32> to vector<16xf32>
        %swap3A_680 = vector.shape_cast %mul3A_673 : vector<16xf32> to vector<1x1x16xf32>
        tpu.vector_store %arg7[%swap3A_675, %swap3A_676, %swap3A_677], %swap3A_680 {strides = array<i32>} : memref<2x64x128xf32, #tpu.memory_space<vmem>>, vector<1x1x16xf32>,
        %mul3A_681 = arith.constant 2 : i32
        %mul3A_682 = arith.muli %mul3A_681, %scan3A_486 : i32
        %add3A_683 = arith.constant 1 : i32
        %add3A_684 = arith.addi %mul3A_682, %add3A_683 : i32
        %get3A_685 = arith.constant 1 : i32
        %get3A_686 = arith.constant 0 : i32
        %get3A_687 = arith.index_cast %get3A_685 : i32 to index
        %get3A_688 = arith.index_cast %get3A_686 : i32 to index
        %get3A_689 = arith.index_cast %add3A_684 : i32 to index
        %get3A_690 = arith.constant 0 : index
        %get3A_691 = tpu.vector_load %arg6[%get3A_687, %get3A_688, %get3A_689, %get3A_690] {strides = array<i32>} : memref<2x4x128x64xf32, #tpu.memory_space<vmem>>, vector<1x1x1x16xf32>,
        %get3A_692 = vector.shape_cast %get3A_691 : vector<1x1x1x16xf32> to vector<16xf32>
        %get3A_693 = arith.constant 1 : i32
        %get3A_694 = arith.constant 1 : i32
        %get3A_695 = arith.index_cast %get3A_693 : i32 to index
        %get3A_696 = arith.index_cast %get3A_694 : i32 to index
        %get3A_697 = arith.index_cast %add3A_684 : i32 to index
        %get3A_698 = arith.constant 0 : index
        %get3A_699 = tpu.vector_load %arg6[%get3A_695, %get3A_696, %get3A_697, %get3A_698] {strides = array<i32>} : memref<2x4x128x64xf32, #tpu.memory_space<vmem>>, vector<1x1x1x16xf32>,
        %get3A_700 = vector.shape_cast %get3A_699 : vector<1x1x1x16xf32> to vector<16xf32>
        %add3A_701 = arith.addf %get3A_692, %get3A_700 : vector<16xf32>
        %get3A_702 = arith.constant 1 : i32
        %get3A_703 = arith.constant 2 : i32
        %get3A_704 = arith.index_cast %get3A_702 : i32 to index
        %get3A_705 = arith.index_cast %get3A_703 : i32 to index
        %get3A_706 = arith.index_cast %add3A_684 : i32 to index
        %get3A_707 = arith.constant 0 : index
        %get3A_708 = tpu.vector_load %arg6[%get3A_704, %get3A_705, %get3A_706, %get3A_707] {strides = array<i32>} : memref<2x4x128x64xf32, #tpu.memory_space<vmem>>, vector<1x1x1x16xf32>,
        %get3A_709 = vector.shape_cast %get3A_708 : vector<1x1x1x16xf32> to vector<16xf32>
        %get3A_710 = arith.constant 1 : i32
        %get3A_711 = arith.constant 3 : i32
        %get3A_712 = arith.index_cast %get3A_710 : i32 to index
        %get3A_713 = arith.index_cast %get3A_711 : i32 to index
        %get3A_714 = arith.index_cast %add3A_684 : i32 to index
        %get3A_715 = arith.constant 0 : index
        %get3A_716 = tpu.vector_load %arg6[%get3A_712, %get3A_713, %get3A_714, %get3A_715] {strides = array<i32>} : memref<2x4x128x64xf32, #tpu.memory_space<vmem>>, vector<1x1x1x16xf32>,
        %get3A_717 = vector.shape_cast %get3A_716 : vector<1x1x1x16xf32> to vector<16xf32>
        %add3A_718 = arith.addf %get3A_709, %get3A_717 : vector<16xf32>
        %add3A_719 = arith.addf %add3A_701, %add3A_718 : vector<16xf32>
        %mul3A_720 = arith.constant 2.500000e-01 : f32
        %mul3A_721 = vector.broadcast %mul3A_720 : f32 to vector<16xf32>
        %mul3A_722 = arith.mulf %add3A_719, %mul3A_721 : vector<16xf32>
        %swap3A_723 = arith.constant 1 : i32
        %swap3A_724 = arith.index_cast %swap3A_723 : i32 to index
        %swap3A_725 = arith.index_cast %scan3A_486 : i32 to index
        %swap3A_726 = arith.constant 64 : index
        %swap3A_727 = tpu.vector_load %arg7[%swap3A_724, %swap3A_725, %swap3A_726] {strides = array<i32>} : memref<2x64x128xf32, #tpu.memory_space<vmem>>, vector<1x1x16xf32>,
        %swap3A_728 = vector.shape_cast %swap3A_727 : vector<1x1x16xf32> to vector<16xf32>
        %swap3A_729 = vector.shape_cast %mul3A_722 : vector<16xf32> to vector<1x1x16xf32>
        tpu.vector_store %arg7[%swap3A_724, %swap3A_725, %swap3A_726], %swap3A_729 {strides = array<i32>} : memref<2x64x128xf32, #tpu.memory_space<vmem>>, vector<1x1x16xf32>,
        %mul3A_730 = arith.constant 2 : i32
        %mul3A_731 = arith.muli %mul3A_730, %scan3A_486 : i32
        %add3A_732 = arith.constant 1 : i32
        %add3A_733 = arith.addi %mul3A_731, %add3A_732 : i32
        %get3A_734 = arith.constant 1 : i32
        %get3A_735 = arith.constant 0 : i32
        %get3A_736 = arith.index_cast %get3A_734 : i32 to index
        %get3A_737 = arith.index_cast %get3A_735 : i32 to index
        %get3A_738 = arith.index_cast %add3A_733 : i32 to index
        %get3A_739 = arith.constant 16 : index
        %get3A_740 = tpu.vector_load %arg6[%get3A_736, %get3A_737, %get3A_738, %get3A_739] {strides = array<i32>} : memref<2x4x128x64xf32, #tpu.memory_space<vmem>>, vector<1x1x1x16xf32>,
        %get3A_741 = vector.shape_cast %get3A_740 : vector<1x1x1x16xf32> to vector<16xf32>
        %get3A_742 = arith.constant 1 : i32
        %get3A_743 = arith.constant 1 : i32
        %get3A_744 = arith.index_cast %get3A_742 : i32 to index
        %get3A_745 = arith.index_cast %get3A_743 : i32 to index
        %get3A_746 = arith.index_cast %add3A_733 : i32 to index
        %get3A_747 = arith.constant 16 : index
        %get3A_748 = tpu.vector_load %arg6[%get3A_744, %get3A_745, %get3A_746, %get3A_747] {strides = array<i32>} : memref<2x4x128x64xf32, #tpu.memory_space<vmem>>, vector<1x1x1x16xf32>,
        %get3A_749 = vector.shape_cast %get3A_748 : vector<1x1x1x16xf32> to vector<16xf32>
        %add3A_750 = arith.addf %get3A_741, %get3A_749 : vector<16xf32>
        %get3A_751 = arith.constant 1 : i32
        %get3A_752 = arith.constant 2 : i32
        %get3A_753 = arith.index_cast %get3A_751 : i32 to index
        %get3A_754 = arith.index_cast %get3A_752 : i32 to index
        %get3A_755 = arith.index_cast %add3A_733 : i32 to index
        %get3A_756 = arith.constant 16 : index
        %get3A_757 = tpu.vector_load %arg6[%get3A_753, %get3A_754, %get3A_755, %get3A_756] {strides = array<i32>} : memref<2x4x128x64xf32, #tpu.memory_space<vmem>>, vector<1x1x1x16xf32>,
        %get3A_758 = vector.shape_cast %get3A_757 : vector<1x1x1x16xf32> to vector<16xf32>
        %get3A_759 = arith.constant 1 : i32
        %get3A_760 = arith.constant 3 : i32
        %get3A_761 = arith.index_cast %get3A_759 : i32 to index
        %get3A_762 = arith.index_cast %get3A_760 : i32 to index
        %get3A_763 = arith.index_cast %add3A_733 : i32 to index
        %get3A_764 = arith.constant 16 : index
        %get3A_765 = tpu.vector_load %arg6[%get3A_761, %get3A_762, %get3A_763, %get3A_764] {strides = array<i32>} : memref<2x4x128x64xf32, #tpu.memory_space<vmem>>, vector<1x1x1x16xf32>,
        %get3A_766 = vector.shape_cast %get3A_765 : vector<1x1x1x16xf32> to vector<16xf32>
        %add3A_767 = arith.addf %get3A_758, %get3A_766 : vector<16xf32>
        %add3A_768 = arith.addf %add3A_750, %add3A_767 : vector<16xf32>
        %mul3A_769 = arith.constant 2.500000e-01 : f32
        %mul3A_770 = vector.broadcast %mul3A_769 : f32 to vector<16xf32>
        %mul3A_771 = arith.mulf %add3A_768, %mul3A_770 : vector<16xf32>
        %swap3A_772 = arith.constant 1 : i32
        %swap3A_773 = arith.index_cast %swap3A_772 : i32 to index
        %swap3A_774 = arith.index_cast %scan3A_486 : i32 to index
        %swap3A_775 = arith.constant 80 : index
        %swap3A_776 = tpu.vector_load %arg7[%swap3A_773, %swap3A_774, %swap3A_775] {strides = array<i32>} : memref<2x64x128xf32, #tpu.memory_space<vmem>>, vector<1x1x16xf32>,
        %swap3A_777 = vector.shape_cast %swap3A_776 : vector<1x1x16xf32> to vector<16xf32>
        %swap3A_778 = vector.shape_cast %mul3A_771 : vector<16xf32> to vector<1x1x16xf32>
        tpu.vector_store %arg7[%swap3A_773, %swap3A_774, %swap3A_775], %swap3A_778 {strides = array<i32>} : memref<2x64x128xf32, #tpu.memory_space<vmem>>, vector<1x1x16xf32>,
        %mul3A_779 = arith.constant 2 : i32
        %mul3A_780 = arith.muli %mul3A_779, %scan3A_486 : i32
        %add3A_781 = arith.constant 1 : i32
        %add3A_782 = arith.addi %mul3A_780, %add3A_781 : i32
        %get3A_783 = arith.constant 1 : i32
        %get3A_784 = arith.constant 0 : i32
        %get3A_785 = arith.index_cast %get3A_783 : i32 to index
        %get3A_786 = arith.index_cast %get3A_784 : i32 to index
        %get3A_787 = arith.index_cast %add3A_782 : i32 to index
        %get3A_788 = arith.constant 32 : index
        %get3A_789 = tpu.vector_load %arg6[%get3A_785, %get3A_786, %get3A_787, %get3A_788] {strides = array<i32>} : memref<2x4x128x64xf32, #tpu.memory_space<vmem>>, vector<1x1x1x16xf32>,
        %get3A_790 = vector.shape_cast %get3A_789 : vector<1x1x1x16xf32> to vector<16xf32>
        %get3A_791 = arith.constant 1 : i32
        %get3A_792 = arith.constant 1 : i32
        %get3A_793 = arith.index_cast %get3A_791 : i32 to index
        %get3A_794 = arith.index_cast %get3A_792 : i32 to index
        %get3A_795 = arith.index_cast %add3A_782 : i32 to index
        %get3A_796 = arith.constant 32 : index
        %get3A_797 = tpu.vector_load %arg6[%get3A_793, %get3A_794, %get3A_795, %get3A_796] {strides = array<i32>} : memref<2x4x128x64xf32, #tpu.memory_space<vmem>>, vector<1x1x1x16xf32>,
        %get3A_798 = vector.shape_cast %get3A_797 : vector<1x1x1x16xf32> to vector<16xf32>
        %add3A_799 = arith.addf %get3A_790, %get3A_798 : vector<16xf32>
        %get3A_800 = arith.constant 1 : i32
        %get3A_801 = arith.constant 2 : i32
        %get3A_802 = arith.index_cast %get3A_800 : i32 to index
        %get3A_803 = arith.index_cast %get3A_801 : i32 to index
        %get3A_804 = arith.index_cast %add3A_782 : i32 to index
        %get3A_805 = arith.constant 32 : index
        %get3A_806 = tpu.vector_load %arg6[%get3A_802, %get3A_803, %get3A_804, %get3A_805] {strides = array<i32>} : memref<2x4x128x64xf32, #tpu.memory_space<vmem>>, vector<1x1x1x16xf32>,
        %get3A_807 = vector.shape_cast %get3A_806 : vector<1x1x1x16xf32> to vector<16xf32>
        %get3A_808 = arith.constant 1 : i32
        %get3A_809 = arith.constant 3 : i32
        %get3A_810 = arith.index_cast %get3A_808 : i32 to index
        %get3A_811 = arith.index_cast %get3A_809 : i32 to index
        %get3A_812 = arith.index_cast %add3A_782 : i32 to index
        %get3A_813 = arith.constant 32 : index
        %get3A_814 = tpu.vector_load %arg6[%get3A_810, %get3A_811, %get3A_812, %get3A_813] {strides = array<i32>} : memref<2x4x128x64xf32, #tpu.memory_space<vmem>>, vector<1x1x1x16xf32>,
        %get3A_815 = vector.shape_cast %get3A_814 : vector<1x1x1x16xf32> to vector<16xf32>
        %add3A_816 = arith.addf %get3A_807, %get3A_815 : vector<16xf32>
        %add3A_817 = arith.addf %add3A_799, %add3A_816 : vector<16xf32>
        %mul3A_818 = arith.constant 2.500000e-01 : f32
        %mul3A_819 = vector.broadcast %mul3A_818 : f32 to vector<16xf32>
        %mul3A_820 = arith.mulf %add3A_817, %mul3A_819 : vector<16xf32>
        %swap3A_821 = arith.constant 1 : i32
        %swap3A_822 = arith.index_cast %swap3A_821 : i32 to index
        %swap3A_823 = arith.index_cast %scan3A_486 : i32 to index
        %swap3A_824 = arith.constant 96 : index
        %swap3A_825 = tpu.vector_load %arg7[%swap3A_822, %swap3A_823, %swap3A_824] {strides = array<i32>} : memref<2x64x128xf32, #tpu.memory_space<vmem>>, vector<1x1x16xf32>,
        %swap3A_826 = vector.shape_cast %swap3A_825 : vector<1x1x16xf32> to vector<16xf32>
        %swap3A_827 = vector.shape_cast %mul3A_820 : vector<16xf32> to vector<1x1x16xf32>
        tpu.vector_store %arg7[%swap3A_822, %swap3A_823, %swap3A_824], %swap3A_827 {strides = array<i32>} : memref<2x64x128xf32, #tpu.memory_space<vmem>>, vector<1x1x16xf32>,
        %mul3A_828 = arith.constant 2 : i32
        %mul3A_829 = arith.muli %mul3A_828, %scan3A_486 : i32
        %add3A_830 = arith.constant 1 : i32
        %add3A_831 = arith.addi %mul3A_829, %add3A_830 : i32
        %get3A_832 = arith.constant 1 : i32
        %get3A_833 = arith.constant 0 : i32
        %get3A_834 = arith.index_cast %get3A_832 : i32 to index
        %get3A_835 = arith.index_cast %get3A_833 : i32 to index
        %get3A_836 = arith.index_cast %add3A_831 : i32 to index
        %get3A_837 = arith.constant 48 : index
        %get3A_838 = tpu.vector_load %arg6[%get3A_834, %get3A_835, %get3A_836, %get3A_837] {strides = array<i32>} : memref<2x4x128x64xf32, #tpu.memory_space<vmem>>, vector<1x1x1x16xf32>,
        %get3A_839 = vector.shape_cast %get3A_838 : vector<1x1x1x16xf32> to vector<16xf32>
        %get3A_840 = arith.constant 1 : i32
        %get3A_841 = arith.constant 1 : i32
        %get3A_842 = arith.index_cast %get3A_840 : i32 to index
        %get3A_843 = arith.index_cast %get3A_841 : i32 to index
        %get3A_844 = arith.index_cast %add3A_831 : i32 to index
        %get3A_845 = arith.constant 48 : index
        %get3A_846 = tpu.vector_load %arg6[%get3A_842, %get3A_843, %get3A_844, %get3A_845] {strides = array<i32>} : memref<2x4x128x64xf32, #tpu.memory_space<vmem>>, vector<1x1x1x16xf32>,
        %get3A_847 = vector.shape_cast %get3A_846 : vector<1x1x1x16xf32> to vector<16xf32>
        %add3A_848 = arith.addf %get3A_839, %get3A_847 : vector<16xf32>
        %get3A_849 = arith.constant 1 : i32
        %get3A_850 = arith.constant 2 : i32
        %get3A_851 = arith.index_cast %get3A_849 : i32 to index
        %get3A_852 = arith.index_cast %get3A_850 : i32 to index
        %get3A_853 = arith.index_cast %add3A_831 : i32 to index
        %get3A_854 = arith.constant 48 : index
        %get3A_855 = tpu.vector_load %arg6[%get3A_851, %get3A_852, %get3A_853, %get3A_854] {strides = array<i32>} : memref<2x4x128x64xf32, #tpu.memory_space<vmem>>, vector<1x1x1x16xf32>,
        %get3A_856 = vector.shape_cast %get3A_855 : vector<1x1x1x16xf32> to vector<16xf32>
        %get3A_857 = arith.constant 1 : i32
        %get3A_858 = arith.constant 3 : i32
        %get3A_859 = arith.index_cast %get3A_857 : i32 to index
        %get3A_860 = arith.index_cast %get3A_858 : i32 to index
        %get3A_861 = arith.index_cast %add3A_831 : i32 to index
        %get3A_862 = arith.constant 48 : index
        %get3A_863 = tpu.vector_load %arg6[%get3A_859, %get3A_860, %get3A_861, %get3A_862] {strides = array<i32>} : memref<2x4x128x64xf32, #tpu.memory_space<vmem>>, vector<1x1x1x16xf32>,
        %get3A_864 = vector.shape_cast %get3A_863 : vector<1x1x1x16xf32> to vector<16xf32>
        %add3A_865 = arith.addf %get3A_856, %get3A_864 : vector<16xf32>
        %add3A_866 = arith.addf %add3A_848, %add3A_865 : vector<16xf32>
        %mul3A_867 = arith.constant 2.500000e-01 : f32
        %mul3A_868 = vector.broadcast %mul3A_867 : f32 to vector<16xf32>
        %mul3A_869 = arith.mulf %add3A_866, %mul3A_868 : vector<16xf32>
        %swap3A_870 = arith.constant 1 : i32
        %swap3A_871 = arith.index_cast %swap3A_870 : i32 to index
        %swap3A_872 = arith.index_cast %scan3A_486 : i32 to index
        %swap3A_873 = arith.constant 112 : index
        %swap3A_874 = tpu.vector_load %arg7[%swap3A_871, %swap3A_872, %swap3A_873] {strides = array<i32>} : memref<2x64x128xf32, #tpu.memory_space<vmem>>, vector<1x1x16xf32>,
        %swap3A_875 = vector.shape_cast %swap3A_874 : vector<1x1x16xf32> to vector<16xf32>
        %swap3A_876 = vector.shape_cast %mul3A_869 : vector<16xf32> to vector<1x1x16xf32>
        tpu.vector_store %arg7[%swap3A_871, %swap3A_872, %swap3A_873], %swap3A_876 {strides = array<i32>} : memref<2x64x128xf32, #tpu.memory_space<vmem>>, vector<1x1x16xf32>,
        %scan3A_877 = arith.constant 1 : i32
        %scan3A_878 = arith.addi %scan3A_486, %scan3A_877 : i32
        %mul3A_879 = arith.constant 2 : i32
        %mul3A_880 = arith.muli %mul3A_879, %scan3A_878 : i32
        %add3A_881 = arith.constant 0 : i32
        %add3A_882 = arith.addi %mul3A_880, %add3A_881 : i32
        %get3A_883 = arith.constant 1 : i32
        %get3A_884 = arith.constant 0 : i32
        %get3A_885 = arith.index_cast %get3A_883 : i32 to index
        %get3A_886 = arith.index_cast %get3A_884 : i32 to index
        %get3A_887 = arith.index_cast %add3A_882 : i32 to index
        %get3A_888 = arith.constant 0 : index
        %get3A_889 = tpu.vector_load %arg6[%get3A_885, %get3A_886, %get3A_887, %get3A_888] {strides = array<i32>} : memref<2x4x128x64xf32, #tpu.memory_space<vmem>>, vector<1x1x1x16xf32>,
        %get3A_890 = vector.shape_cast %get3A_889 : vector<1x1x1x16xf32> to vector<16xf32>
        %get3A_891 = arith.constant 1 : i32
        %get3A_892 = arith.constant 1 : i32
        %get3A_893 = arith.index_cast %get3A_891 : i32 to index
        %get3A_894 = arith.index_cast %get3A_892 : i32 to index
        %get3A_895 = arith.index_cast %add3A_882 : i32 to index
        %get3A_896 = arith.constant 0 : index
        %get3A_897 = tpu.vector_load %arg6[%get3A_893, %get3A_894, %get3A_895, %get3A_896] {strides = array<i32>} : memref<2x4x128x64xf32, #tpu.memory_space<vmem>>, vector<1x1x1x16xf32>,
        %get3A_898 = vector.shape_cast %get3A_897 : vector<1x1x1x16xf32> to vector<16xf32>
        %add3A_899 = arith.addf %get3A_890, %get3A_898 : vector<16xf32>
        %get3A_900 = arith.constant 1 : i32
        %get3A_901 = arith.constant 2 : i32
        %get3A_902 = arith.index_cast %get3A_900 : i32 to index
        %get3A_903 = arith.index_cast %get3A_901 : i32 to index
        %get3A_904 = arith.index_cast %add3A_882 : i32 to index
        %get3A_905 = arith.constant 0 : index
        %get3A_906 = tpu.vector_load %arg6[%get3A_902, %get3A_903, %get3A_904, %get3A_905] {strides = array<i32>} : memref<2x4x128x64xf32, #tpu.memory_space<vmem>>, vector<1x1x1x16xf32>,
        %get3A_907 = vector.shape_cast %get3A_906 : vector<1x1x1x16xf32> to vector<16xf32>
        %get3A_908 = arith.constant 1 : i32
        %get3A_909 = arith.constant 3 : i32
        %get3A_910 = arith.index_cast %get3A_908 : i32 to index
        %get3A_911 = arith.index_cast %get3A_909 : i32 to index
        %get3A_912 = arith.index_cast %add3A_882 : i32 to index
        %get3A_913 = arith.constant 0 : index
        %get3A_914 = tpu.vector_load %arg6[%get3A_910, %get3A_911, %get3A_912, %get3A_913] {strides = array<i32>} : memref<2x4x128x64xf32, #tpu.memory_space<vmem>>, vector<1x1x1x16xf32>,
        %get3A_915 = vector.shape_cast %get3A_914 : vector<1x1x1x16xf32> to vector<16xf32>
        %add3A_916 = arith.addf %get3A_907, %get3A_915 : vector<16xf32>
        %add3A_917 = arith.addf %add3A_899, %add3A_916 : vector<16xf32>
        %mul3A_918 = arith.constant 2.500000e-01 : f32
        %mul3A_919 = vector.broadcast %mul3A_918 : f32 to vector<16xf32>
        %mul3A_920 = arith.mulf %add3A_917, %mul3A_919 : vector<16xf32>
        %swap3A_921 = arith.constant 1 : i32
        %swap3A_922 = arith.index_cast %swap3A_921 : i32 to index
        %swap3A_923 = arith.index_cast %scan3A_878 : i32 to index
        %swap3A_924 = arith.constant 0 : index
        %swap3A_925 = tpu.vector_load %arg7[%swap3A_922, %swap3A_923, %swap3A_924] {strides = array<i32>} : memref<2x64x128xf32, #tpu.memory_space<vmem>>, vector<1x1x16xf32>,
        %swap3A_926 = vector.shape_cast %swap3A_925 : vector<1x1x16xf32> to vector<16xf32>
        %swap3A_927 = vector.shape_cast %mul3A_920 : vector<16xf32> to vector<1x1x16xf32>
        tpu.vector_store %arg7[%swap3A_922, %swap3A_923, %swap3A_924], %swap3A_927 {strides = array<i32>} : memref<2x64x128xf32, #tpu.memory_space<vmem>>, vector<1x1x16xf32>,
        %mul3A_928 = arith.constant 2 : i32
        %mul3A_929 = arith.muli %mul3A_928, %scan3A_878 : i32
        %add3A_930 = arith.constant 0 : i32
        %add3A_931 = arith.addi %mul3A_929, %add3A_930 : i32
        %get3A_932 = arith.constant 1 : i32
        %get3A_933 = arith.constant 0 : i32
        %get3A_934 = arith.index_cast %get3A_932 : i32 to index
        %get3A_935 = arith.index_cast %get3A_933 : i32 to index
        %get3A_936 = arith.index_cast %add3A_931 : i32 to index
        %get3A_937 = arith.constant 16 : index
        %get3A_938 = tpu.vector_load %arg6[%get3A_934, %get3A_935, %get3A_936, %get3A_937] {strides = array<i32>} : memref<2x4x128x64xf32, #tpu.memory_space<vmem>>, vector<1x1x1x16xf32>,
        %get3A_939 = vector.shape_cast %get3A_938 : vector<1x1x1x16xf32> to vector<16xf32>
        %get3A_940 = arith.constant 1 : i32
        %get3A_941 = arith.constant 1 : i32
        %get3A_942 = arith.index_cast %get3A_940 : i32 to index
        %get3A_943 = arith.index_cast %get3A_941 : i32 to index
        %get3A_944 = arith.index_cast %add3A_931 : i32 to index
        %get3A_945 = arith.constant 16 : index
        %get3A_946 = tpu.vector_load %arg6[%get3A_942, %get3A_943, %get3A_944, %get3A_945] {strides = array<i32>} : memref<2x4x128x64xf32, #tpu.memory_space<vmem>>, vector<1x1x1x16xf32>,
        %get3A_947 = vector.shape_cast %get3A_946 : vector<1x1x1x16xf32> to vector<16xf32>
        %add3A_948 = arith.addf %get3A_939, %get3A_947 : vector<16xf32>
        %get3A_949 = arith.constant 1 : i32
        %get3A_950 = arith.constant 2 : i32
        %get3A_951 = arith.index_cast %get3A_949 : i32 to index
        %get3A_952 = arith.index_cast %get3A_950 : i32 to index
        %get3A_953 = arith.index_cast %add3A_931 : i32 to index
        %get3A_954 = arith.constant 16 : index
        %get3A_955 = tpu.vector_load %arg6[%get3A_951, %get3A_952, %get3A_953, %get3A_954] {strides = array<i32>} : memref<2x4x128x64xf32, #tpu.memory_space<vmem>>, vector<1x1x1x16xf32>,
        %get3A_956 = vector.shape_cast %get3A_955 : vector<1x1x1x16xf32> to vector<16xf32>
        %get3A_957 = arith.constant 1 : i32
        %get3A_958 = arith.constant 3 : i32
        %get3A_959 = arith.index_cast %get3A_957 : i32 to index
        %get3A_960 = arith.index_cast %get3A_958 : i32 to index
        %get3A_961 = arith.index_cast %add3A_931 : i32 to index
        %get3A_962 = arith.constant 16 : index
        %get3A_963 = tpu.vector_load %arg6[%get3A_959, %get3A_960, %get3A_961, %get3A_962] {strides = array<i32>} : memref<2x4x128x64xf32, #tpu.memory_space<vmem>>, vector<1x1x1x16xf32>,
        %get3A_964 = vector.shape_cast %get3A_963 : vector<1x1x1x16xf32> to vector<16xf32>
        %add3A_965 = arith.addf %get3A_956, %get3A_964 : vector<16xf32>
        %add3A_966 = arith.addf %add3A_948, %add3A_965 : vector<16xf32>
        %mul3A_967 = arith.constant 2.500000e-01 : f32
        %mul3A_968 = vector.broadcast %mul3A_967 : f32 to vector<16xf32>
        %mul3A_969 = arith.mulf %add3A_966, %mul3A_968 : vector<16xf32>
        %swap3A_970 = arith.constant 1 : i32
        %swap3A_971 = arith.index_cast %swap3A_970 : i32 to index
        %swap3A_972 = arith.index_cast %scan3A_878 : i32 to index
        %swap3A_973 = arith.constant 16 : index
        %swap3A_974 = tpu.vector_load %arg7[%swap3A_971, %swap3A_972, %swap3A_973] {strides = array<i32>} : memref<2x64x128xf32, #tpu.memory_space<vmem>>, vector<1x1x16xf32>,
        %swap3A_975 = vector.shape_cast %swap3A_974 : vector<1x1x16xf32> to vector<16xf32>
        %swap3A_976 = vector.shape_cast %mul3A_969 : vector<16xf32> to vector<1x1x16xf32>
        tpu.vector_store %arg7[%swap3A_971, %swap3A_972, %swap3A_973], %swap3A_976 {strides = array<i32>} : memref<2x64x128xf32, #tpu.memory_space<vmem>>, vector<1x1x16xf32>,
        %mul3A_977 = arith.constant 2 : i32
        %mul3A_978 = arith.muli %mul3A_977, %scan3A_878 : i32
        %add3A_979 = arith.constant 0 : i32
        %add3A_980 = arith.addi %mul3A_978, %add3A_979 : i32
        %get3A_981 = arith.constant 1 : i32
        %get3A_982 = arith.constant 0 : i32
        %get3A_983 = arith.index_cast %get3A_981 : i32 to index
        %get3A_984 = arith.index_cast %get3A_982 : i32 to index
        %get3A_985 = arith.index_cast %add3A_980 : i32 to index
        %get3A_986 = arith.constant 32 : index
        %get3A_987 = tpu.vector_load %arg6[%get3A_983, %get3A_984, %get3A_985, %get3A_986] {strides = array<i32>} : memref<2x4x128x64xf32, #tpu.memory_space<vmem>>, vector<1x1x1x16xf32>,
        %get3A_988 = vector.shape_cast %get3A_987 : vector<1x1x1x16xf32> to vector<16xf32>
        %get3A_989 = arith.constant 1 : i32
        %get3A_990 = arith.constant 1 : i32
        %get3A_991 = arith.index_cast %get3A_989 : i32 to index
        %get3A_992 = arith.index_cast %get3A_990 : i32 to index
        %get3A_993 = arith.index_cast %add3A_980 : i32 to index
        %get3A_994 = arith.constant 32 : index
        %get3A_995 = tpu.vector_load %arg6[%get3A_991, %get3A_992, %get3A_993, %get3A_994] {strides = array<i32>} : memref<2x4x128x64xf32, #tpu.memory_space<vmem>>, vector<1x1x1x16xf32>,
        %get3A_996 = vector.shape_cast %get3A_995 : vector<1x1x1x16xf32> to vector<16xf32>
        %add3A_997 = arith.addf %get3A_988, %get3A_996 : vector<16xf32>
        %get3A_998 = arith.constant 1 : i32
        %get3A_999 = arith.constant 2 : i32
        %get3A_1000 = arith.index_cast %get3A_998 : i32 to index
        %get3A_1001 = arith.index_cast %get3A_999 : i32 to index
        %get3A_1002 = arith.index_cast %add3A_980 : i32 to index
        %get3A_1003 = arith.constant 32 : index
        %get3A_1004 = tpu.vector_load %arg6[%get3A_1000, %get3A_1001, %get3A_1002, %get3A_1003] {strides = array<i32>} : memref<2x4x128x64xf32, #tpu.memory_space<vmem>>, vector<1x1x1x16xf32>,
        %get3A_1005 = vector.shape_cast %get3A_1004 : vector<1x1x1x16xf32> to vector<16xf32>
        %get3A_1006 = arith.constant 1 : i32
        %get3A_1007 = arith.constant 3 : i32
        %get3A_1008 = arith.index_cast %get3A_1006 : i32 to index
        %get3A_1009 = arith.index_cast %get3A_1007 : i32 to index
        %get3A_1010 = arith.index_cast %add3A_980 : i32 to index
        %get3A_1011 = arith.constant 32 : index
        %get3A_1012 = tpu.vector_load %arg6[%get3A_1008, %get3A_1009, %get3A_1010, %get3A_1011] {strides = array<i32>} : memref<2x4x128x64xf32, #tpu.memory_space<vmem>>, vector<1x1x1x16xf32>,
        %get3A_1013 = vector.shape_cast %get3A_1012 : vector<1x1x1x16xf32> to vector<16xf32>
        %add3A_1014 = arith.addf %get3A_1005, %get3A_1013 : vector<16xf32>
        %add3A_1015 = arith.addf %add3A_997, %add3A_1014 : vector<16xf32>
        %mul3A_1016 = arith.constant 2.500000e-01 : f32
        %mul3A_1017 = vector.broadcast %mul3A_1016 : f32 to vector<16xf32>
        %mul3A_1018 = arith.mulf %add3A_1015, %mul3A_1017 : vector<16xf32>
        %swap3A_1019 = arith.constant 1 : i32
        %swap3A_1020 = arith.index_cast %swap3A_1019 : i32 to index
        %swap3A_1021 = arith.index_cast %scan3A_878 : i32 to index
        %swap3A_1022 = arith.constant 32 : index
        %swap3A_1023 = tpu.vector_load %arg7[%swap3A_1020, %swap3A_1021, %swap3A_1022] {strides = array<i32>} : memref<2x64x128xf32, #tpu.memory_space<vmem>>, vector<1x1x16xf32>,
        %swap3A_1024 = vector.shape_cast %swap3A_1023 : vector<1x1x16xf32> to vector<16xf32>
        %swap3A_1025 = vector.shape_cast %mul3A_1018 : vector<16xf32> to vector<1x1x16xf32>
        tpu.vector_store %arg7[%swap3A_1020, %swap3A_1021, %swap3A_1022], %swap3A_1025 {strides = array<i32>} : memref<2x64x128xf32, #tpu.memory_space<vmem>>, vector<1x1x16xf32>,
        %mul3A_1026 = arith.constant 2 : i32
        %mul3A_1027 = arith.muli %mul3A_1026, %scan3A_878 : i32
        %add3A_1028 = arith.constant 0 : i32
        %add3A_1029 = arith.addi %mul3A_1027, %add3A_1028 : i32
        %get3A_1030 = arith.constant 1 : i32
        %get3A_1031 = arith.constant 0 : i32
        %get3A_1032 = arith.index_cast %get3A_1030 : i32 to index
        %get3A_1033 = arith.index_cast %get3A_1031 : i32 to index
        %get3A_1034 = arith.index_cast %add3A_1029 : i32 to index
        %get3A_1035 = arith.constant 48 : index
        %get3A_1036 = tpu.vector_load %arg6[%get3A_1032, %get3A_1033, %get3A_1034, %get3A_1035] {strides = array<i32>} : memref<2x4x128x64xf32, #tpu.memory_space<vmem>>, vector<1x1x1x16xf32>,
        %get3A_1037 = vector.shape_cast %get3A_1036 : vector<1x1x1x16xf32> to vector<16xf32>
        %get3A_1038 = arith.constant 1 : i32
        %get3A_1039 = arith.constant 1 : i32
        %get3A_1040 = arith.index_cast %get3A_1038 : i32 to index
        %get3A_1041 = arith.index_cast %get3A_1039 : i32 to index
        %get3A_1042 = arith.index_cast %add3A_1029 : i32 to index
        %get3A_1043 = arith.constant 48 : index
        %get3A_1044 = tpu.vector_load %arg6[%get3A_1040, %get3A_1041, %get3A_1042, %get3A_1043] {strides = array<i32>} : memref<2x4x128x64xf32, #tpu.memory_space<vmem>>, vector<1x1x1x16xf32>,
        %get3A_1045 = vector.shape_cast %get3A_1044 : vector<1x1x1x16xf32> to vector<16xf32>
        %add3A_1046 = arith.addf %get3A_1037, %get3A_1045 : vector<16xf32>
        %get3A_1047 = arith.constant 1 : i32
        %get3A_1048 = arith.constant 2 : i32
        %get3A_1049 = arith.index_cast %get3A_1047 : i32 to index
        %get3A_1050 = arith.index_cast %get3A_1048 : i32 to index
        %get3A_1051 = arith.index_cast %add3A_1029 : i32 to index
        %get3A_1052 = arith.constant 48 : index
        %get3A_1053 = tpu.vector_load %arg6[%get3A_1049, %get3A_1050, %get3A_1051, %get3A_1052] {strides = array<i32>} : memref<2x4x128x64xf32, #tpu.memory_space<vmem>>, vector<1x1x1x16xf32>,
        %get3A_1054 = vector.shape_cast %get3A_1053 : vector<1x1x1x16xf32> to vector<16xf32>
        %get3A_1055 = arith.constant 1 : i32
        %get3A_1056 = arith.constant 3 : i32
        %get3A_1057 = arith.index_cast %get3A_1055 : i32 to index
        %get3A_1058 = arith.index_cast %get3A_1056 : i32 to index
        %get3A_1059 = arith.index_cast %add3A_1029 : i32 to index
        %get3A_1060 = arith.constant 48 : index
        %get3A_1061 = tpu.vector_load %arg6[%get3A_1057, %get3A_1058, %get3A_1059, %get3A_1060] {strides = array<i32>} : memref<2x4x128x64xf32, #tpu.memory_space<vmem>>, vector<1x1x1x16xf32>,
        %get3A_1062 = vector.shape_cast %get3A_1061 : vector<1x1x1x16xf32> to vector<16xf32>
        %add3A_1063 = arith.addf %get3A_1054, %get3A_1062 : vector<16xf32>
        %add3A_1064 = arith.addf %add3A_1046, %add3A_1063 : vector<16xf32>
        %mul3A_1065 = arith.constant 2.500000e-01 : f32
        %mul3A_1066 = vector.broadcast %mul3A_1065 : f32 to vector<16xf32>
        %mul3A_1067 = arith.mulf %add3A_1064, %mul3A_1066 : vector<16xf32>
        %swap3A_1068 = arith.constant 1 : i32
        %swap3A_1069 = arith.index_cast %swap3A_1068 : i32 to index
        %swap3A_1070 = arith.index_cast %scan3A_878 : i32 to index
        %swap3A_1071 = arith.constant 48 : index
        %swap3A_1072 = tpu.vector_load %arg7[%swap3A_1069, %swap3A_1070, %swap3A_1071] {strides = array<i32>} : memref<2x64x128xf32, #tpu.memory_space<vmem>>, vector<1x1x16xf32>,
        %swap3A_1073 = vector.shape_cast %swap3A_1072 : vector<1x1x16xf32> to vector<16xf32>
        %swap3A_1074 = vector.shape_cast %mul3A_1067 : vector<16xf32> to vector<1x1x16xf32>
        tpu.vector_store %arg7[%swap3A_1069, %swap3A_1070, %swap3A_1071], %swap3A_1074 {strides = array<i32>} : memref<2x64x128xf32, #tpu.memory_space<vmem>>, vector<1x1x16xf32>,
        %mul3A_1075 = arith.constant 2 : i32
        %mul3A_1076 = arith.muli %mul3A_1075, %scan3A_878 : i32
        %add3A_1077 = arith.constant 1 : i32
        %add3A_1078 = arith.addi %mul3A_1076, %add3A_1077 : i32
        %get3A_1079 = arith.constant 1 : i32
        %get3A_1080 = arith.constant 0 : i32
        %get3A_1081 = arith.index_cast %get3A_1079 : i32 to index
        %get3A_1082 = arith.index_cast %get3A_1080 : i32 to index
        %get3A_1083 = arith.index_cast %add3A_1078 : i32 to index
        %get3A_1084 = arith.constant 0 : index
        %get3A_1085 = tpu.vector_load %arg6[%get3A_1081, %get3A_1082, %get3A_1083, %get3A_1084] {strides = array<i32>} : memref<2x4x128x64xf32, #tpu.memory_space<vmem>>, vector<1x1x1x16xf32>,
        %get3A_1086 = vector.shape_cast %get3A_1085 : vector<1x1x1x16xf32> to vector<16xf32>
        %get3A_1087 = arith.constant 1 : i32
        %get3A_1088 = arith.constant 1 : i32
        %get3A_1089 = arith.index_cast %get3A_1087 : i32 to index
        %get3A_1090 = arith.index_cast %get3A_1088 : i32 to index
        %get3A_1091 = arith.index_cast %add3A_1078 : i32 to index
        %get3A_1092 = arith.constant 0 : index
        %get3A_1093 = tpu.vector_load %arg6[%get3A_1089, %get3A_1090, %get3A_1091, %get3A_1092] {strides = array<i32>} : memref<2x4x128x64xf32, #tpu.memory_space<vmem>>, vector<1x1x1x16xf32>,
        %get3A_1094 = vector.shape_cast %get3A_1093 : vector<1x1x1x16xf32> to vector<16xf32>
        %add3A_1095 = arith.addf %get3A_1086, %get3A_1094 : vector<16xf32>
        %get3A_1096 = arith.constant 1 : i32
        %get3A_1097 = arith.constant 2 : i32
        %get3A_1098 = arith.index_cast %get3A_1096 : i32 to index
        %get3A_1099 = arith.index_cast %get3A_1097 : i32 to index
        %get3A_1100 = arith.index_cast %add3A_1078 : i32 to index
        %get3A_1101 = arith.constant 0 : index
        %get3A_1102 = tpu.vector_load %arg6[%get3A_1098, %get3A_1099, %get3A_1100, %get3A_1101] {strides = array<i32>} : memref<2x4x128x64xf32, #tpu.memory_space<vmem>>, vector<1x1x1x16xf32>,
        %get3A_1103 = vector.shape_cast %get3A_1102 : vector<1x1x1x16xf32> to vector<16xf32>
        %get3A_1104 = arith.constant 1 : i32
        %get3A_1105 = arith.constant 3 : i32
        %get3A_1106 = arith.index_cast %get3A_1104 : i32 to index
        %get3A_1107 = arith.index_cast %get3A_1105 : i32 to index
        %get3A_1108 = arith.index_cast %add3A_1078 : i32 to index
        %get3A_1109 = arith.constant 0 : index
        %get3A_1110 = tpu.vector_load %arg6[%get3A_1106, %get3A_1107, %get3A_1108, %get3A_1109] {strides = array<i32>} : memref<2x4x128x64xf32, #tpu.memory_space<vmem>>, vector<1x1x1x16xf32>,
        %get3A_1111 = vector.shape_cast %get3A_1110 : vector<1x1x1x16xf32> to vector<16xf32>
        %add3A_1112 = arith.addf %get3A_1103, %get3A_1111 : vector<16xf32>
        %add3A_1113 = arith.addf %add3A_1095, %add3A_1112 : vector<16xf32>
        %mul3A_1114 = arith.constant 2.500000e-01 : f32
        %mul3A_1115 = vector.broadcast %mul3A_1114 : f32 to vector<16xf32>
        %mul3A_1116 = arith.mulf %add3A_1113, %mul3A_1115 : vector<16xf32>
        %swap3A_1117 = arith.constant 1 : i32
        %swap3A_1118 = arith.index_cast %swap3A_1117 : i32 to index
        %swap3A_1119 = arith.index_cast %scan3A_878 : i32 to index
        %swap3A_1120 = arith.constant 64 : index
        %swap3A_1121 = tpu.vector_load %arg7[%swap3A_1118, %swap3A_1119, %swap3A_1120] {strides = array<i32>} : memref<2x64x128xf32, #tpu.memory_space<vmem>>, vector<1x1x16xf32>,
        %swap3A_1122 = vector.shape_cast %swap3A_1121 : vector<1x1x16xf32> to vector<16xf32>
        %swap3A_1123 = vector.shape_cast %mul3A_1116 : vector<16xf32> to vector<1x1x16xf32>
        tpu.vector_store %arg7[%swap3A_1118, %swap3A_1119, %swap3A_1120], %swap3A_1123 {strides = array<i32>} : memref<2x64x128xf32, #tpu.memory_space<vmem>>, vector<1x1x16xf32>,
        %mul3A_1124 = arith.constant 2 : i32
        %mul3A_1125 = arith.muli %mul3A_1124, %scan3A_878 : i32
        %add3A_1126 = arith.constant 1 : i32
        %add3A_1127 = arith.addi %mul3A_1125, %add3A_1126 : i32
        %get3A_1128 = arith.constant 1 : i32
        %get3A_1129 = arith.constant 0 : i32
        %get3A_1130 = arith.index_cast %get3A_1128 : i32 to index
        %get3A_1131 = arith.index_cast %get3A_1129 : i32 to index
        %get3A_1132 = arith.index_cast %add3A_1127 : i32 to index
        %get3A_1133 = arith.constant 16 : index
        %get3A_1134 = tpu.vector_load %arg6[%get3A_1130, %get3A_1131, %get3A_1132, %get3A_1133] {strides = array<i32>} : memref<2x4x128x64xf32, #tpu.memory_space<vmem>>, vector<1x1x1x16xf32>,
        %get3A_1135 = vector.shape_cast %get3A_1134 : vector<1x1x1x16xf32> to vector<16xf32>
        %get3A_1136 = arith.constant 1 : i32
        %get3A_1137 = arith.constant 1 : i32
        %get3A_1138 = arith.index_cast %get3A_1136 : i32 to index
        %get3A_1139 = arith.index_cast %get3A_1137 : i32 to index
        %get3A_1140 = arith.index_cast %add3A_1127 : i32 to index
        %get3A_1141 = arith.constant 16 : index
        %get3A_1142 = tpu.vector_load %arg6[%get3A_1138, %get3A_1139, %get3A_1140, %get3A_1141] {strides = array<i32>} : memref<2x4x128x64xf32, #tpu.memory_space<vmem>>, vector<1x1x1x16xf32>,
        %get3A_1143 = vector.shape_cast %get3A_1142 : vector<1x1x1x16xf32> to vector<16xf32>
        %add3A_1144 = arith.addf %get3A_1135, %get3A_1143 : vector<16xf32>
        %get3A_1145 = arith.constant 1 : i32
        %get3A_1146 = arith.constant 2 : i32
        %get3A_1147 = arith.index_cast %get3A_1145 : i32 to index
        %get3A_1148 = arith.index_cast %get3A_1146 : i32 to index
        %get3A_1149 = arith.index_cast %add3A_1127 : i32 to index
        %get3A_1150 = arith.constant 16 : index
        %get3A_1151 = tpu.vector_load %arg6[%get3A_1147, %get3A_1148, %get3A_1149, %get3A_1150] {strides = array<i32>} : memref<2x4x128x64xf32, #tpu.memory_space<vmem>>, vector<1x1x1x16xf32>,
        %get3A_1152 = vector.shape_cast %get3A_1151 : vector<1x1x1x16xf32> to vector<16xf32>
        %get3A_1153 = arith.constant 1 : i32
        %get3A_1154 = arith.constant 3 : i32
        %get3A_1155 = arith.index_cast %get3A_1153 : i32 to index
        %get3A_1156 = arith.index_cast %get3A_1154 : i32 to index
        %get3A_1157 = arith.index_cast %add3A_1127 : i32 to index
        %get3A_1158 = arith.constant 16 : index
        %get3A_1159 = tpu.vector_load %arg6[%get3A_1155, %get3A_1156, %get3A_1157, %get3A_1158] {strides = array<i32>} : memref<2x4x128x64xf32, #tpu.memory_space<vmem>>, vector<1x1x1x16xf32>,
        %get3A_1160 = vector.shape_cast %get3A_1159 : vector<1x1x1x16xf32> to vector<16xf32>
        %add3A_1161 = arith.addf %get3A_1152, %get3A_1160 : vector<16xf32>
        %add3A_1162 = arith.addf %add3A_1144, %add3A_1161 : vector<16xf32>
        %mul3A_1163 = arith.constant 2.500000e-01 : f32
        %mul3A_1164 = vector.broadcast %mul3A_1163 : f32 to vector<16xf32>
        %mul3A_1165 = arith.mulf %add3A_1162, %mul3A_1164 : vector<16xf32>
        %swap3A_1166 = arith.constant 1 : i32
        %swap3A_1167 = arith.index_cast %swap3A_1166 : i32 to index
        %swap3A_1168 = arith.index_cast %scan3A_878 : i32 to index
        %swap3A_1169 = arith.constant 80 : index
        %swap3A_1170 = tpu.vector_load %arg7[%swap3A_1167, %swap3A_1168, %swap3A_1169] {strides = array<i32>} : memref<2x64x128xf32, #tpu.memory_space<vmem>>, vector<1x1x16xf32>,
        %swap3A_1171 = vector.shape_cast %swap3A_1170 : vector<1x1x16xf32> to vector<16xf32>
        %swap3A_1172 = vector.shape_cast %mul3A_1165 : vector<16xf32> to vector<1x1x16xf32>
        tpu.vector_store %arg7[%swap3A_1167, %swap3A_1168, %swap3A_1169], %swap3A_1172 {strides = array<i32>} : memref<2x64x128xf32, #tpu.memory_space<vmem>>, vector<1x1x16xf32>,
        %mul3A_1173 = arith.constant 2 : i32
        %mul3A_1174 = arith.muli %mul3A_1173, %scan3A_878 : i32
        %add3A_1175 = arith.constant 1 : i32
        %add3A_1176 = arith.addi %mul3A_1174, %add3A_1175 : i32
        %get3A_1177 = arith.constant 1 : i32
        %get3A_1178 = arith.constant 0 : i32
        %get3A_1179 = arith.index_cast %get3A_1177 : i32 to index
        %get3A_1180 = arith.index_cast %get3A_1178 : i32 to index
        %get3A_1181 = arith.index_cast %add3A_1176 : i32 to index
        %get3A_1182 = arith.constant 32 : index
        %get3A_1183 = tpu.vector_load %arg6[%get3A_1179, %get3A_1180, %get3A_1181, %get3A_1182] {strides = array<i32>} : memref<2x4x128x64xf32, #tpu.memory_space<vmem>>, vector<1x1x1x16xf32>,
        %get3A_1184 = vector.shape_cast %get3A_1183 : vector<1x1x1x16xf32> to vector<16xf32>
        %get3A_1185 = arith.constant 1 : i32
        %get3A_1186 = arith.constant 1 : i32
        %get3A_1187 = arith.index_cast %get3A_1185 : i32 to index
        %get3A_1188 = arith.index_cast %get3A_1186 : i32 to index
        %get3A_1189 = arith.index_cast %add3A_1176 : i32 to index
        %get3A_1190 = arith.constant 32 : index
        %get3A_1191 = tpu.vector_load %arg6[%get3A_1187, %get3A_1188, %get3A_1189, %get3A_1190] {strides = array<i32>} : memref<2x4x128x64xf32, #tpu.memory_space<vmem>>, vector<1x1x1x16xf32>,
        %get3A_1192 = vector.shape_cast %get3A_1191 : vector<1x1x1x16xf32> to vector<16xf32>
        %add3A_1193 = arith.addf %get3A_1184, %get3A_1192 : vector<16xf32>
        %get3A_1194 = arith.constant 1 : i32
        %get3A_1195 = arith.constant 2 : i32
        %get3A_1196 = arith.index_cast %get3A_1194 : i32 to index
        %get3A_1197 = arith.index_cast %get3A_1195 : i32 to index
        %get3A_1198 = arith.index_cast %add3A_1176 : i32 to index
        %get3A_1199 = arith.constant 32 : index
        %get3A_1200 = tpu.vector_load %arg6[%get3A_1196, %get3A_1197, %get3A_1198, %get3A_1199] {strides = array<i32>} : memref<2x4x128x64xf32, #tpu.memory_space<vmem>>, vector<1x1x1x16xf32>,
        %get3A_1201 = vector.shape_cast %get3A_1200 : vector<1x1x1x16xf32> to vector<16xf32>
        %get3A_1202 = arith.constant 1 : i32
        %get3A_1203 = arith.constant 3 : i32
        %get3A_1204 = arith.index_cast %get3A_1202 : i32 to index
        %get3A_1205 = arith.index_cast %get3A_1203 : i32 to index
        %get3A_1206 = arith.index_cast %add3A_1176 : i32 to index
        %get3A_1207 = arith.constant 32 : index
        %get3A_1208 = tpu.vector_load %arg6[%get3A_1204, %get3A_1205, %get3A_1206, %get3A_1207] {strides = array<i32>} : memref<2x4x128x64xf32, #tpu.memory_space<vmem>>, vector<1x1x1x16xf32>,
        %get3A_1209 = vector.shape_cast %get3A_1208 : vector<1x1x1x16xf32> to vector<16xf32>
        %add3A_1210 = arith.addf %get3A_1201, %get3A_1209 : vector<16xf32>
        %add3A_1211 = arith.addf %add3A_1193, %add3A_1210 : vector<16xf32>
        %mul3A_1212 = arith.constant 2.500000e-01 : f32
        %mul3A_1213 = vector.broadcast %mul3A_1212 : f32 to vector<16xf32>
        %mul3A_1214 = arith.mulf %add3A_1211, %mul3A_1213 : vector<16xf32>
        %swap3A_1215 = arith.constant 1 : i32
        %swap3A_1216 = arith.index_cast %swap3A_1215 : i32 to index
        %swap3A_1217 = arith.index_cast %scan3A_878 : i32 to index
        %swap3A_1218 = arith.constant 96 : index
        %swap3A_1219 = tpu.vector_load %arg7[%swap3A_1216, %swap3A_1217, %swap3A_1218] {strides = array<i32>} : memref<2x64x128xf32, #tpu.memory_space<vmem>>, vector<1x1x16xf32>,
        %swap3A_1220 = vector.shape_cast %swap3A_1219 : vector<1x1x16xf32> to vector<16xf32>
        %swap3A_1221 = vector.shape_cast %mul3A_1214 : vector<16xf32> to vector<1x1x16xf32>
        tpu.vector_store %arg7[%swap3A_1216, %swap3A_1217, %swap3A_1218], %swap3A_1221 {strides = array<i32>} : memref<2x64x128xf32, #tpu.memory_space<vmem>>, vector<1x1x16xf32>,
        %mul3A_1222 = arith.constant 2 : i32
        %mul3A_1223 = arith.muli %mul3A_1222, %scan3A_878 : i32
        %add3A_1224 = arith.constant 1 : i32
        %add3A_1225 = arith.addi %mul3A_1223, %add3A_1224 : i32
        %get3A_1226 = arith.constant 1 : i32
        %get3A_1227 = arith.constant 0 : i32
        %get3A_1228 = arith.index_cast %get3A_1226 : i32 to index
        %get3A_1229 = arith.index_cast %get3A_1227 : i32 to index
        %get3A_1230 = arith.index_cast %add3A_1225 : i32 to index
        %get3A_1231 = arith.constant 48 : index
        %get3A_1232 = tpu.vector_load %arg6[%get3A_1228, %get3A_1229, %get3A_1230, %get3A_1231] {strides = array<i32>} : memref<2x4x128x64xf32, #tpu.memory_space<vmem>>, vector<1x1x1x16xf32>,
        %get3A_1233 = vector.shape_cast %get3A_1232 : vector<1x1x1x16xf32> to vector<16xf32>
        %get3A_1234 = arith.constant 1 : i32
        %get3A_1235 = arith.constant 1 : i32
        %get3A_1236 = arith.index_cast %get3A_1234 : i32 to index
        %get3A_1237 = arith.index_cast %get3A_1235 : i32 to index
        %get3A_1238 = arith.index_cast %add3A_1225 : i32 to index
        %get3A_1239 = arith.constant 48 : index
        %get3A_1240 = tpu.vector_load %arg6[%get3A_1236, %get3A_1237, %get3A_1238, %get3A_1239] {strides = array<i32>} : memref<2x4x128x64xf32, #tpu.memory_space<vmem>>, vector<1x1x1x16xf32>,
        %get3A_1241 = vector.shape_cast %get3A_1240 : vector<1x1x1x16xf32> to vector<16xf32>
        %add3A_1242 = arith.addf %get3A_1233, %get3A_1241 : vector<16xf32>
        %get3A_1243 = arith.constant 1 : i32
        %get3A_1244 = arith.constant 2 : i32
        %get3A_1245 = arith.index_cast %get3A_1243 : i32 to index
        %get3A_1246 = arith.index_cast %get3A_1244 : i32 to index
        %get3A_1247 = arith.index_cast %add3A_1225 : i32 to index
        %get3A_1248 = arith.constant 48 : index
        %get3A_1249 = tpu.vector_load %arg6[%get3A_1245, %get3A_1246, %get3A_1247, %get3A_1248] {strides = array<i32>} : memref<2x4x128x64xf32, #tpu.memory_space<vmem>>, vector<1x1x1x16xf32>,
        %get3A_1250 = vector.shape_cast %get3A_1249 : vector<1x1x1x16xf32> to vector<16xf32>
        %get3A_1251 = arith.constant 1 : i32
        %get3A_1252 = arith.constant 3 : i32
        %get3A_1253 = arith.index_cast %get3A_1251 : i32 to index
        %get3A_1254 = arith.index_cast %get3A_1252 : i32 to index
        %get3A_1255 = arith.index_cast %add3A_1225 : i32 to index
        %get3A_1256 = arith.constant 48 : index
        %get3A_1257 = tpu.vector_load %arg6[%get3A_1253, %get3A_1254, %get3A_1255, %get3A_1256] {strides = array<i32>} : memref<2x4x128x64xf32, #tpu.memory_space<vmem>>, vector<1x1x1x16xf32>,
        %get3A_1258 = vector.shape_cast %get3A_1257 : vector<1x1x1x16xf32> to vector<16xf32>
        %add3A_1259 = arith.addf %get3A_1250, %get3A_1258 : vector<16xf32>
        %add3A_1260 = arith.addf %add3A_1242, %add3A_1259 : vector<16xf32>
        %mul3A_1261 = arith.constant 2.500000e-01 : f32
        %mul3A_1262 = vector.broadcast %mul3A_1261 : f32 to vector<16xf32>
        %mul3A_1263 = arith.mulf %add3A_1260, %mul3A_1262 : vector<16xf32>
        %swap3A_1264 = arith.constant 1 : i32
        %swap3A_1265 = arith.index_cast %swap3A_1264 : i32 to index
        %swap3A_1266 = arith.index_cast %scan3A_878 : i32 to index
        %swap3A_1267 = arith.constant 112 : index
        %swap3A_1268 = tpu.vector_load %arg7[%swap3A_1265, %swap3A_1266, %swap3A_1267] {strides = array<i32>} : memref<2x64x128xf32, #tpu.memory_space<vmem>>, vector<1x1x16xf32>,
        %swap3A_1269 = vector.shape_cast %swap3A_1268 : vector<1x1x16xf32> to vector<16xf32>
        %swap3A_1270 = vector.shape_cast %mul3A_1263 : vector<16xf32> to vector<1x1x16xf32>
        tpu.vector_store %arg7[%swap3A_1265, %swap3A_1266, %swap3A_1267], %swap3A_1270 {strides = array<i32>} : memref<2x64x128xf32, #tpu.memory_space<vmem>>, vector<1x1x16xf32>,
      }
      %scan3A_445 = arith.constant 64 : i32
      %mul3A_446 = arith.constant 128 : i32
      %mul3A_447 = arith.muli %add3A_348, %mul3A_446 : i32
      %add3A_448 = arith.addi %mul3A_2, %mul3A_447 : i32
      %jit3A_449 = arith.constant 2 : i32
      %div3A_450 = arith.divsi %add3A_448, %jit3A_449 : i32
      %sign3A_451 = arith.constant 0 : i32
      %sign3A_452 = arith.cmpi sgt, %add3A_448, %sign3A_451 : i32
      %sign3A_453 = arith.extui %sign3A_452 : i1 to i32
      %sign3A_454 = arith.constant 0 : i32
      %sign3A_455 = arith.cmpi slt, %add3A_448, %sign3A_454 : i32
      %sign3A_456 = arith.extui %sign3A_455 : i1 to i32
      %sign3A_457 = arith.subi %sign3A_453, %sign3A_456 : i32
      %sign3A_458 = arith.constant 0 : i32
      %sign3A_459 = arith.cmpi sgt, %jit3A_449, %sign3A_458 : i32
      %sign3A_460 = arith.extui %sign3A_459 : i1 to i32
      %sign3A_461 = arith.constant 0 : i32
      %sign3A_462 = arith.cmpi slt, %jit3A_449, %sign3A_461 : i32
      %sign3A_463 = arith.extui %sign3A_462 : i1 to i32
      %sign3A_464 = arith.subi %sign3A_460, %sign3A_463 : i32
      %ne3A_465 = arith.cmpi ne, %sign3A_457, %sign3A_464 : i32
      %rem3A_466 = arith.remsi %add3A_448, %jit3A_449 : i32
      %ne3A_467 = arith.constant 0 : i32
      %ne3A_468 = arith.cmpi ne, %rem3A_466, %ne3A_467 : i32
      %and3A_469 = arith.andi %ne3A_465, %ne3A_468 : i1
      %sub3A_470 = arith.constant 1 : i32
      %sub3A_471 = arith.subi %div3A_450, %sub3A_470 : i32
      %select_n3A_472 = arith.select %and3A_469, %sub3A_471, %div3A_450 : i32
      %dma_start3A_473 = arith.constant 1 : i32
      %dma_start3A_474 = arith.constant 0 : i32
      %dma_start3A_475 = arith.constant 0 : i32
      %dma_start3A_476 = tpu.memref_slice %arg7[%dma_start3A_473, %dma_start3A_474, %dma_start3A_475] : memref<2x64x128xf32, #tpu.memory_space<vmem>> -> memref<1x64x128xf32, #tpu.memory_space<vmem>>
      %dma_start3A_477 = tpu.memref_squeeze %dma_start3A_476 : memref<1x64x128xf32, #tpu.memory_space<vmem>> -> memref<64x128xf32, #tpu.memory_space<vmem>>
      %dma_start3A_478 = arith.constant 0 : i32
      %dma_start3A_479 = tpu.memref_slice %arg4[%select_n3A_472, %dma_start3A_478] : memref<409600x128xf32, #tpu.memory_space<hbm>> -> memref<64x128xf32, #tpu.memory_space<hbm>>
      %dma_start3A_480 = arith.constant 0 : i32
      %dma_start3A_481 = tpu.memref_slice %arg4[%select_n3A_472, %dma_start3A_480] : memref<409600x128xf32, #tpu.memory_space<hbm>> -> memref<64x128xf32, #tpu.memory_space<hbm>>
      %dma_start3A_482 = arith.constant 0 : i32
      %dma_start3A_483 = arith.constant 0 : i32
      %dma_start3A_484 = tpu.memref_slice %arg7[%dma_start3A_473, %dma_start3A_482, %dma_start3A_483] : memref<2x64x128xf32, #tpu.memory_space<vmem>> -> memref<1x64x128xf32, #tpu.memory_space<vmem>>
      %dma_start3A_485 = tpu.memref_squeeze %dma_start3A_484 : memref<1x64x128xf32, #tpu.memory_space<vmem>> -> memref<64x128xf32, #tpu.memory_space<vmem>>
      tpu.enqueue_dma source(%dma_start3A_485 : memref<64x128xf32, #tpu.memory_space<vmem>>) target(%dma_start3A_481 : memref<64x128xf32, #tpu.memory_space<hbm>>) target_semaphore(%arg13 : memref<!tpu.dma_semaphore, #tpu.memory_space<semaphore_mem>>)
    }
    %scan3A_128 = arith.constant 100 : i32
    %add3A_129 = arith.constant 25344 : i32
    %add3A_130 = arith.addi %mul3A_2, %add3A_129 : i32
    %jit3A_131 = arith.constant 2 : i32
    %div3A_132 = arith.divsi %add3A_130, %jit3A_131 : i32
    %sign3A_133 = arith.constant 0 : i32
    %sign3A_134 = arith.cmpi sgt, %add3A_130, %sign3A_133 : i32
    %sign3A_135 = arith.extui %sign3A_134 : i1 to i32
    %sign3A_136 = arith.constant 0 : i32
    %sign3A_137 = arith.cmpi slt, %add3A_130, %sign3A_136 : i32
    %sign3A_138 = arith.extui %sign3A_137 : i1 to i32
    %sign3A_139 = arith.subi %sign3A_135, %sign3A_138 : i32
    %sign3A_140 = arith.constant 0 : i32
    %sign3A_141 = arith.cmpi sgt, %jit3A_131, %sign3A_140 : i32
    %sign3A_142 = arith.extui %sign3A_141 : i1 to i32
    %sign3A_143 = arith.constant 0 : i32
    %sign3A_144 = arith.cmpi slt, %jit3A_131, %sign3A_143 : i32
    %sign3A_145 = arith.extui %sign3A_144 : i1 to i32
    %sign3A_146 = arith.subi %sign3A_142, %sign3A_145 : i32
    %ne3A_147 = arith.cmpi ne, %sign3A_139, %sign3A_146 : i32
    %rem3A_148 = arith.remsi %add3A_130, %jit3A_131 : i32
    %ne3A_149 = arith.constant 0 : i32
    %ne3A_150 = arith.cmpi ne, %rem3A_148, %ne3A_149 : i32
    %and3A_151 = arith.andi %ne3A_147, %ne3A_150 : i1
    %sub3A_152 = arith.constant 1 : i32
    %sub3A_153 = arith.subi %div3A_132, %sub3A_152 : i32
    %select_n3A_154 = arith.select %and3A_151, %sub3A_153, %div3A_132 : i32
    %dma_wait3A_155 = arith.constant 0 : i32
    %dma_wait3A_156 = arith.constant 0 : i32
    %dma_wait3A_157 = arith.constant 0 : i32
    %dma_wait3A_158 = tpu.memref_slice %arg7[%dma_wait3A_155, %dma_wait3A_156, %dma_wait3A_157] : memref<2x64x128xf32, #tpu.memory_space<vmem>> -> memref<1x64x128xf32, #tpu.memory_space<vmem>>
    %dma_wait3A_159 = tpu.memref_squeeze %dma_wait3A_158 : memref<1x64x128xf32, #tpu.memory_space<vmem>> -> memref<64x128xf32, #tpu.memory_space<vmem>>
    %dma_wait3A_160 = arith.constant 0 : i32
    %dma_wait3A_161 = tpu.memref_slice %arg4[%select_n3A_154, %dma_wait3A_160] : memref<409600x128xf32, #tpu.memory_space<hbm>> -> memref<64x128xf32, #tpu.memory_space<hbm>>
    %dma_wait3A_162 = arith.constant 0 : i32
    %dma_wait3A_163 = tpu.memref_slice %arg4[%select_n3A_154, %dma_wait3A_162] : memref<409600x128xf32, #tpu.memory_space<hbm>> -> memref<64x128xf32, #tpu.memory_space<hbm>>
    %dma_wait3A_164 = arith.constant 0 : i32
    %dma_wait3A_165 = arith.constant 0 : i32
    %dma_wait3A_166 = tpu.memref_slice %arg7[%dma_wait3A_155, %dma_wait3A_164, %dma_wait3A_165] : memref<2x64x128xf32, #tpu.memory_space<vmem>> -> memref<1x64x128xf32, #tpu.memory_space<vmem>>
    %dma_wait3A_167 = tpu.memref_squeeze %dma_wait3A_166 : memref<1x64x128xf32, #tpu.memory_space<vmem>> -> memref<64x128xf32, #tpu.memory_space<vmem>>
    tpu.wait_dma2 semaphore(%arg12 : memref<!tpu.dma_semaphore, #tpu.memory_space<semaphore_mem>>) src(%dma_wait3A_167 : memref<64x128xf32, #tpu.memory_space<vmem>>) dst(%dma_wait3A_163 : memref<64x128xf32, #tpu.memory_space<hbm>>)
    %add3A_168 = arith.constant 25472 : i32
    %add3A_169 = arith.addi %mul3A_2, %add3A_168 : i32
    %jit3A_170 = arith.constant 2 : i32
    %div3A_171 = arith.divsi %add3A_169, %jit3A_170 : i32
    %sign3A_172 = arith.constant 0 : i32
    %sign3A_173 = arith.cmpi sgt, %add3A_169, %sign3A_172 : i32
    %sign3A_174 = arith.extui %sign3A_173 : i1 to i32
    %sign3A_175 = arith.constant 0 : i32
    %sign3A_176 = arith.cmpi slt, %add3A_169, %sign3A_175 : i32
    %sign3A_177 = arith.extui %sign3A_176 : i1 to i32
    %sign3A_178 = arith.subi %sign3A_174, %sign3A_177 : i32
    %sign3A_179 = arith.constant 0 : i32
    %sign3A_180 = arith.cmpi sgt, %jit3A_170, %sign3A_179 : i32
    %sign3A_181 = arith.extui %sign3A_180 : i1 to i32
    %sign3A_182 = arith.constant 0 : i32
    %sign3A_183 = arith.cmpi slt, %jit3A_170, %sign3A_182 : i32
    %sign3A_184 = arith.extui %sign3A_183 : i1 to i32
    %sign3A_185 = arith.subi %sign3A_181, %sign3A_184 : i32
    %ne3A_186 = arith.cmpi ne, %sign3A_178, %sign3A_185 : i32
    %rem3A_187 = arith.remsi %add3A_169, %jit3A_170 : i32
    %ne3A_188 = arith.constant 0 : i32
    %ne3A_189 = arith.cmpi ne, %rem3A_187, %ne3A_188 : i32
    %and3A_190 = arith.andi %ne3A_186, %ne3A_189 : i1
    %sub3A_191 = arith.constant 1 : i32
    %sub3A_192 = arith.subi %div3A_171, %sub3A_191 : i32
    %select_n3A_193 = arith.select %and3A_190, %sub3A_192, %div3A_171 : i32
    %dma_wait3A_194 = arith.constant 1 : i32
    %dma_wait3A_195 = arith.constant 0 : i32
    %dma_wait3A_196 = arith.constant 0 : i32
    %dma_wait3A_197 = tpu.memref_slice %arg7[%dma_wait3A_194, %dma_wait3A_195, %dma_wait3A_196] : memref<2x64x128xf32, #tpu.memory_space<vmem>> -> memref<1x64x128xf32, #tpu.memory_space<vmem>>
    %dma_wait3A_198 = tpu.memref_squeeze %dma_wait3A_197 : memref<1x64x128xf32, #tpu.memory_space<vmem>> -> memref<64x128xf32, #tpu.memory_space<vmem>>
    %dma_wait3A_199 = arith.constant 0 : i32
    %dma_wait3A_200 = tpu.memref_slice %arg4[%select_n3A_193, %dma_wait3A_199] : memref<409600x128xf32, #tpu.memory_space<hbm>> -> memref<64x128xf32, #tpu.memory_space<hbm>>
    %dma_wait3A_201 = arith.constant 0 : i32
    %dma_wait3A_202 = tpu.memref_slice %arg4[%select_n3A_193, %dma_wait3A_201] : memref<409600x128xf32, #tpu.memory_space<hbm>> -> memref<64x128xf32, #tpu.memory_space<hbm>>
    %dma_wait3A_203 = arith.constant 0 : i32
    %dma_wait3A_204 = arith.constant 0 : i32
    %dma_wait3A_205 = tpu.memref_slice %arg7[%dma_wait3A_194, %dma_wait3A_203, %dma_wait3A_204] : memref<2x64x128xf32, #tpu.memory_space<vmem>> -> memref<1x64x128xf32, #tpu.memory_space<vmem>>
    %dma_wait3A_206 = tpu.memref_squeeze %dma_wait3A_205 : memref<1x64x128xf32, #tpu.memory_space<vmem>> -> memref<64x128xf32, #tpu.memory_space<vmem>>
    tpu.wait_dma2 semaphore(%arg13 : memref<!tpu.dma_semaphore, #tpu.memory_space<semaphore_mem>>) src(%dma_wait3A_206 : memref<64x128xf32, #tpu.memory_space<vmem>>) dst(%dma_wait3A_202 : memref<64x128xf32, #tpu.memory_space<hbm>>)
    return
  }
}

</mosaic_0001>

<sc_bundles>
// kernel: kernel.3.cloned.1.call-start
scs
__scs_entry_jumppad:
0x0: {  	(pc) =	sbr.rel $0x88, $3  }
0x1: {  	(tag) =	ssettag $0x0;
	lr =	simm.s32 $0x1  }
0x2: {  	[smem:$0x3F9F] =	sst lr;
	_ =	strace $0xD0000000  }
0x3: {  	_ = 	snop  }
0x4: {  	_ = 	snop  }
0x5: {  	_ = 	snop  }
0x6: {  	_ = 	snop  }
0x7: {  	_ = 	snop  }
__scs_overlays_trampoline_lowered:
0x8: {  	[smem:$0x3FAE] =	sst s0  }
0x9: {  	[smem:$0x3FAF] =	sst s1  }
0xa: {  	[smem:$0x3FB0] =	sst s2  }
0xb: {  	[smem:$0x3FB1] =	sst s3  }
0xc: {  	[smem:$0x3FB2] =	sst s4  }
0xd: {  	[smem:$0x3FB3] =	sst s5  }
0xe: {  	[smem:$0x3FB4] =	sst s6  }
0xf: {  	[smem:$0x3FB5] =	sst s7  }
0x10: {  	[smem:$0x3FB6] =	sst s8  }
0x11: {  	[smem:$0x3FB7] =	sst s9;
	s0 =	simm.s32 @!p0 $0x0  }
0x12: {  	s1 =	sld [smem:$0x3F9D];
	s0 =	simm.s32 @p0 $0x1  }
0x13: {  	[smem:$0x3FB8] =	sst s0;
	s0 =	simm.s32 @!p1 $0x0  }
0x14: {  	s2 =	sld [smem:$0x3F9C];
	s0 =	simm.s32 @p1 $0x1  }
0x15: {  	[smem:$0x3FB9] =	sst s0;
	s0 =	simm.s32 @!p2 $0x0  }
0x16: {  	s3 =	sld [smem:$0x3FDB];
	s0 =	simm.s32 @p2 $0x1  }
0x17: {  	s4 =	simm.s32 $0x1BF5;
	[smem:$0x3FBB] =	sst s0  }
0x18: {  	s0 =	sld [smem:$0x3F9E];
	_ =	swait.ge [sflag:s4], $0x0  }
0x19: {  	s7 =	sld [smem:$0x3F9F]  }
0x1a: {  	s8 =	sadd.s32 $0xFFFFE003, lr  }
0x1b: {  	s9 =	sadd.s32 $0xFFFFFEF7, lr;
	s5 =	simm.s32 $0xFFFFFFFF;
	p2 =	slt.u32 s8, $0xFFFFF086  }
0x1c: {  	p1 =	slt.u32 s9, $0xF7A;
	s5 =	simm.s32 @!p2 $0x0  }
0x1d: {  	s5 =	simm.s32 @p1 $0x1;
	p0 =	seq.s32 s7, s2  }
0x1e: {  	s7 =	smul.u32 @!p0 $0xF7A, s2;
	p2 =	seq.s32 @!p0 s5, $0x0  }
0x1f: {  	s9 =	smul.u32 $0xF7A, s1;
	s8 =	simm.s32 @!p0 $0x1BF5;
	p2 =	por !p2, p0  }
0x20: {  	[sflag:s8] =	ssyncset.s32 @!p0 $0xFFFFF086;
	s6 =	sadd.s32 @!p0 s3, s7;
	s7 =	simm.s32 @!p0 $0x108  }
0x21: {  	s3 =	sadd.s32 s3, s9;
	s6 =	sadd.s32 @!p0 $0x88, s6;
	s7 =	simm.s32 @p2 $0x1082  }
0x22: {  	[simem:s7], [sflag:s8] =	dma.local @!p0 [hbm:s6], $0xF7A  }
0x23: {  	s9 =	sor.u32 $0xD0000000, s2;
	s6 =	simm.s32 $0x108;
	_ =	swait.ge @!p0 [sflag:s8], $0x0  }
0x24: {  	s3 =	sadd.s32 $0x88, s3;
	s6 =	simm.s32 @!p1 $0x1082;
	[sflag:s4] =	ssyncset.s32 $0xFFFFF086  }
0x25: {  	[simem:s6], [sflag:s4] =	dma.local [hbm:s3], $0xF7A  }
0x26: {  	[smem:$0x3F9F] =	sst s1;
	(tag) =	ssettag s2;
	_ =	strace s9  }
0x27: {  	s1 =	sld [smem:$0x3FAF]  }
0x28: {  	s2 =	sld [smem:$0x3FB0]  }
0x29: {  	s4 =	sld [smem:$0x3FB2]  }
0x2a: {  	p0 =	seq.s32 s5, $0x0;
	s5 =	sld [smem:$0x3FB3]  }
0x2b: {  	s6 =	sld [smem:$0x3FB4]  }
0x2c: {  	s7 =	sld [smem:$0x3FB5]  }
0x2d: {  	s3 =	simm.s32 $0x108;
	s8 =	sld [smem:$0x3FB6]  }
0x2e: {  	s3 =	simm.s32 @!p0 $0x1082;
	s9 =	sld [smem:$0x3FB7]  }
0x2f: {  	lr =	sadd.s32 s0, s3;
	s0 =	sld [smem:$0x3FAE]  }
0x30: {  	s3 =	sld [smem:$0x3FB1]  }
0x31: {  	[smem:$0x3FBA] =	sst s10  }
0x32: {  	s10 =	sld [smem:$0x3FB8];
	_ =	sdelay $0x3  }
0x33: {  	p0 =	seq.s32 s10, $0x1;
	s10 =	sld [smem:$0x3FBA];
	_ =	sdelay $0x3  }
0x34: {  	[smem:$0x3FBA] =	sst s10  }
0x35: {  	s10 =	sld [smem:$0x3FB9];
	_ =	sdelay $0x3  }
0x36: {  	p1 =	seq.s32 s10, $0x1;
	s10 =	sld [smem:$0x3FBA];
	_ =	sdelay $0x3  }
0x37: {  	[smem:$0x3FBA] =	sst s10  }
0x38: {  	s10 =	sld [smem:$0x3FBB]  }
0x39: {  	_ = 	snop;
	(pc) =	sbr.ind lr, $3  }
0x3a: {  	_ = 	snop  }
0x3b: {  	_ = 	snop  }
0x3c: {  	p2 =	seq.s32 s10, $0x1;
	s10 =	sld [smem:$0x3FBA]  }
0x3d: {  	_ =	shalt  }
0x3e: {  	_ =	shalt  }
0x3f: {  	_ =	shalt  }
0x40: {  	_ =	shalt  }
0x41: {  	_ =	shalt  }
0x42: {  	_ =	shalt  }
0x43: {  	_ =	shalt  }
0x44: {  	_ =	shalt  }
0x45: {  	_ =	shalt  }
0x46: {  	_ =	shalt  }
0x47: {  	_ =	shalt  }
0x48: {  	_ =	shalt  }
0x49: {  	_ =	shalt  }
0x4a: {  	_ =	shalt  }
0x4b: {  	_ =	shalt  }
0x4c: {  	_ =	shalt  }
0x4d: {  	_ =	shalt  }
0x4e: {  	_ =	shalt  }
0x4f: {  	_ =	shalt  }
0x50: {  	_ =	shalt  }
0x51: {  	_ =	shalt  }
0x52: {  	_ =	shalt  }
0x53: {  	_ =	shalt  }
0x54: {  	_ =	shalt  }
0x55: {  	_ =	shalt  }
0x56: {  	_ =	shalt  }
0x57: {  	_ =	shalt  }
0x58: {  	_ =	shalt  }
0x59: {  	_ =	shalt  }
0x5a: {  	_ =	shalt  }
0x5b: {  	_ =	shalt  }
0x5c: {  	_ =	shalt  }
0x5d: {  	_ =	shalt  }
0x5e: {  	_ =	shalt  }
0x5f: {  	_ =	shalt  }
0x60: {  	_ =	shalt  }
0x61: {  	_ =	shalt  }
0x62: {  	_ =	shalt  }
0x63: {  	_ =	shalt  }
0x64: {  	_ =	shalt  }
0x65: {  	_ =	shalt  }
0x66: {  	_ =	shalt  }
0x67: {  	_ =	shalt  }
0x68: {  	_ =	shalt  }
0x69: {  	_ =	shalt  }
0x6a: {  	_ =	shalt  }
0x6b: {  	_ =	shalt  }
0x6c: {  	_ =	shalt  }
0x6d: {  	_ =	shalt  }
0x6e: {  	_ =	shalt  }
0x6f: {  	_ =	shalt  }
0x70: {  	_ =	shalt  }
0x71: {  	_ =	shalt  }
0x72: {  	_ =	shalt  }
0x73: {  	_ =	shalt  }
0x74: {  	_ =	shalt  }
0x75: {  	_ =	shalt  }
0x76: {  	_ =	shalt  }
0x77: {  	_ =	shalt  }
0x78: {  	_ =	shalt  }
0x79: {  	_ =	shalt  }
0x7a: {  	_ =	shalt  }
0x7b: {  	_ =	shalt  }
0x7c: {  	_ =	shalt  }
0x7d: {  	_ =	shalt  }
0x7e: {  	_ =	shalt  }
0x7f: {  	_ =	shalt  }
0x80: {  	_ =	shalt  }
0x81: {  	_ =	shalt  }
0x82: {  	_ =	shalt  }
0x83: {  	_ =	shalt  }
0x84: {  	_ =	shalt  }
0x85: {  	_ =	shalt  }
0x86: {  	_ =	shalt  }
0x87: {  	_ =	shalt  }
.Lfunc_end0:
.L_simem_size_0:
called_computation.1_lowered:
.L_overlay_start_0:
0x88: {  	s2 =	sld [smem:$0x3FD9]  }
0x89: {  	s3 =	sld [smem:$0x3FFE];
	_ =	sdelay $0x1  }
0x8a: {  	s1 =	srdreg.scid  }
0x8b: {  	s0 =	sand.u32 $0x1, s1  }
0x8c: {  	s17 =	sshll.u32 s0, $0xA;
	s2 =	sadd.s32 s3, s2  }
0x8d: {  	s2 =	sadd.s32 s2, s17  }
0x8e: {  	[smem:$0x3FC6] =	sst s2  }
0x8f: {  	_ = 	snop  }
0x90: {  	s2 =	sld [smem:$0x3FD0];
	(tm) =	ssettm $0x1  }
0x91: {  	s18 =	sld [smem:$0x3FFB];
	_ =	sdelay $0x3  }
0x92: {  	_ =	strace s18  }
0x93: {  	s3 =	sld [smem:$0x3FFC];
	_ =	sdelay $0x3  }
0x94: {  	_ =	strace s3  }
0x95: {  	s3 =	sld [smem:$0x3FFD];
	_ =	sdelay $0x3  }
0x96: {  	_ =	strace s3  }
0x97: {  	_ =	strace $0x8FFFFFFF  }
0x98: {  	s19 =	sld [smem:$0x3FDB];
	_ =	sdelay $0x1  }
0x99: {  	s4 =	simm.s32 $_scs_section_size  }
0x9a: {  	s5 =	simm.s32 $_size__tile_overlayer_lowered;
	s6 =	simm.s32 $_tile_overlayer_lowered  }
0x9b: {  	s22 =	simm.s32 $0x1BFF;
	s21 =	sshll.u32 s6, $0x1;
	s3 =	sadd.s32 s4, s19  }
0x9c: {  	s7 =	simm.s32 $0x0;
	s20 =	sshll.u32 s5, $0x1;
	s5 =	sadd.s32 s21, s3  }
0x9d: {  	[timem:s7], [sflag:s22] =	dma.local [hbm:s5], s20  }
0x9e: {  	_ =	swait.ge [sflag:s22], s20  }
0x9f: {  	s4 =	ssub.s32 $0x0, s20;
	[sflag:s22] =	ssyncset.done $0x0  }
0xa0: {  	[sflag:s22] =	ssyncadd.s32 s4;
	_ =	sdelay $0x1  }
0xa1: {  	s23 =	simm.s32 $0x1B8B  }
0xa2: {  	_ =	swait.ge [sflag:s23], $0x1  }
0xa3: {  	[sflag:s23] =	ssyncset.done $0x0  }
0xa4: {  	s25 =	simm.s32 $0x1B8E;
	s24 =	sld [smem:$0x3FFE];
	[sflag:s23] =	ssyncadd.s32 $0xFFFFFFFF  }
0xa5: {  	s26 =	simm.s32 $execute0_lowered;
	[smem:$0x3FD2] =	sst s25  }
0xa6: {  	s5 =	sshll.u32 s26, $0x1;
	_ =	strace $0x80000046;
	[dreg:$0x1] =	wrdreg $0xFFFFFFFF  }
0xa7: {  	s28 =	simm.s32 $_size_execute0_lowered;
	s3 =	sadd.s32 s3, s5;
	[dreg:$0x0] =	wrdreg $0x0  }
0xa8: {  	s5 =	sshll.u32 s28, $0x1;
	[dreg:$0x2] =	wrdreg s3  }
0xa9: {  	[dreg:$0x3] =	wrdreg s5  }
0xaa: {  	[dreg:$0x4] =	wrdreg $0xC0  }
0xab: {  	_ =	task [dreg:s7], $0x5FFFF  }
0xac: {  	[dreg:$0x1] =	wrdreg $0xFFFFFFFF  }
0xad: {  	[dreg:$0x0] =	wrdreg $0x60  }
0xae: {  	[dreg:$0x2] =	wrdreg s24  }
0xaf: {  	[dreg:$0x3] =	wrdreg s2  }
0xb0: {  	[dreg:$0x4] =	wrdreg $0x9  }
0xb1: {  	_ =	task.clear_ibuf [dreg:s7], $0x5FFFF;
	_ =	strace $0x90000046  }
0xb2: {  	s29 =	simm.s32 $0x9;
	_ =	strace $0x80000048  }
0xb3: {  	_ =	swait.ge [sflag:s29], $0x1  }
0xb4: {  	[sflag:s29] =	ssyncadd.s32 $0xFFFFFFFF  }
0xb5: {  	_ =	strace $0x90000048  }
0xb6: {  	_ =	sfence  }
0xb7: {  	s30 =	sld [smem:$0x0];
	_ =	sdelay $0x2  }
0xb8: {  	s31 =	sshll.u32 s1, $0xD;
	s1 =	sshrl.u32 s1, $0x2  }
0xb9: {  	s3 =	sand.u32 $0x4000, s31;
	s1 =	sadd.s32 s1, s30  }
0xba: {  	s0 =	sor.u32 s3, s0;
	s1 =	sshll.u32 s1, $0x11  }
0xbb: {  	s0 =	sor.u32 s1, s0  }
0xbc: {  	s0 =	sadd.s32 $0x8F2B, s0  }
0xbd: {  	[sflag:s0] =	ssyncadd.remote.s32 $0x1  }
0xbe: {  	_ =	sfence.sel $0xFFFF  }
0xbf: {  	[dreg:$0x0] =	wrdreg $0xFFFFFFFF;
	(pc) =	sbr.abs _section_cstart, $3  }
0xc0: {  	[dreg:$0x1] =	wrdreg $0xFFFFFFFF  }
0xc1: {  	_ =	task.clear_ibuf [dreg:s7], $0x2FFFF;
	_ =	strace $0x9FFFFFFF  }
0xc2: {  	(tm) =	ssettm $0x7FFFFFFF  }
0xc3: {  	_ =	shalt  }
tec
execute0_lowered:
.L_overlay_start_1:
0x0: {  	(tag) =	ssettag $0x1  }
0x1: {  	s0 =	rddreg [dreg:$0x0]  }
0x2: {  	s2 =	rddreg [dreg:$0x1];
	s1 =	srdreg.scid  }
0x3: {  	s4 =	stileid.u32;
	s3 =	simm.s32 $0x0;
	s17 =	simm.s32 $0x80  }
0x4: {  	s24 =	simm.s32 $0x200;
	s25 =	simm.s32 $0x3;
	s29 =	simm.s32 $0x280  }
0x5: {  	s30 =	simm.s32 $0xA400;
	s31 =	simm.s32 $0x300;
	s18 =	simm.s32 $0xE400  }
0x6: {  	s19 =	simm.s32 $0x10400;
	s20 =	simm.s32 $0x4;
	s21 =	simm.s32 $0x12400  }
0x7: {  	s23 =	simm.s32 $0x6;
	s1 =	sand.u32 $0x1, s1;
	s4 =	sshll.u32 s4, $0x1  }
0x8: {  	[smem:$0x7FF] =	sst s3;
	s5 =	sadd.s32 $0x65000, s0;
	s6 =	sor.u32 s1, s4  }
0x9: {  	s10 =	sadd.s32 $0x95000, s0;
	s1 =	ssub.s32 $0x2, s1;
	s7 =	smul.u32 $0x3200, s6  }
0xa: {  	_ =	strace $0x80000047;
	s8 =	sshrl.u32 s1, $0x1;
	s11 =	smul.u32 $0xC8, s6  }
0xb: {  	s4 =	sadd.s32 $0x1000, s0;
	s9 =	smul.u32 $0x190000, s6;
	s1 =	ssub.s32 s1, s8  }
0xc: {  	s8 =	sadd.s32 $0x85000, s0;
	s12 =	sadd.s32 s4, s7;
	s7 =	sadd.s32 $0x75000, s0  }
0xd: {  	s13 =	sor.u32 $0x3, s11;
	s14 =	sor.u32 $0x2000, s9;
	s28 =	smax.u32 s1, $0x1  }
0xe: {  	s0 =	simm.s32 $0xC400;
	s1 =	simm.s32 $0x380;
	[dreg:$0x3] =	wrdreg s12  }
0xf: {  	s26 =	sadd.s32 $0x40, s12;
	s12 =	sor.u32 $0x2, s11;
	[dreg:$0x5] =	wrdreg s28  }
0x10: {  	s11 =	simm.s32 $0x0;
	[dreg:$0x4] =	wrdreg s26;
	s26 =	simm.s32 $0x2  }
.LBB2_1:
0x11: {  	[dreg:$0x6] =	wrdreg s11  }
0x12: {  	s6 =	rddreg [dreg:$0x3];
	s16 =	simm.s32 $0x1  }
0x13: {  	[tilespmem:s3], [sflag:$0x1] =	stream.linear.gather [hbm4b:s6+s3], $0x200, $0x38;
	[tilespmem:$0x14400] =	vst v63  }
0x14: {  	_ =	swait.ge [sflag:s16], $0x200  }
0x15: {  	[sflag:s16] =	ssyncset.done $0x0  }
0x16: {  	s22 =	simm.s32 $0x400;
	[sflag:s16] =	ssyncadd.s32 $0xFFFFFE00  }
0x17: {  	[tilespmem:s22], [sflag:$0x3] =	stream.indirect.gather [hbm4b:s5+s17], $0x40, s3, s17, $0xb8;
	[tilespmem:$0x14400] =	vst v63  }
0x18: {  	s28 =	simm.s32 $0x2400  }
0x19: {  	[tilespmem:s28], [sflag:$0x3] =	stream.indirect.gather [hbm4b:s7+s17], $0x40, s17, s17, $0xb8;
	[tilespmem:$0x14400] =	vst v63  }
0x1a: {  	s11 =	simm.s32 $0x100;
	s15 =	simm.s32 $0x4400  }
0x1b: {  	[tilespmem:s15], [sflag:$0x3] =	stream.indirect.gather [hbm4b:s8+s17], $0x40, s11, s17, $0xb8;
	[tilespmem:$0x14400] =	vst v63  }
0x1c: {  	s16 =	simm.s32 $0x180;
	s22 =	simm.s32 $0x6400  }
0x1d: {  	[tilespmem:s22], [sflag:$0x3] =	stream.indirect.gather [hbm4b:s10+s17], $0x40, s16, s17, $0xb8;
	[tilespmem:$0x14400] =	vst v63  }
0x1e: {  	s28 =	rddreg [dreg:$0x4];
	s15 =	simm.s32 $0x0  }
0x1f: {  	[tilespmem:s24], [sflag:$0x2] =	stream.linear.gather [hbm4b:s28+s3], $0x200, $0x38;
	[tilespmem:$0x14400] =	vst v63  }
.LBB2_2:
0x20: {  	_ =	swait.ge [sflag:s25], $0x2000  }
0x21: {  	[sflag:s25] =	ssyncset.done $0x0  }
0x22: {  	[sflag:s25] =	ssyncadd.s32 $0xFFFFE000  }
0x23: {  	_ =	swait.ge [sflag:s25], $0x2000  }
0x24: {  	[sflag:s25] =	ssyncset.done $0x0  }
0x25: {  	[sflag:s25] =	ssyncadd.s32 $0xFFFFE000  }
0x26: {  	_ =	swait.ge [sflag:s25], $0x2000  }
0x27: {  	s16 =	sshll.u32 s15, $0x1;
	p0 =	seq.s32 s15, $0x63;
	[sflag:s25] =	ssyncset.done $0x0  }
0x28: {  	s6 =	sadd.s32 @!p0 s16, s12;
	[sflag:s25] =	ssyncadd.s32 $0xFFFFE000  }
0x29: {  	s6 =	sshll.u32 @!p0 s6, $0x6;
	_ =	swait.ge [sflag:s25], $0x2000  }
0x2a: {  	s6 =	sand.u32 @!p0 $0x1FFFFF80, s6;
	[sflag:s25] =	ssyncset.done $0x0  }
0x2b: {  	s11 =	simm.s32 @!p0 $0x0;
	s6 =	sadd.s32 @!p0 s4, s6;
	[sflag:s25] =	ssyncadd.s32 $0xFFFFE000  }
0x2c: {  	[tilespmem:s11], [sflag:$0x1] =	stream.linear.gather @!p0 [hbm4b:s6+s11], $0x200, $0x38;
	[tilespmem:$0x14400] =	vst v63  }
0x2d: {  	_ =	swait.ge [sflag:s26], $0x200  }
0x2e: {  	[sflag:s26] =	ssyncset.done $0x0  }
0x2f: {  	s28 =	simm.s32 $0x8400;
	[sflag:s26] =	ssyncadd.s32 $0xFFFFFE00  }
0x30: {  	[tilespmem:s28], [sflag:$0x4] =	stream.indirect.gather [hbm4b:s5+s17], $0x40, s24, s17, $0xb8;
	[tilespmem:$0x14400] =	vst v63  }
0x31: {  	_ = 	snop  }
0x32: {  	[tilespmem:s30], [sflag:$0x4] =	stream.indirect.gather [hbm4b:s7+s17], $0x40, s29, s17, $0xb8;
	[tilespmem:$0x14400] =	vst v63  }
0x33: {  	p1 =	seq.s32 s15, $0x0  }
0x34: {  	[tilespmem:s0], [sflag:$0x4] =	stream.indirect.gather [hbm4b:s8+s17], $0x40, s31, s17, $0xb8;
	[tilespmem:$0x14400] =	vst v63  }
0x35: {  	s6 =	simm.s32 @!p1 $0x5  }
0x36: {  	[tilespmem:s18], [sflag:$0x4] =	stream.indirect.gather [hbm4b:s10+s17], $0x40, s1, s17, $0xb8;
	[tilespmem:$0x14400] =	vst v63  }
0x37: {  	_ =	swait.ge @!p1 [sflag:s6], $0x2000  }
0x38: {  	[sflag:s6] =	ssyncset.done @!p1 $0x0  }
0x39: {  	s22 =	simm.s32 $0x0;
	[sflag:s6] =	ssyncadd.s32 @!p1 $0xFFFFE000  }
0x3a: {  	v0 =	vld [tilespmem:s22+$0x4F0]  }
0x3b: {  	v1 =	vld [tilespmem:s22+$0x24F0]  }
0x3c: {  	v2 =	vld [tilespmem:s22+$0x44F0]  }
0x3d: {  	v3 =	vld [tilespmem:s22+$0x64F0]  }
0x3e: {  	v4 =	vld [tilespmem:s22+$0x400]  }
0x3f: {  	v5 =	vld [tilespmem:s22+$0x2400]  }
0x40: {  	v6 =	vld [tilespmem:s22+$0x4400]  }
0x41: {  	v7 =	vld [tilespmem:s22+$0x6400];
	_ =	sdelay $0x1  }
0x42: {  	v8 =	vld [tilespmem:s22+$0x410]  }
0x43: {  	v0 =	vadd.f32 v1, v0;
	v1 =	vadd.f32 v3, v2;
	v2 =	vld [tilespmem:s22+$0x2410]  }
0x44: {  	v3 =	vld [tilespmem:s22+$0x4410];
	v4 =	vadd.f32 v5, v4  }
0x45: {  	v5 =	vadd.f32 v7, v6;
	v0 =	vadd.f32 v1, v0;
	v1 =	vld [tilespmem:s22+$0x6410]  }
0x46: {  	v9 =	vld [tilespmem:s22+$0x420]  }
0x47: {  	v6 =	vld [tilespmem:s22+$0x2420];
	v4 =	vadd.f32 v5, v4;
	v0 =	vmul.f32 $2.500000000e-01, v0  }
0x48: {  	v7 =	vld [tilespmem:s22+$0x4420]  }
0x49: {  	v4 =	vmul.f32 $2.500000000e-01, v4;
	[tilespmem:s22+$0x104F0] =	vst v0;
	v0 =	vld [tilespmem:s22+$0x6420]  }
0x4a: {  	v5 =	vld [tilespmem:s22+$0x430];
	v2 =	vadd.f32 v2, v8;
	v1 =	vadd.f32 v1, v3  }
0x4b: {  	[tilespmem:s22+$0x10400] =	vst v4;
	v4 =	vld [tilespmem:s22+$0x6430]  }
0x4c: {  	v3 =	vld [tilespmem:s22+$0x2430];
	v1 =	vadd.f32 v1, v2  }
0x4d: {  	v2 =	vld [tilespmem:s22+$0x4430]  }
0x4e: {  	v8 =	vld [tilespmem:s22+$0x440];
	v6 =	vadd.f32 v6, v9;
	v1 =	vmul.f32 $2.500000000e-01, v1;
	v0 =	vadd.f32 v0, v7  }
0x4f: {  	v7 =	vld [tilespmem:s22+$0x2440]  }
0x50: {  	[tilespmem:s22+$0x10410] =	vst v1;
	v0 =	vadd.f32 v0, v6;
	v1 =	vld [tilespmem:s22+$0x4440]  }
0x51: {  	v6 =	vld [tilespmem:s22+$0x6440]  }
0x52: {  	v60 =	vld [tilespmem:s22+$0x450];
	v3 =	vadd.f32 v3, v5;
	v2 =	vadd.f32 v4, v2;
	v0 =	vmul.f32 $2.500000000e-01, v0  }
0x53: {  	v4 =	vld [tilespmem:s22+$0x2450]  }
0x54: {  	[tilespmem:s22+$0x10420] =	vst v0;
	v0 =	vadd.f32 v2, v3;
	v2 =	vld [tilespmem:s22+$0x4450]  }
0x55: {  	v3 =	vld [tilespmem:s22+$0x6450]  }
0x56: {  	v5 =	vld [tilespmem:s22+$0x460];
	v7 =	vadd.f32 v7, v8;
	v1 =	vadd.f32 v6, v1;
	v0 =	vmul.f32 $2.500000000e-01, v0  }
0x57: {  	v6 =	vld [tilespmem:s22+$0x2460]  }
0x58: {  	[tilespmem:s22+$0x10430] =	vst v0;
	v0 =	vadd.f32 v1, v7;
	v1 =	vld [tilespmem:s22+$0x4460]  }
0x59: {  	v7 =	vld [tilespmem:s22+$0x6460]  }
0x5a: {  	v8 =	vld [tilespmem:s22+$0x470];
	v4 =	vadd.f32 v4, v60;
	v2 =	vadd.f32 v3, v2;
	v0 =	vmul.f32 $2.500000000e-01, v0  }
0x5b: {  	v3 =	vld [tilespmem:s22+$0x2470]  }
0x5c: {  	[tilespmem:s22+$0x10440] =	vst v0;
	v0 =	vadd.f32 v2, v4;
	v2 =	vld [tilespmem:s22+$0x4470]  }
0x5d: {  	v4 =	vld [tilespmem:s22+$0x6470]  }
0x5e: {  	v61 =	vld [tilespmem:s22+$0x480];
	v5 =	vadd.f32 v6, v5;
	v1 =	vadd.f32 v7, v1;
	v0 =	vmul.f32 $2.500000000e-01, v0  }
0x5f: {  	v6 =	vld [tilespmem:s22+$0x2480]  }
0x60: {  	[tilespmem:s22+$0x10450] =	vst v0;
	v0 =	vadd.f32 v1, v5;
	v1 =	vld [tilespmem:s22+$0x4480]  }
0x61: {  	v5 =	vld [tilespmem:s22+$0x6480]  }
0x62: {  	v7 =	vld [tilespmem:s22+$0x490];
	v3 =	vadd.f32 v3, v8;
	v2 =	vadd.f32 v4, v2;
	v0 =	vmul.f32 $2.500000000e-01, v0  }
0x63: {  	v4 =	vld [tilespmem:s22+$0x2490]  }
0x64: {  	[tilespmem:s22+$0x10460] =	vst v0;
	v0 =	vadd.f32 v2, v3;
	v2 =	vld [tilespmem:s22+$0x4490]  }
0x65: {  	v3 =	vld [tilespmem:s22+$0x6490]  }
0x66: {  	v62 =	vld [tilespmem:s22+$0x4B0];
	v6 =	vadd.f32 v6, v61;
	v1 =	vadd.f32 v5, v1;
	v0 =	vmul.f32 $2.500000000e-01, v0  }
0x67: {  	v8 =	vld [tilespmem:s22+$0x4A0]  }
0x68: {  	v5 =	vld [tilespmem:s22+$0x24A0];
	[tilespmem:s22+$0x10470] =	vst v0;
	v0 =	vadd.f32 v1, v6  }
0x69: {  	v1 =	vld [tilespmem:s22+$0x44A0]  }
0x6a: {  	v4 =	vadd.f32 v4, v7;
	v6 =	vld [tilespmem:s22+$0x64A0];
	v2 =	vadd.f32 v3, v2;
	v0 =	vmul.f32 $2.500000000e-01, v0  }
0x6b: {  	v3 =	vld [tilespmem:s22+$0x24B0]  }
0x6c: {  	[tilespmem:s22+$0x10480] =	vst v0;
	v0 =	vadd.f32 v2, v4;
	v2 =	vld [tilespmem:s22+$0x44B0]  }
0x6d: {  	v4 =	vld [tilespmem:s22+$0x64B0]  }
0x6e: {  	v7 =	vld [tilespmem:s22+$0x4C0]  }
0x6f: {  	v5 =	vadd.f32 v5, v8;
	v8 =	vld [tilespmem:s22+$0x64C0];
	v1 =	vadd.f32 v6, v1;
	v0 =	vmul.f32 $2.500000000e-01, v0  }
0x70: {  	v6 =	vld [tilespmem:s22+$0x24C0]  }
0x71: {  	[tilespmem:s22+$0x10490] =	vst v0;
	v0 =	vadd.f32 v1, v5;
	v5 =	vld [tilespmem:s22+$0x44C0]  }
0x72: {  	v10 =	vld [tilespmem:s22+$0x4D0];
	v1 =	vadd.f32 v3, v62;
	v2 =	vadd.f32 v4, v2  }
0x73: {  	v4 =	vld [tilespmem:s22+$0x24D0];
	v0 =	vmul.f32 $2.500000000e-01, v0  }
0x74: {  	v1 =	vadd.f32 v2, v1;
	v2 =	vld [tilespmem:s22+$0x64D0]  }
0x75: {  	[tilespmem:s22+$0x104A0] =	vst v0;
	v0 =	vld [tilespmem:s22+$0x44D0]  }
0x76: {  	v3 =	vld [tilespmem:s22+$0x24E0];
	v6 =	vadd.f32 v6, v7;
	v63 =	vmul.f32 $2.500000000e-01, v1;
	v5 =	vadd.f32 v8, v5  }
0x77: {  	v1 =	vld [tilespmem:s22+$0x4E0]  }
0x78: {  	s11 =	simm.s32 $0x400;
	s6 =	simm.s32 $0x0;
	[tilespmem:s22+$0x104B0] =	vst v63;
	v6 =	vadd.f32 v5, v6;
	v5 =	vadd.f32 v4, v10;
	v4 =	vld [tilespmem:s22+$0x44E0]  }
.LBB2_3:
0x79: {  	s28 =	sshra.s32 s11, $0x2;
	v7 =	vld [tilespmem:s22+$0x64E0]  }
0x7a: {  	v8 =	vld [tilespmem:s28+$0x4F0];
	v6 =	vmul.f32 $2.500000000e-01, v6;
	v0 =	vadd.f32 v2, v0  }
0x7b: {  	v2 =	vld [tilespmem:s28+$0x24F0]  }
0x7c: {  	s6 =	sadd.s32 $0x2, s6;
	v9 =	vld [tilespmem:s28+$0x44F0];
	[tilespmem:s22+$0x104C0] =	vst v6;
	v0 =	vadd.f32 v0, v5;
	v1 =	vadd.f32 v3, v1  }
0x7d: {  	p1 =	slt.u32 s6, $0x3E;
	v3 =	vld [tilespmem:s28+$0x64F0]  }
0x7e: {  	v5 =	vld [tilespmem:s28+$0x400];
	v0 =	vmul.f32 $2.500000000e-01, v0;
	v4 =	vadd.f32 v7, v4  }
0x7f: {  	v6 =	vld [tilespmem:s28+$0x2400]  }
0x80: {  	v7 =	vld [tilespmem:s28+$0x4400];
	[tilespmem:s22+$0x104D0] =	vst v0;
	v0 =	vadd.f32 v4, v1  }
0x81: {  	v1 =	vld [tilespmem:s28+$0x6400]  }
0x82: {  	v2 =	vadd.f32 v2, v8;
	v4 =	vld [tilespmem:s28+$0x410];
	v3 =	vadd.f32 v3, v9;
	v0 =	vmul.f32 $2.500000000e-01, v0  }
0x83: {  	v8 =	vld [tilespmem:s28+$0x2410]  }
0x84: {  	v5 =	vadd.f32 v6, v5;
	v6 =	vld [tilespmem:s28+$0x4410];
	v2 =	vadd.f32 v3, v2;
	[tilespmem:s22+$0x104E0] =	vst v0;
	s22 =	smov.u32 s28  }
0x85: {  	v0 =	vld [tilespmem:s22+$0x6410]  }
0x86: {  	v1 =	vadd.f32 v1, v7;
	v3 =	vld [tilespmem:s22+$0x420];
	v2 =	vmul.f32 $2.500000000e-01, v2  }
0x87: {  	v7 =	vld [tilespmem:s22+$0x2420]  }
0x88: {  	v1 =	vadd.f32 v1, v5;
	v4 =	vadd.f32 v8, v4;
	v5 =	vld [tilespmem:s22+$0x4420];
	[tilespmem:s22+$0x104F0] =	vst v2  }
0x89: {  	v2 =	vld [tilespmem:s22+$0x6420]  }
0x8a: {  	v1 =	vmul.f32 $2.500000000e-01, v1;
	v0 =	vadd.f32 v0, v6;
	v6 =	vld [tilespmem:s22+$0x430]  }
0x8b: {  	v8 =	vld [tilespmem:s22+$0x2430]  }
0x8c: {  	[tilespmem:s22+$0x10400] =	vst v1;
	v0 =	vadd.f32 v0, v4;
	v1 =	vadd.f32 v7, v3;
	v3 =	vld [tilespmem:s22+$0x4430]  }
0x8d: {  	v4 =	vld [tilespmem:s22+$0x6430]  }
0x8e: {  	v0 =	vmul.f32 $2.500000000e-01, v0;
	v2 =	vadd.f32 v2, v5;
	v5 =	vld [tilespmem:s22+$0x440]  }
0x8f: {  	v7 =	vld [tilespmem:s22+$0x2440]  }
0x90: {  	[tilespmem:s22+$0x10410] =	vst v0;
	v0 =	vadd.f32 v2, v1;
	v1 =	vadd.f32 v8, v6;
	v2 =	vld [tilespmem:s22+$0x4440]  }
0x91: {  	v6 =	vld [tilespmem:s22+$0x6440]  }
0x92: {  	v0 =	vmul.f32 $2.500000000e-01, v0;
	v3 =	vadd.f32 v4, v3;
	v4 =	vld [tilespmem:s22+$0x450]  }
0x93: {  	v8 =	vld [tilespmem:s22+$0x2450]  }
0x94: {  	[tilespmem:s22+$0x10420] =	vst v0;
	v0 =	vadd.f32 v3, v1;
	v1 =	vadd.f32 v7, v5;
	v3 =	vld [tilespmem:s22+$0x4450]  }
0x95: {  	v5 =	vld [tilespmem:s22+$0x6450]  }
0x96: {  	v0 =	vmul.f32 $2.500000000e-01, v0;
	v2 =	vadd.f32 v6, v2;
	v6 =	vld [tilespmem:s22+$0x460]  }
0x97: {  	v7 =	vld [tilespmem:s22+$0x2460]  }
0x98: {  	[tilespmem:s22+$0x10430] =	vst v0;
	v0 =	vadd.f32 v2, v1;
	v1 =	vadd.f32 v8, v4;
	v2 =	vld [tilespmem:s22+$0x4460]  }
0x99: {  	v4 =	vld [tilespmem:s22+$0x6460]  }
0x9a: {  	v0 =	vmul.f32 $2.500000000e-01, v0;
	v3 =	vadd.f32 v5, v3;
	v5 =	vld [tilespmem:s22+$0x470]  }
0x9b: {  	v8 =	vld [tilespmem:s22+$0x2470]  }
0x9c: {  	[tilespmem:s22+$0x10440] =	vst v0;
	v0 =	vadd.f32 v3, v1;
	v1 =	vadd.f32 v7, v6;
	v3 =	vld [tilespmem:s22+$0x4470]  }
0x9d: {  	v6 =	vld [tilespmem:s22+$0x6470]  }
0x9e: {  	v0 =	vmul.f32 $2.500000000e-01, v0;
	v2 =	vadd.f32 v4, v2;
	v4 =	vld [tilespmem:s22+$0x480]  }
0x9f: {  	v7 =	vld [tilespmem:s22+$0x2480]  }
0xa0: {  	[tilespmem:s22+$0x10450] =	vst v0;
	v0 =	vadd.f32 v2, v1;
	v1 =	vadd.f32 v8, v5;
	v2 =	vld [tilespmem:s22+$0x4480]  }
0xa1: {  	v5 =	vld [tilespmem:s22+$0x6480]  }
0xa2: {  	v0 =	vmul.f32 $2.500000000e-01, v0;
	v3 =	vadd.f32 v6, v3;
	v6 =	vld [tilespmem:s22+$0x490]  }
0xa3: {  	v8 =	vld [tilespmem:s22+$0x2490]  }
0xa4: {  	[tilespmem:s22+$0x10460] =	vst v0;
	v0 =	vadd.f32 v3, v1;
	v1 =	vadd.f32 v7, v4;
	v3 =	vld [tilespmem:s22+$0x4490]  }
0xa5: {  	v4 =	vld [tilespmem:s22+$0x6490]  }
0xa6: {  	v0 =	vmul.f32 $2.500000000e-01, v0;
	v2 =	vadd.f32 v5, v2;
	v5 =	vld [tilespmem:s22+$0x4A0]  }
0xa7: {  	v7 =	vld [tilespmem:s22+$0x24A0]  }
0xa8: {  	[tilespmem:s22+$0x10470] =	vst v0;
	v0 =	vadd.f32 v2, v1;
	v1 =	vadd.f32 v8, v6;
	v2 =	vld [tilespmem:s22+$0x44A0]  }
0xa9: {  	v6 =	vld [tilespmem:s22+$0x64A0]  }
0xaa: {  	v0 =	vmul.f32 $2.500000000e-01, v0;
	v3 =	vadd.f32 v4, v3;
	v4 =	vld [tilespmem:s22+$0x4B0]  }
0xab: {  	v8 =	vld [tilespmem:s22+$0x24B0]  }
0xac: {  	[tilespmem:s22+$0x10480] =	vst v0;
	v0 =	vadd.f32 v3, v1;
	v1 =	vadd.f32 v7, v5;
	v3 =	vld [tilespmem:s22+$0x44B0]  }
0xad: {  	v5 =	vld [tilespmem:s22+$0x64B0]  }
0xae: {  	v0 =	vmul.f32 $2.500000000e-01, v0;
	v2 =	vadd.f32 v6, v2;
	v6 =	vld [tilespmem:s22+$0x4C0]  }
0xaf: {  	v7 =	vld [tilespmem:s22+$0x24C0]  }
0xb0: {  	[tilespmem:s22+$0x10490] =	vst v0;
	v0 =	vadd.f32 v2, v1;
	v1 =	vadd.f32 v8, v4;
	v4 =	vld [tilespmem:s22+$0x44C0]  }
0xb1: {  	v8 =	vld [tilespmem:s22+$0x64C0]  }
0xb2: {  	v0 =	vmul.f32 $2.500000000e-01, v0;
	v2 =	vadd.f32 v5, v3;
	v5 =	vld [tilespmem:s22+$0x4D0]  }
0xb3: {  	v9 =	vld [tilespmem:s22+$0x24D0]  }
.Ltmp0:
0xb4: {  	[tilespmem:s22+$0x104A0] =	vst v0;
	v1 =	vadd.f32 v2, v1;
	v6 =	vadd.f32 v7, v6;
	v0 =	vld [tilespmem:s22+$0x44D0];
	(pc) =	sbr.rel @p1 .LBB2_3-.Ltmp0, $4  }
0xb5: {  	v2 =	vld [tilespmem:s22+$0x64D0]  }
0xb6: {  	v7 =	vmul.f32 $2.500000000e-01, v1;
	v4 =	vadd.f32 v8, v4;
	v1 =	vld [tilespmem:s22+$0x4E0]  }
0xb7: {  	v3 =	vld [tilespmem:s22+$0x24E0]  }
0xb8: {  	s11 =	sadd.s32 $0x400, s11;
	[tilespmem:s22+$0x104B0] =	vst v7;
	v6 =	vadd.f32 v4, v6;
	v5 =	vadd.f32 v9, v5;
	v4 =	vld [tilespmem:s22+$0x44E0]  }
0xb9: {  	v7 =	vld [tilespmem:s22+$0x64E0];
	_ =	sdelay $0x3  }
0xba: {  	v0 =	vadd.f32 v2, v0  }
0xbb: {  	v1 =	vadd.f32 v3, v1;
	v2 =	vadd.f32 v7, v4  }
0xbc: {  	v0 =	vadd.f32 v0, v5  }
0xbd: {  	v3 =	vmul.f32 $2.500000000e-01, v6;
	v1 =	vadd.f32 v2, v1  }
0xbe: {  	s6 =	sshll.u32 s15, $0xE;
	v0 =	vmul.f32 $2.500000000e-01, v0  }
0xbf: {  	s11 =	sadd.s32 s9, s6;
	[tilespmem:s22+$0x104C0] =	vst v3;
	v1 =	vmul.f32 $2.500000000e-01, v1  }
0xc0: {  	s11 =	sshrl.u32 s11, $0x3;
	[tilespmem:s22+$0x104D0] =	vst v0  }
0xc1: {  	s11 =	sadd.s32 s2, s11;
	[tilespmem:s22+$0x104E0] =	vst v1  }
0xc2: {  	[hbm4b:s11+s3] =	stream.linear.scatter [tilespmem:s19], [sflag:$0x5], $0x2000, $0x38;
	[tilespmem:$0x14400] =	vst v63  }
0xc3: {  	_ =	swait.ge [sflag:s20], $0x2000  }
0xc4: {  	[sflag:s20] =	ssyncset.done $0x0  }
0xc5: {  	[sflag:s20] =	ssyncadd.s32 $0xFFFFE000  }
0xc6: {  	_ =	swait.ge [sflag:s20], $0x2000  }
0xc7: {  	[sflag:s20] =	ssyncset.done $0x0  }
0xc8: {  	[sflag:s20] =	ssyncadd.s32 $0xFFFFE000  }
0xc9: {  	_ =	swait.ge [sflag:s20], $0x2000  }
0xca: {  	[sflag:s20] =	ssyncset.done $0x0  }
0xcb: {  	s11 =	sadd.s32 @!p0 s16, s13;
	[sflag:s20] =	ssyncadd.s32 $0xFFFFE000  }
0xcc: {  	s11 =	sshll.u32 @!p0 s11, $0x6;
	_ =	swait.ge [sflag:s20], $0x2000  }
0xcd: {  	s22 =	simm.s32 @!p0 $0x200;
	s11 =	sand.u32 @!p0 $0x1FFFFFC0, s11;
	[sflag:s20] =	ssyncset.done $0x0  }
0xce: {  	s16 =	simm.s32 @!p0 $0x0;
	s11 =	sadd.s32 @!p0 s4, s11;
	[sflag:s20] =	ssyncadd.s32 $0xFFFFE000  }
0xcf: {  	[tilespmem:s22], [sflag:$0x2] =	stream.linear.gather @!p0 [hbm4b:s11+s16], $0x200, $0x38;
	[tilespmem:$0x14400] =	vst v63  }
0xd0: {  	s11 =	simm.s32 @!p0 $0x1  }
0xd1: {  	_ =	swait.ge @!p0 [sflag:s11], $0x200  }
0xd2: {  	[sflag:s11] =	ssyncset.done @!p0 $0x0  }
0xd3: {  	s22 =	simm.s32 @!p0 $0x400;
	[sflag:s11] =	ssyncadd.s32 @!p0 $0xFFFFFE00;
	s11 =	simm.s32 @!p0 $0x80  }
0xd4: {  	[tilespmem:s22], [sflag:$0x3] =	stream.indirect.gather @!p0 [hbm4b:s5+s11], $0x40, s16, s11, $0xb8;
	[tilespmem:$0x14400] =	vst v63  }
0xd5: {  	s16 =	simm.s32 @!p0 $0x2400  }
0xd6: {  	[tilespmem:s16], [sflag:$0x3] =	stream.indirect.gather @!p0 [hbm4b:s7+s11], $0x40, s11, s11, $0xb8;
	[tilespmem:$0x14400] =	vst v63  }
0xd7: {  	s22 =	simm.s32 @!p0 $0x4400;
	s16 =	simm.s32 @!p0 $0x100  }
0xd8: {  	[tilespmem:s22], [sflag:$0x3] =	stream.indirect.gather @!p0 [hbm4b:s8+s11], $0x40, s16, s11, $0xb8;
	[tilespmem:$0x14400] =	vst v63  }
0xd9: {  	p1 =	seq.s32 @!p0 s15, $0x0;
	s16 =	simm.s32 @!p0 $0x180;
	s22 =	simm.s32 @!p0 $0x6400  }
0xda: {  	[tilespmem:s22], [sflag:$0x3] =	stream.indirect.gather @!p0 [hbm4b:s10+s11], $0x40, s16, s11, $0xb8;
	[tilespmem:$0x14400] =	vst v63  }
0xdb: {  	p0 =	por p0, !p1  }
0xdc: {  	_ =	swait.ge @p0 [sflag:s23], $0x2000  }
0xdd: {  	[sflag:s23] =	ssyncset.done @p0 $0x0  }
0xde: {  	s16 =	simm.s32 $0x0;
	[sflag:s23] =	ssyncadd.s32 @p0 $0xFFFFE000  }
0xdf: {  	v0 =	vld [tilespmem:s16+$0x84F0]  }
0xe0: {  	v1 =	vld [tilespmem:s16+$0xA4F0]  }
0xe1: {  	v2 =	vld [tilespmem:s16+$0xC4F0]  }
0xe2: {  	v3 =	vld [tilespmem:s16+$0xE4F0]  }
0xe3: {  	v4 =	vld [tilespmem:s16+$0x8400]  }
0xe4: {  	v5 =	vld [tilespmem:s16+$0xA400]  }
0xe5: {  	v6 =	vld [tilespmem:s16+$0xC400]  }
0xe6: {  	v7 =	vld [tilespmem:s16+$0xE400];
	_ =	sdelay $0x1  }
0xe7: {  	v8 =	vld [tilespmem:s16+$0x8410]  }
0xe8: {  	v0 =	vadd.f32 v1, v0;
	v1 =	vadd.f32 v3, v2;
	v2 =	vld [tilespmem:s16+$0xA410]  }
0xe9: {  	v3 =	vld [tilespmem:s16+$0xC410];
	v4 =	vadd.f32 v5, v4  }
0xea: {  	v5 =	vadd.f32 v7, v6;
	v0 =	vadd.f32 v1, v0;
	v1 =	vld [tilespmem:s16+$0xE410]  }
0xeb: {  	v9 =	vld [tilespmem:s16+$0x8420]  }
0xec: {  	v6 =	vld [tilespmem:s16+$0xA420];
	v4 =	vadd.f32 v5, v4;
	v0 =	vmul.f32 $2.500000000e-01, v0  }
0xed: {  	v7 =	vld [tilespmem:s16+$0xC420]  }
0xee: {  	v4 =	vmul.f32 $2.500000000e-01, v4;
	[tilespmem:s16+$0x124F0] =	vst v0;
	v0 =	vld [tilespmem:s16+$0xE420]  }
0xef: {  	v5 =	vld [tilespmem:s16+$0x8430];
	v2 =	vadd.f32 v2, v8;
	v1 =	vadd.f32 v1, v3  }
0xf0: {  	[tilespmem:s16+$0x12400] =	vst v4;
	v4 =	vld [tilespmem:s16+$0xE430]  }
0xf1: {  	v3 =	vld [tilespmem:s16+$0xA430];
	v1 =	vadd.f32 v1, v2  }
0xf2: {  	v2 =	vld [tilespmem:s16+$0xC430]  }
0xf3: {  	v8 =	vld [tilespmem:s16+$0x8440];
	v6 =	vadd.f32 v6, v9;
	v1 =	vmul.f32 $2.500000000e-01, v1;
	v0 =	vadd.f32 v0, v7  }
0xf4: {  	v7 =	vld [tilespmem:s16+$0xA440]  }
0xf5: {  	[tilespmem:s16+$0x12410] =	vst v1;
	v0 =	vadd.f32 v0, v6;
	v1 =	vld [tilespmem:s16+$0xC440]  }
0xf6: {  	v6 =	vld [tilespmem:s16+$0xE440]  }
0xf7: {  	v60 =	vld [tilespmem:s16+$0x8450];
	v3 =	vadd.f32 v3, v5;
	v2 =	vadd.f32 v4, v2;
	v0 =	vmul.f32 $2.500000000e-01, v0  }
0xf8: {  	v4 =	vld [tilespmem:s16+$0xA450]  }
0xf9: {  	[tilespmem:s16+$0x12420] =	vst v0;
	v0 =	vadd.f32 v2, v3;
	v2 =	vld [tilespmem:s16+$0xC450]  }
0xfa: {  	v3 =	vld [tilespmem:s16+$0xE450]  }
0xfb: {  	v5 =	vld [tilespmem:s16+$0x8460];
	v7 =	vadd.f32 v7, v8;
	v1 =	vadd.f32 v6, v1;
	v0 =	vmul.f32 $2.500000000e-01, v0  }
0xfc: {  	v6 =	vld [tilespmem:s16+$0xA460]  }
0xfd: {  	[tilespmem:s16+$0x12430] =	vst v0;
	v0 =	vadd.f32 v1, v7;
	v1 =	vld [tilespmem:s16+$0xC460]  }
0xfe: {  	v7 =	vld [tilespmem:s16+$0xE460]  }
0xff: {  	v8 =	vld [tilespmem:s16+$0x8470];
	v4 =	vadd.f32 v4, v60;
	v2 =	vadd.f32 v3, v2;
	v0 =	vmul.f32 $2.500000000e-01, v0  }
0x100: {  	v3 =	vld [tilespmem:s16+$0xA470]  }
0x101: {  	[tilespmem:s16+$0x12440] =	vst v0;
	v0 =	vadd.f32 v2, v4;
	v2 =	vld [tilespmem:s16+$0xC470]  }
0x102: {  	v4 =	vld [tilespmem:s16+$0xE470]  }
0x103: {  	v61 =	vld [tilespmem:s16+$0x8480];
	v5 =	vadd.f32 v6, v5;
	v1 =	vadd.f32 v7, v1;
	v0 =	vmul.f32 $2.500000000e-01, v0  }
0x104: {  	v6 =	vld [tilespmem:s16+$0xA480]  }
0x105: {  	[tilespmem:s16+$0x12450] =	vst v0;
	v0 =	vadd.f32 v1, v5;
	v1 =	vld [tilespmem:s16+$0xC480]  }
0x106: {  	v5 =	vld [tilespmem:s16+$0xE480]  }
0x107: {  	v7 =	vld [tilespmem:s16+$0x8490];
	v3 =	vadd.f32 v3, v8;
	v2 =	vadd.f32 v4, v2;
	v0 =	vmul.f32 $2.500000000e-01, v0  }
0x108: {  	v4 =	vld [tilespmem:s16+$0xA490]  }
0x109: {  	[tilespmem:s16+$0x12460] =	vst v0;
	v0 =	vadd.f32 v2, v3;
	v2 =	vld [tilespmem:s16+$0xC490]  }
0x10a: {  	v3 =	vld [tilespmem:s16+$0xE490]  }
0x10b: {  	v62 =	vld [tilespmem:s16+$0x84B0];
	v6 =	vadd.f32 v6, v61;
	v1 =	vadd.f32 v5, v1;
	v0 =	vmul.f32 $2.500000000e-01, v0  }
0x10c: {  	v8 =	vld [tilespmem:s16+$0x84A0]  }
0x10d: {  	v5 =	vld [tilespmem:s16+$0xA4A0];
	[tilespmem:s16+$0x12470] =	vst v0;
	v0 =	vadd.f32 v1, v6  }
0x10e: {  	v1 =	vld [tilespmem:s16+$0xC4A0]  }
0x10f: {  	v4 =	vadd.f32 v4, v7;
	v6 =	vld [tilespmem:s16+$0xE4A0];
	v2 =	vadd.f32 v3, v2;
	v0 =	vmul.f32 $2.500000000e-01, v0  }
0x110: {  	v3 =	vld [tilespmem:s16+$0xA4B0]  }
0x111: {  	[tilespmem:s16+$0x12480] =	vst v0;
	v0 =	vadd.f32 v2, v4;
	v2 =	vld [tilespmem:s16+$0xC4B0]  }
0x112: {  	v4 =	vld [tilespmem:s16+$0xE4B0]  }
0x113: {  	v7 =	vld [tilespmem:s16+$0x84C0]  }
0x114: {  	v5 =	vadd.f32 v5, v8;
	v8 =	vld [tilespmem:s16+$0xE4C0];
	v1 =	vadd.f32 v6, v1;
	v0 =	vmul.f32 $2.500000000e-01, v0  }
0x115: {  	v6 =	vld [tilespmem:s16+$0xA4C0]  }
0x116: {  	[tilespmem:s16+$0x12490] =	vst v0;
	v0 =	vadd.f32 v1, v5;
	v5 =	vld [tilespmem:s16+$0xC4C0]  }
0x117: {  	v10 =	vld [tilespmem:s16+$0x84D0];
	v1 =	vadd.f32 v3, v62;
	v2 =	vadd.f32 v4, v2  }
0x118: {  	v4 =	vld [tilespmem:s16+$0xA4D0];
	v0 =	vmul.f32 $2.500000000e-01, v0  }
0x119: {  	v1 =	vadd.f32 v2, v1;
	v2 =	vld [tilespmem:s16+$0xE4D0]  }
0x11a: {  	[tilespmem:s16+$0x124A0] =	vst v0;
	v0 =	vld [tilespmem:s16+$0xC4D0]  }
0x11b: {  	v3 =	vld [tilespmem:s16+$0xA4E0];
	v6 =	vadd.f32 v6, v7;
	v63 =	vmul.f32 $2.500000000e-01, v1;
	v5 =	vadd.f32 v8, v5  }
0x11c: {  	v1 =	vld [tilespmem:s16+$0x84E0]  }
0x11d: {  	s22 =	simm.s32 $0x0;
	s11 =	simm.s32 $0x400;
	[tilespmem:s16+$0x124B0] =	vst v63;
	v6 =	vadd.f32 v5, v6;
	v5 =	vadd.f32 v4, v10;
	v4 =	vld [tilespmem:s16+$0xC4E0]  }
.LBB2_5:
0x11e: {  	s28 =	sshra.s32 s11, $0x2;
	v7 =	vld [tilespmem:s16+$0xE4E0]  }
0x11f: {  	v8 =	vld [tilespmem:s28+$0x84F0];
	v6 =	vmul.f32 $2.500000000e-01, v6;
	v0 =	vadd.f32 v2, v0  }
0x120: {  	v2 =	vld [tilespmem:s28+$0xA4F0]  }
0x121: {  	s22 =	sadd.s32 $0x2, s22;
	v9 =	vld [tilespmem:s28+$0xC4F0];
	[tilespmem:s16+$0x124C0] =	vst v6;
	v0 =	vadd.f32 v0, v5;
	v1 =	vadd.f32 v3, v1  }
0x122: {  	p0 =	slt.u32 s22, $0x3E;
	v3 =	vld [tilespmem:s28+$0xE4F0]  }
0x123: {  	v5 =	vld [tilespmem:s28+$0x8400];
	v0 =	vmul.f32 $2.500000000e-01, v0;
	v4 =	vadd.f32 v7, v4  }
0x124: {  	v6 =	vld [tilespmem:s28+$0xA400]  }
0x125: {  	v7 =	vld [tilespmem:s28+$0xC400];
	[tilespmem:s16+$0x124D0] =	vst v0;
	v0 =	vadd.f32 v4, v1  }
0x126: {  	v1 =	vld [tilespmem:s28+$0xE400]  }
0x127: {  	v2 =	vadd.f32 v2, v8;
	v4 =	vld [tilespmem:s28+$0x8410];
	v3 =	vadd.f32 v3, v9;
	v0 =	vmul.f32 $2.500000000e-01, v0  }
0x128: {  	v8 =	vld [tilespmem:s28+$0xA410]  }
0x129: {  	v5 =	vadd.f32 v6, v5;
	v6 =	vld [tilespmem:s28+$0xC410];
	v2 =	vadd.f32 v3, v2;
	[tilespmem:s16+$0x124E0] =	vst v0;
	s16 =	smov.u32 s28  }
0x12a: {  	v0 =	vld [tilespmem:s16+$0xE410]  }
0x12b: {  	v1 =	vadd.f32 v1, v7;
	v3 =	vld [tilespmem:s16+$0x8420];
	v2 =	vmul.f32 $2.500000000e-01, v2  }
0x12c: {  	v7 =	vld [tilespmem:s16+$0xA420]  }
0x12d: {  	v1 =	vadd.f32 v1, v5;
	v4 =	vadd.f32 v8, v4;
	v5 =	vld [tilespmem:s16+$0xC420];
	[tilespmem:s16+$0x124F0] =	vst v2  }
0x12e: {  	v2 =	vld [tilespmem:s16+$0xE420]  }
0x12f: {  	v1 =	vmul.f32 $2.500000000e-01, v1;
	v0 =	vadd.f32 v0, v6;
	v6 =	vld [tilespmem:s16+$0x8430]  }
0x130: {  	v8 =	vld [tilespmem:s16+$0xA430]  }
0x131: {  	[tilespmem:s16+$0x12400] =	vst v1;
	v0 =	vadd.f32 v0, v4;
	v1 =	vadd.f32 v7, v3;
	v3 =	vld [tilespmem:s16+$0xC430]  }
0x132: {  	v4 =	vld [tilespmem:s16+$0xE430]  }
0x133: {  	v0 =	vmul.f32 $2.500000000e-01, v0;
	v2 =	vadd.f32 v2, v5;
	v5 =	vld [tilespmem:s16+$0x8440]  }
0x134: {  	v7 =	vld [tilespmem:s16+$0xA440]  }
0x135: {  	[tilespmem:s16+$0x12410] =	vst v0;
	v0 =	vadd.f32 v2, v1;
	v1 =	vadd.f32 v8, v6;
	v2 =	vld [tilespmem:s16+$0xC440]  }
0x136: {  	v6 =	vld [tilespmem:s16+$0xE440]  }
0x137: {  	v0 =	vmul.f32 $2.500000000e-01, v0;
	v3 =	vadd.f32 v4, v3;
	v4 =	vld [tilespmem:s16+$0x8450]  }
0x138: {  	v8 =	vld [tilespmem:s16+$0xA450]  }
0x139: {  	[tilespmem:s16+$0x12420] =	vst v0;
	v0 =	vadd.f32 v3, v1;
	v1 =	vadd.f32 v7, v5;
	v3 =	vld [tilespmem:s16+$0xC450]  }
0x13a: {  	v5 =	vld [tilespmem:s16+$0xE450]  }
0x13b: {  	v0 =	vmul.f32 $2.500000000e-01, v0;
	v2 =	vadd.f32 v6, v2;
	v6 =	vld [tilespmem:s16+$0x8460]  }
0x13c: {  	v7 =	vld [tilespmem:s16+$0xA460]  }
0x13d: {  	[tilespmem:s16+$0x12430] =	vst v0;
	v0 =	vadd.f32 v2, v1;
	v1 =	vadd.f32 v8, v4;
	v2 =	vld [tilespmem:s16+$0xC460]  }
0x13e: {  	v4 =	vld [tilespmem:s16+$0xE460]  }
0x13f: {  	v0 =	vmul.f32 $2.500000000e-01, v0;
	v3 =	vadd.f32 v5, v3;
	v5 =	vld [tilespmem:s16+$0x8470]  }
0x140: {  	v8 =	vld [tilespmem:s16+$0xA470]  }
0x141: {  	[tilespmem:s16+$0x12440] =	vst v0;
	v0 =	vadd.f32 v3, v1;
	v1 =	vadd.f32 v7, v6;
	v3 =	vld [tilespmem:s16+$0xC470]  }
0x142: {  	v6 =	vld [tilespmem:s16+$0xE470]  }
0x143: {  	v0 =	vmul.f32 $2.500000000e-01, v0;
	v2 =	vadd.f32 v4, v2;
	v4 =	vld [tilespmem:s16+$0x8480]  }
0x144: {  	v7 =	vld [tilespmem:s16+$0xA480]  }
0x145: {  	[tilespmem:s16+$0x12450] =	vst v0;
	v0 =	vadd.f32 v2, v1;
	v1 =	vadd.f32 v8, v5;
	v2 =	vld [tilespmem:s16+$0xC480]  }
0x146: {  	v5 =	vld [tilespmem:s16+$0xE480]  }
0x147: {  	v0 =	vmul.f32 $2.500000000e-01, v0;
	v3 =	vadd.f32 v6, v3;
	v6 =	vld [tilespmem:s16+$0x8490]  }
0x148: {  	v8 =	vld [tilespmem:s16+$0xA490]  }
0x149: {  	[tilespmem:s16+$0x12460] =	vst v0;
	v0 =	vadd.f32 v3, v1;
	v1 =	vadd.f32 v7, v4;
	v3 =	vld [tilespmem:s16+$0xC490]  }
0x14a: {  	v4 =	vld [tilespmem:s16+$0xE490]  }
0x14b: {  	v0 =	vmul.f32 $2.500000000e-01, v0;
	v2 =	vadd.f32 v5, v2;
	v5 =	vld [tilespmem:s16+$0x84A0]  }
0x14c: {  	v7 =	vld [tilespmem:s16+$0xA4A0]  }
0x14d: {  	[tilespmem:s16+$0x12470] =	vst v0;
	v0 =	vadd.f32 v2, v1;
	v1 =	vadd.f32 v8, v6;
	v2 =	vld [tilespmem:s16+$0xC4A0]  }
0x14e: {  	v6 =	vld [tilespmem:s16+$0xE4A0]  }
0x14f: {  	v0 =	vmul.f32 $2.500000000e-01, v0;
	v3 =	vadd.f32 v4, v3;
	v4 =	vld [tilespmem:s16+$0x84B0]  }
0x150: {  	v8 =	vld [tilespmem:s16+$0xA4B0]  }
0x151: {  	[tilespmem:s16+$0x12480] =	vst v0;
	v0 =	vadd.f32 v3, v1;
	v1 =	vadd.f32 v7, v5;
	v3 =	vld [tilespmem:s16+$0xC4B0]  }
0x152: {  	v5 =	vld [tilespmem:s16+$0xE4B0]  }
0x153: {  	v0 =	vmul.f32 $2.500000000e-01, v0;
	v2 =	vadd.f32 v6, v2;
	v6 =	vld [tilespmem:s16+$0x84C0]  }
0x154: {  	v7 =	vld [tilespmem:s16+$0xA4C0]  }
0x155: {  	[tilespmem:s16+$0x12490] =	vst v0;
	v0 =	vadd.f32 v2, v1;
	v1 =	vadd.f32 v8, v4;
	v4 =	vld [tilespmem:s16+$0xC4C0]  }
0x156: {  	v8 =	vld [tilespmem:s16+$0xE4C0]  }
0x157: {  	v0 =	vmul.f32 $2.500000000e-01, v0;
	v2 =	vadd.f32 v5, v3;
	v5 =	vld [tilespmem:s16+$0x84D0]  }
0x158: {  	v9 =	vld [tilespmem:s16+$0xA4D0]  }
.Ltmp1:
0x159: {  	[tilespmem:s16+$0x124A0] =	vst v0;
	v1 =	vadd.f32 v2, v1;
	v6 =	vadd.f32 v7, v6;
	v0 =	vld [tilespmem:s16+$0xC4D0];
	(pc) =	sbr.rel @p0 .LBB2_5-.Ltmp1, $4  }
0x15a: {  	v2 =	vld [tilespmem:s16+$0xE4D0]  }
0x15b: {  	v7 =	vmul.f32 $2.500000000e-01, v1;
	v4 =	vadd.f32 v8, v4;
	v1 =	vld [tilespmem:s16+$0x84E0]  }
0x15c: {  	v3 =	vld [tilespmem:s16+$0xA4E0]  }
0x15d: {  	s11 =	sadd.s32 $0x400, s11;
	[tilespmem:s16+$0x124B0] =	vst v7;
	v6 =	vadd.f32 v4, v6;
	v5 =	vadd.f32 v9, v5;
	v4 =	vld [tilespmem:s16+$0xC4E0]  }
0x15e: {  	v7 =	vld [tilespmem:s16+$0xE4E0];
	_ =	sdelay $0x3  }
0x15f: {  	v0 =	vadd.f32 v2, v0  }
0x160: {  	v1 =	vadd.f32 v3, v1;
	v62 =	vadd.f32 v7, v4  }
0x161: {  	s15 =	sadd.s32 $0x1, s15;
	v0 =	vadd.f32 v0, v5  }
0x162: {  	v63 =	vmul.f32 $2.500000000e-01, v6;
	p0 =	sne.s32 s15, $0x64;
	v1 =	vadd.f32 v62, v1  }
.Ltmp2:
0x163: {  	v0 =	vmul.f32 $2.500000000e-01, v0;
	(pc) =	sbr.rel @p0 .LBB2_2-.Ltmp2, $4  }
0x164: {  	s6 =	sadd.s32 s6, s14;
	[tilespmem:s16+$0x124C0] =	vst v63;
	v1 =	vmul.f32 $2.500000000e-01, v1  }
0x165: {  	s6 =	sshrl.u32 s6, $0x3;
	[tilespmem:s16+$0x124D0] =	vst v0  }
0x166: {  	s6 =	sadd.s32 s2, s6;
	[tilespmem:s16+$0x124E0] =	vst v1  }
0x167: {  	[hbm4b:s6+s3] =	stream.linear.scatter [tilespmem:s21], [sflag:$0x6], $0x2000, $0x38;
	[tilespmem:$0x14400] =	vst v63  }
0x168: {  	s6 =	simm.s32 $0x5  }
0x169: {  	_ =	swait.ge [sflag:s6], $0x2000  }
0x16a: {  	[sflag:s6] =	ssyncset.done $0x0  }
0x16b: {  	[sflag:s6] =	ssyncadd.s32 $0xFFFFE000  }
0x16c: {  	_ =	swait.ge [sflag:s23], $0x2000  }
0x16d: {  	s11 =	rddreg [dreg:$0x6]  }
0x16e: {  	s28 =	rddreg [dreg:$0x5];
	s11 =	sadd.s32 $0x1, s11  }
0x16f: {  	p0 =	sne.s32 s11, s28  }
.Ltmp3:
0x170: {  	_ = 	snop;
	(pc) =	sbr.rel @p0 .LBB2_1-.Ltmp3, $3  }
0x171: {  	_ =	sdelay $0x1  }
0x172: {  	[sflag:s23] =	ssyncset.done $0x0  }
0x173: {  	[sflag:s23] =	ssyncadd.s32 $0xFFFFE000  }
0x174: {  	_ =	sfence.sel $0x180000  }
0x175: {  	[bflag:$0x0] =	sbarrier.arrive $0xFFFF  }
0x176: {  	_ =	strace $0x90000047  }
0x177: {  	s0 =	stileid.u32;
	[bflag:$0x2] =	sbarrier.arrive $0xFFFF  }
0x178: {  	p0 =	sne.s32 s0, $0x0;
	s0 =	rddreg [dreg:$0x2]  }
0x179: {  	s0 =	sadd.s32 @!p0 $0x100000, s0  }
0x17a: {  	[sflag:s0] =	ssyncadd.tile.s32 @!p0 $0x1;
	_ =	shalt  }
.Lfunc_end2:
_tile_overlayer_lowered:
.L_overlay_start_2:
0x17b: {  	(tag) =	ssettag $0x2  }
0x17c: {  	s0 =	rddreg [dreg:$0x0];
	s2 =	stileid.u32  }
0x17d: {  	s1 =	rddreg [dreg:$0x1];
	p0 =	sne.s32 s2, $0x0  }
0x17e: {  	s3 =	rddreg [dreg:$0x2];
	[bflag:$0x3] =	sbarrier.arrive $0xFFFF;
	s2 =	simm.s32 @!p0 $0x1C07  }
0x17f: {  	[timem:s3], [sflag:s2] =	dma.local @!p0 [hbm:s0], s1  }
0x180: {  	s0 =	simm.s32 @!p0 $0x7  }
0x181: {  	_ =	swait.ge @!p0 [sflag:s0], s1  }
0x182: {  	s1 =	ssub.s32 @!p0 $0x0, s1;
	[sflag:s0] =	ssyncset.done @!p0 $0x0  }
0x183: {  	[sflag:s0] =	ssyncadd.s32 @!p0 s1  }
0x184: {  	[bflag:$0x3] =	sbarrier.arrive $0xFFFF  }
0x185: {  	_ =	shalt  }

// kernel: sparse-core-data-format-call.cloned.1.call-start
scs
called_computation_lowered:
.L_overlay_start_0:
0x0: {  	s2 =	sld [smem:$0x3FD9]  }
0x1: {  	s3 =	sld [smem:$0x3FFE];
	_ =	sdelay $0x1  }
0x2: {  	s1 =	srdreg.scid  }
0x3: {  	s0 =	sand.u32 $0x1, s1  }
0x4: {  	s18 =	sshll.u32 s0, $0xA;
	s2 =	sadd.s32 s3, s2  }
0x5: {  	s2 =	sadd.s32 s2, s18  }
0x6: {  	[smem:$0x3FC6] =	sst s2  }
0x7: {  	_ = 	snop  }
0x8: {  	s2 =	sld [smem:$0x3FD0];
	(tm) =	ssettm $0x1  }
0x9: {  	s19 =	sld [smem:$0x3FFB];
	_ =	sdelay $0x3  }
0xa: {  	_ =	strace s19  }
0xb: {  	s3 =	sld [smem:$0x3FFC];
	_ =	sdelay $0x3  }
0xc: {  	_ =	strace s3  }
0xd: {  	s3 =	sld [smem:$0x3FFD];
	_ =	sdelay $0x3  }
0xe: {  	_ =	strace s3  }
0xf: {  	_ =	strace $0x8FFFFFFF  }
0x10: {  	s20 =	sld [smem:$0x3FDB];
	_ =	sdelay $0x1  }
0x11: {  	s4 =	simm.s32 $_scs_section_size  }
0x12: {  	s5 =	simm.s32 $_size__tile_overlayer_lowered;
	s6 =	simm.s32 $_tile_overlayer_lowered  }
0x13: {  	s23 =	simm.s32 $0x1BFF;
	s22 =	sshll.u32 s6, $0x1;
	s3 =	sadd.s32 s4, s20  }
0x14: {  	s7 =	simm.s32 $0x0;
	s21 =	sshll.u32 s5, $0x1;
	s5 =	sadd.s32 s22, s3  }
0x15: {  	[timem:s7], [sflag:s23] =	dma.local [hbm:s5], s21  }
0x16: {  	_ =	swait.ge [sflag:s23], s21  }
0x17: {  	s4 =	ssub.s32 $0x0, s21;
	[sflag:s23] =	ssyncset.done $0x0  }
0x18: {  	[sflag:s23] =	ssyncadd.s32 s4;
	_ =	sdelay $0x1  }
0x19: {  	s24 =	simm.s32 $0x1B8B  }
0x1a: {  	_ =	swait.ge [sflag:s24], $0x1  }
0x1b: {  	[sflag:s24] =	ssyncset.done $0x0  }
0x1c: {  	s26 =	simm.s32 $0x1B8E;
	s25 =	sld [smem:$0x3FFE];
	[sflag:s24] =	ssyncadd.s32 $0xFFFFFFFF  }
0x1d: {  	s27 =	simm.s32 $execute0_lowered;
	[smem:$0x3FD2] =	sst s26  }
0x1e: {  	s5 =	sshll.u32 s27, $0x1;
	_ =	strace $0x80000049;
	[dreg:$0x1] =	wrdreg $0xFFFFFFFF  }
0x1f: {  	s28 =	simm.s32 $_size_execute0_lowered;
	s3 =	sadd.s32 s3, s5;
	[dreg:$0x0] =	wrdreg $0x0  }
0x20: {  	s5 =	sshll.u32 s28, $0x1;
	[dreg:$0x2] =	wrdreg s3  }
0x21: {  	[dreg:$0x3] =	wrdreg s5  }
0x22: {  	[dreg:$0x4] =	wrdreg $0xC0  }
0x23: {  	_ =	task [dreg:s7], $0x5FFFF  }
0x24: {  	[dreg:$0x1] =	wrdreg $0xFFFFFFFF  }
0x25: {  	[dreg:$0x0] =	wrdreg $0x60  }
0x26: {  	[dreg:$0x2] =	wrdreg s25  }
0x27: {  	[dreg:$0x3] =	wrdreg s2  }
0x28: {  	[dreg:$0x4] =	wrdreg $0x9  }
0x29: {  	_ =	task.clear_ibuf [dreg:s7], $0x5FFFF;
	_ =	strace $0x90000049  }
0x2a: {  	s29 =	simm.s32 $0x9;
	_ =	strace $0x8000004B  }
0x2b: {  	_ =	swait.ge [sflag:s29], $0x1  }
0x2c: {  	[sflag:s29] =	ssyncadd.s32 $0xFFFFFFFF  }
0x2d: {  	_ =	strace $0x9000004B  }
0x2e: {  	_ =	sfence  }
0x2f: {  	s30 =	sld [smem:$0x0];
	_ =	sdelay $0x2  }
0x30: {  	s31 =	sshll.u32 s1, $0xD;
	s1 =	sshrl.u32 s1, $0x2  }
0x31: {  	s3 =	sand.u32 $0x4000, s31;
	s1 =	sadd.s32 s1, s30  }
0x32: {  	s0 =	sor.u32 s3, s0;
	s1 =	sshll.u32 s1, $0x11  }
0x33: {  	s0 =	sor.u32 s1, s0  }
0x34: {  	s0 =	sadd.s32 $0x8F2B, s0  }
0x35: {  	[sflag:s0] =	ssyncadd.remote.s32 $0x1  }
0x36: {  	_ =	sfence.sel $0xFFFF  }
0x37: {  	[dreg:$0x0] =	wrdreg $0xFFFFFFFF;
	(pc) =	sbr.abs _section_cstart, $3  }
0x38: {  	[dreg:$0x1] =	wrdreg $0xFFFFFFFF  }
0x39: {  	_ =	task.clear_ibuf [dreg:s7], $0x2FFFF;
	_ =	strace $0x9FFFFFFF  }
0x3a: {  	(tm) =	ssettm $0x7FFFFFFF  }
0x3b: {  	_ =	shalt  }
tec
execute0_lowered:
.L_overlay_start_1:
0x0: {  	(tag) =	ssettag $0x1  }
0x1: {  	s0 =	srdreg.scid  }
0x2: {  	s1 =	sshll.u32 s0, $0x4  }
0x3: {  	s0 =	stileid.u32;
	s1 =	sand.u32 $0x10, s1  }
0x4: {  	s1 =	sor.u32 s0, s1  }
0x5: {  	s6 =	rddreg [dreg:$0x0];
	s4 =	simm.s32 $0x1;
	s2 =	sshll.u32 s1, $0x7  }
0x6: {  	s7 =	simm.s32 $0x2;
	s12 =	simm.s32 $0x0;
	s1 =	ssub.s32 $0x1000, s2  }
0x7: {  	s8 =	simm.s32 $0x8000;
	s13 =	simm.s32 $0x0;
	s3 =	sand.u32 $0xF80, s1  }
0x8: {  	s9 =	simm.s32 $0x0;
	s5 =	sshrl.u32 s1, $0xC;
	p0 =	sne.s32 s3, $0x0  }
.Ltmp0:
0x9: {  	s1 =	rddreg [dreg:$0x2];
	s4 =	simm.s32 @!p0 $0x0;
	(pc) =	sbr.rel .LBB1_1-.Ltmp0, $4  }
0xa: {  	s11 =	simm.s32 $0x0;
	s3 =	rddreg [dreg:$0x1];
	s5 =	sadd.s32 s4, s5  }
0xb: {  	_ =	strace $0x8000004A;
	s4 =	simm.s32 $0x1;
	s5 =	smul.u32 $0xC8, s5  }
0xc: {  	s6 =	sadd.s32 $0x1000, s6;
	s10 =	smov.u32 s2;
	[sflag:s4] =	ssyncpa.u1 $0x0  }
0xd: {  	p0 =	por $0x0, $0x0;
	[sflag:s7] =	ssyncpa.u1 $0x0;
	s7 =	sor.u32 $0x1, s5  }
.LBB1_4:
0xe: {  	s16 =	sshll.u32 s13, $0x3;
	s17 =	sand.u32 $0x78, s13  }
0xf: {  	s30 =	sand.u32 $0x7E00, s13;
	s12 =	sshll.u32 s12, $0xF;
	s16 =	sand.u32 $0xC00, s16  }
0x10: {  	[tilespmem:s15+$0x810 ss:$0x81] =	vst.msk $0xffff, v2;
	s31 =	sand.u32 $0x7, s13;
	s16 =	sor.u32 s17, s16;
	s17 =	sadd.s32 s3, s30  }
0x11: {  	[tilespmem:s15+$0x1020 ss:$0x81] =	vst.msk $0xffff, v0;
	s13 =	sshll.u32 s31, $0x12;
	s12 =	sadd.s32 s12, s17;
	s16 =	sshrl.u32 s16, $0x3  }
0x12: {  	[tilespmem:s15+$0x0 ss:$0x81] =	vst.msk $0xffff, v1;
	s13 =	sor.u32 $0x400, s13;
	s12 =	sadd.s32 s16, s12  }
0x13: {  	[hbm4b:s12+s13] =	stream.strided.scatter [tilespmem:s14], [sflag:$0x2], $0x2000, s8, s13, $0x20;
	[tilespmem:$0x8080] =	vst v63  }
.LBB1_5:
0x14: {  	s14 =	sadd.s32 $0x1, s9  }
0x15: {  	s12 =	sadd.s32 $0x1000, s10;
	s16 =	smov.u32 s10;
	p2 =	sgt.s32 s14, $0xC7  }
0x16: {  	s16 =	smov.u32 @p2 s12  }
0x17: {  	s14 =	simm.s32 @p2 $0x0;
	p2 =	sgt.s32 s16, $0xFFF  }
0x18: {  	s16 =	smov.u32 @p2 s2;
	p2 =	sne.s32 s11, s7  }
.Ltmp1:
0x19: {  	p1 =	slt.u32 s11, $0x2;
	(pc) =	sbr.rel @!p2 .LBB1_6-.Ltmp1, $4  }
0x1a: {  	s15 =	simm.s32 @!p1 $0x2  }
0x1b: {  	s13 =	smov.u32 s10;
	p0 =	por !p0, !p0;
	_ =	swait.ge @!p1 [sflag:s15], $0x2000  }
0x1c: {  	s12 =	smov.u32 s9;
	[sflag:s15] =	ssyncset.done @!p1 $0x0;
	s9 =	smov.u32 s14  }
0x1d: {  	s11 =	sadd.s32 $0x1, s11;
	[sflag:s15] =	ssyncadd.s32 @!p1 $0xFFFFE000;
	s10 =	smov.u32 s16  }
.LBB1_1:
0x1e: {  	p1 =	sge.u32 s11, s5  }
0x1f: {  	s14 =	sand.u32 @!p1 $0x1FFFFFF, s9  }
0x20: {  	s15 =	smulhi.u32 @!p1 $0x147AE15, s14;
	_ =	sdelay $0x1  }
0x21: {  	s15 =	smul.u32 @!p1 $0xC8, s15  }
0x22: {  	s16 =	sxor.u32 @!p1 $0xFFFFFFFF, s11;
	s17 =	smul.u32 @!p1 $0xC80, s10  }
0x23: {  	s31 =	sadd.s32 $0xFFFFFFFF, s11;
	s16 =	sshll.u32 @!p1 s16, $0xD;
	s14 =	ssub.s32 @!p1 s14, s15  }
0x24: {  	s15 =	sand.u32 @!p1 $0x2000, s16;
	s16 =	sadd.s32 @!p1 s6, s17;
	s14 =	sshll.u32 @!p1 s14, $0x4  }
0x25: {  	s17 =	simm.s32 @!p1 $0x6400;
	s14 =	sadd.s32 @!p1 s14, s16;
	s16 =	simm.s32 @!p1 $0x40  }
0x26: {  	[tilespmem:s15], [sflag:$0x1] =	stream.strided.gather @!p1 [hbm4b:s14+s16], $0x2000, s17, s16, $0x38;
	[tilespmem:$0x8080] =	vst v63  }
0x27: {  	p1 =	sge.u32 s31, s5  }
.Ltmp2:
0x28: {  	_ = 	snop;
	(pc) =	sbr.rel @p1 .LBB1_5-.Ltmp2, $1  }
0x29: {  	_ =	sdelay $0x3  }
0x2a: {  	s14 =	simm.s32 $0x1  }
0x2b: {  	_ =	swait.ge [sflag:s4], $0x2000;
	s14 =	simm.s32 @!p0 $0x0  }
0x2c: {  	[sflag:s4] =	ssyncset.done $0x0;
	s15 =	sshll.u32 s14, $0xD  }
0x2d: {  	[sflag:s4] =	ssyncadd.s32 $0xFFFFE000;
	s18 =	sor.u32 $0x20, s15  }
0x2e: {  	s14 =	smul.u32 $0x8100, s14;
	v3 =	vld [tilespmem:s18+$0x10]  }
0x2f: {  	s30 =	sand.u32 $0x1, s11;
	v2 =	vld [tilespmem:s18+$0xFFFFFFF0]  }
0x30: {  	s15 =	smul.u32 $0x8100, s30;
	s14 =	sshrl.u32 s14, $0x2;
	v0 =	vld [tilespmem:s18+$0x0]  }
0x31: {  	v1 =	vld [tilespmem:s18+$0xFFFFFFE0];
	s16 =	sor.u32 $0x4000, s14  }
0x32: {  	s31 =	sshrl.u32 s15, $0x2;
	s15 =	sadd.s32 $0x0, s16  }
0x33: {  	s17 =	simm.s32 $0x4;
	s18 =	sadd.s32 $0x40, s18;
	s14 =	sor.u32 $0x4000, s31;
	[tilespmem:s15+$0x1830 ss:$0x81] =	vst.msk $0xffff, v3  }
.LBB1_3:
0x34: {  	v3 =	vld [tilespmem:s18+$0x10];
	p1 =	sne.s32 s17, $0x1FC;
	[tilespmem:s15+$0x810 ss:$0x81] =	vst.msk $0xffff, v2;
	s19 =	smov.u32 s17;
	s17 =	sadd.s32 $0x4, s17  }
.Ltmp3:
0x35: {  	v2 =	vld [tilespmem:s18+$0xFFFFFFF0];
	[tilespmem:s15+$0x1020 ss:$0x81] =	vst.msk $0xffff, v0;
	(pc) =	sbr.rel @p1 .LBB1_3-.Ltmp3, $4  }
0x36: {  	v0 =	vld [tilespmem:s18+$0x0];
	[tilespmem:s15+$0x0 ss:$0x81] =	vst.msk $0xffff, v1  }
0x37: {  	s15 =	sshra.s32 s19, $0x2;
	v1 =	vld [tilespmem:s18+$0xFFFFFFE0]  }
0x38: {  	s15 =	sadd.s32 s15, s16  }
0x39: {  	s18 =	sadd.s32 $0x40, s18;
	[tilespmem:s15+$0x1830 ss:$0x81] =	vst.msk $0xffff, v3  }
.Ltmp4:
0x3a: {  	_ = 	snop;
	(pc) =	sbr.rel .LBB1_4-.Ltmp4, $1  }
0x3b: {  	_ =	sdelay $0x3  }
.LBB1_6:
0x3c: {  	_ =	sfence.sel $0x180000  }
0x3d: {  	s2 =	simm.s32 $0x1;
	[bflag:$0x0] =	sbarrier.arrive $0xFFFF  }
0x3e: {  	s31 =	simm.s32 $0x2;
	[sflag:s2] =	ssyncpa.u1 $0x1  }
0x3f: {  	[sflag:s31] =	ssyncpa.u1 $0x1  }
0x40: {  	p0 =	sne.s32 s0, $0x0;
	_ =	strace $0x9000004A  }
0x41: {  	s0 =	sadd.s32 @!p0 $0x100000, s1;
	[bflag:$0x2] =	sbarrier.arrive $0xFFFF  }
0x42: {  	[sflag:s0] =	ssyncadd.tile.s32 @!p0 $0x1;
	_ =	shalt  }
.Lfunc_end1:
_tile_overlayer_lowered:
.L_overlay_start_2:
0x43: {  	(tag) =	ssettag $0x2  }
0x44: {  	s0 =	rddreg [dreg:$0x0];
	s2 =	stileid.u32  }
0x45: {  	s1 =	rddreg [dreg:$0x1];
	p0 =	sne.s32 s2, $0x0  }
0x46: {  	s3 =	rddreg [dreg:$0x2];
	[bflag:$0x3] =	sbarrier.arrive $0xFFFF;
	s2 =	simm.s32 @!p0 $0x1C01  }
0x47: {  	[timem:s3], [sflag:s2] =	dma.local @!p0 [hbm:s0], s1  }
0x48: {  	s0 =	simm.s32 @!p0 $0x1  }
0x49: {  	_ =	swait.ge @!p0 [sflag:s0], s1  }
0x4a: {  	s1 =	ssub.s32 @!p0 $0x0, s1;
	[sflag:s0] =	ssyncset.done @!p0 $0x0  }
0x4b: {  	[sflag:s0] =	ssyncadd.s32 @!p0 s1  }
0x4c: {  	[bflag:$0x3] =	sbarrier.arrive $0xFFFF  }
0x4d: {  	_ =	shalt  }

</sc_bundles>
